<compile_context>
chip_gen: v7x
topology: tpu7x:2x2x1
jax: 0.10.2.dev20260603
libtpu: 0.0.44.dev20260713+nightly
codegen_flags: <defaults>
</compile_context>

<pallas_src>
import functools
import jax
import jax.numpy as jnp
from jax import lax
from jax.experimental import pallas as pl
from jax.experimental.pallas import tpu as pltpu
from jax.experimental.pallas import tpu_sc as plsc

N, S, K = 4096, 200, 100
J = N * S
NW = 32
JW = J // NW
CB = 512
NSUB = JW // CB


def _scatter16(loc_ref, ids_v, sub, vals16):
    iota16 = lax.broadcasted_iota(jnp.int32, (16,), 0)
    zero16i = jnp.zeros((16,), jnp.int32)
    for g in range(CB // 16):
        ids16 = ids_v[pl.ds(sub * CB + g * 16, 16)]
        col16 = iota16 + (g * 16)
        plsc.store_scatter(loc_ref, [ids16, zero16i, col16], vals16)


def _sc_body(x_hbm, z_hbm, out_hbm, ids_v, loc, sem0, sem1):
    wid = lax.axis_index("s") * 2 + lax.axis_index("c")
    j0 = wid * JW

    pltpu.sync_copy(x_hbm.at[pl.ds(j0, JW)], ids_v)
    pltpu.sync_copy(z_hbm, loc.at[0])
    pltpu.sync_copy(z_hbm, loc.at[1])

    ones16 = jnp.ones((16,), jnp.float32)
    zeros16 = jnp.zeros((16,), jnp.float32)
    sems = (sem0, sem1)

    def step(t, carry):
        for phase in (0, 1):
            sub = 2 * t + phase

            @pl.when(t >= 1)
            def _recycle():
                pltpu.make_async_copy(
                    loc.at[phase],
                    out_hbm.at[:, pl.ds(wid, 1), pl.ds((sub - 2) * CB, CB)],
                    sems[phase],
                ).wait()
                _scatter16(loc.at[phase], ids_v, sub - 2, zeros16)

            _scatter16(loc.at[phase], ids_v, sub, ones16)
            pltpu.make_async_copy(
                loc.at[phase],
                out_hbm.at[:, pl.ds(wid, 1), pl.ds(sub * CB, CB)],
                sems[phase],
            ).start()
        return carry

    lax.fori_loop(0, NSUB // 2, step, 0)

    for phase in (0, 1):
        pltpu.make_async_copy(
            loc.at[phase],
            out_hbm.at[:, pl.ds(wid, 1), pl.ds((NSUB - 2 + phase) * CB, CB)],
            sems[phase],
        ).wait()


_sc_onehot = functools.partial(
    pl.kernel,
    out_type=jax.ShapeDtypeStruct((K, NW, JW), jnp.float32),
    mesh=plsc.VectorSubcoreMesh(core_axis_name="c", subcore_axis_name="s"),
    scratch_types=[
        pltpu.VMEM((JW,), jnp.int32),
        pltpu.VMEM((2, K, 1, CB), jnp.float32),
        pltpu.SemaphoreType.DMA,
        pltpu.SemaphoreType.DMA,
    ],
    compiler_params=pltpu.CompilerParams(needs_layout_passes=False),
)(_sc_body)


def kernel(inputs):
    x_flat = inputs.T.reshape(J)
    zeros = jnp.zeros((K, 1, CB), jnp.float32)
    out3 = _sc_onehot(x_flat, zeros)
    return jnp.transpose(out3.reshape(K, S, N), (2, 1, 0))

# --- scband reference (transcript-rebuilt; emitter-appended) ---
"""Pipeline reference for scband-one-hot-72911364817274 (READ-ONLY COPY).

The authoritative reference and input builder live on the scoring server;
editing this copy changes nothing except your own understanding.
"""

import jax, jax.numpy as jnp
import numpy as np

MAX_ATOMIC_NUMBER = 100

def setup_inputs(seed: int = 0) -> dict:
    key = jax.random.key(seed)
    inputs = jax.random.randint(key, (4096, 200), 0, MAX_ATOMIC_NUMBER, dtype=jnp.int32)
    return {"inputs": inputs}

def reference(inputs) -> jnp.ndarray:
    # Faithful translation of tf.one_hot(atomic_numbers, max_atomic_number)
    # tf.one_hot defaults: on_value=1.0, off_value=0.0, dtype=float32
    return jax.nn.one_hot(inputs, MAX_ATOMIC_NUMBER, dtype=jnp.float32)

if __name__ == "__main__":
    import jax
    _d = setup_inputs()
    print(jax.jit(kernel)(*tuple(_d.values())))

</pallas_src>

<mosaic_0001>
#map = affine_map<(d0, d1) -> (0)>
#map1 = affine_map<(d0, d1) -> (0, 0, 0)>
module attributes {stable_mosaic.version = 14 : i64} {
  func.func @_sc_body(%arg0: i32, %arg1: i32, %arg2: memref<819200xi32, #tpu.memory_space<hbm>>, %arg3: memref<100x1x512xf32, #tpu.memory_space<hbm>>, %arg4: memref<100x32x25600xf32, #tpu.memory_space<hbm>>, %arg5: memref<25600xi32, #tpu.memory_space<vmem>>, %arg6: memref<2x100x1x512xf32, #tpu.memory_space<vmem>>, %arg7: memref<!tpu.dma_semaphore, #tpu.memory_space<semaphore_mem>>, %arg8: memref<!tpu.dma_semaphore, #tpu.memory_space<semaphore_mem>>) attributes {dimension_semantics = [#tpu.dimension_semantics<core_parallel>, #tpu.dimension_semantics<subcore_parallel>], iteration_bounds = array<i64: 2, 16>, scalar_prefetch = 0 : i64, scratch_operands = 4 : i64, tpu.core_type = #tpu.core_type<sc_vector_subcore>, window_params = [{transform_indices = #map}, {transform_indices = #map1}, {transform_indices = #map1}]} {
    %mul3A = arith.constant 2 : i32
    %mul3A_0 = arith.muli %arg1, %mul3A : i32
    %add3A = arith.addi %mul3A_0, %arg0 : i32
    %mul3A_1 = arith.constant 25600 : i32
    %mul3A_2 = arith.muli %add3A, %mul3A_1 : i32
    "tpu.region"() ({
      %run_scoped3A_45 = tpu.sem_alloc : memref<!tpu.dma_semaphore, #tpu.memory_space<semaphore_mem>>
      %dma_start3A = tpu.memref_slice %arg2[%mul3A_2] : memref<819200xi32, #tpu.memory_space<hbm>> -> memref<25600xi32, #tpu.memory_space<hbm>>
      %dma_start3A_46 = tpu.memref_slice %arg2[%mul3A_2] : memref<819200xi32, #tpu.memory_space<hbm>> -> memref<25600xi32, #tpu.memory_space<hbm>>
      tpu.enqueue_dma source(%dma_start3A_46 : memref<25600xi32, #tpu.memory_space<hbm>>) target(%arg5 : memref<25600xi32, #tpu.memory_space<vmem>>) target_semaphore(%run_scoped3A_45 : memref<!tpu.dma_semaphore, #tpu.memory_space<semaphore_mem>>)
      %dma_wait3A_47 = tpu.memref_slice %arg2[%mul3A_2] : memref<819200xi32, #tpu.memory_space<hbm>> -> memref<25600xi32, #tpu.memory_space<hbm>>
      %dma_wait3A_48 = tpu.memref_slice %arg2[%mul3A_2] : memref<819200xi32, #tpu.memory_space<hbm>> -> memref<25600xi32, #tpu.memory_space<hbm>>
      tpu.wait_dma2 semaphore(%run_scoped3A_45 : memref<!tpu.dma_semaphore, #tpu.memory_space<semaphore_mem>>) src(%dma_wait3A_48 : memref<25600xi32, #tpu.memory_space<hbm>>) dst(%arg5 : memref<25600xi32, #tpu.memory_space<vmem>>)
      tpu.yield
    }) : () -> ()
    %run_scoped3A = arith.constant 0 : i32
    "tpu.region"() ({
      %run_scoped3A_45 = tpu.sem_alloc : memref<!tpu.dma_semaphore, #tpu.memory_space<semaphore_mem>>
      %dma_start3A = arith.constant 0 : i32
      %dma_start3A_46 = arith.constant 0 : i32
      %dma_start3A_47 = arith.constant 0 : i32
      %dma_start3A_48 = tpu.memref_slice %arg6[%run_scoped3A, %dma_start3A, %dma_start3A_46, %dma_start3A_47] : memref<2x100x1x512xf32, #tpu.memory_space<vmem>> -> memref<1x100x1x512xf32, #tpu.memory_space<vmem>>
      %dma_start3A_49 = tpu.memref_squeeze %dma_start3A_48 : memref<1x100x1x512xf32, #tpu.memory_space<vmem>> -> memref<100x1x512xf32, #tpu.memory_space<vmem>>
      %dma_start3A_50 = arith.constant 0 : i32
      %dma_start3A_51 = arith.constant 0 : i32
      %dma_start3A_52 = arith.constant 0 : i32
      %dma_start3A_53 = tpu.memref_slice %arg6[%run_scoped3A, %dma_start3A_50, %dma_start3A_51, %dma_start3A_52] : memref<2x100x1x512xf32, #tpu.memory_space<vmem>> -> memref<1x100x1x512xf32, #tpu.memory_space<vmem>>
      %dma_start3A_54 = tpu.memref_squeeze %dma_start3A_53 : memref<1x100x1x512xf32, #tpu.memory_space<vmem>> -> memref<100x1x512xf32, #tpu.memory_space<vmem>>
      tpu.enqueue_dma source(%arg3 : memref<100x1x512xf32, #tpu.memory_space<hbm>>) target(%dma_start3A_54 : memref<100x1x512xf32, #tpu.memory_space<vmem>>) target_semaphore(%run_scoped3A_45 : memref<!tpu.dma_semaphore, #tpu.memory_space<semaphore_mem>>)
      %dma_wait3A_55 = arith.constant 0 : i32
      %dma_wait3A_56 = arith.constant 0 : i32
      %dma_wait3A_57 = arith.constant 0 : i32
      %dma_wait3A_58 = tpu.memref_slice %arg6[%run_scoped3A, %dma_wait3A_55, %dma_wait3A_56, %dma_wait3A_57] : memref<2x100x1x512xf32, #tpu.memory_space<vmem>> -> memref<1x100x1x512xf32, #tpu.memory_space<vmem>>
      %dma_wait3A_59 = tpu.memref_squeeze %dma_wait3A_58 : memref<1x100x1x512xf32, #tpu.memory_space<vmem>> -> memref<100x1x512xf32, #tpu.memory_space<vmem>>
      %dma_wait3A_60 = arith.constant 0 : i32
      %dma_wait3A_61 = arith.constant 0 : i32
      %dma_wait3A_62 = arith.constant 0 : i32
      %dma_wait3A_63 = tpu.memref_slice %arg6[%run_scoped3A, %dma_wait3A_60, %dma_wait3A_61, %dma_wait3A_62] : memref<2x100x1x512xf32, #tpu.memory_space<vmem>> -> memref<1x100x1x512xf32, #tpu.memory_space<vmem>>
      %dma_wait3A_64 = tpu.memref_squeeze %dma_wait3A_63 : memref<1x100x1x512xf32, #tpu.memory_space<vmem>> -> memref<100x1x512xf32, #tpu.memory_space<vmem>>
      tpu.wait_dma2 semaphore(%run_scoped3A_45 : memref<!tpu.dma_semaphore, #tpu.memory_space<semaphore_mem>>) src(%arg3 : memref<100x1x512xf32, #tpu.memory_space<hbm>>) dst(%dma_wait3A_64 : memref<100x1x512xf32, #tpu.memory_space<vmem>>)
      tpu.yield
    }) : () -> ()
    %run_scoped3A_3 = arith.constant 1 : i32
    "tpu.region"() ({
      %run_scoped3A_45 = tpu.sem_alloc : memref<!tpu.dma_semaphore, #tpu.memory_space<semaphore_mem>>
      %dma_start3A = arith.constant 0 : i32
      %dma_start3A_46 = arith.constant 0 : i32
      %dma_start3A_47 = arith.constant 0 : i32
      %dma_start3A_48 = tpu.memref_slice %arg6[%run_scoped3A_3, %dma_start3A, %dma_start3A_46, %dma_start3A_47] : memref<2x100x1x512xf32, #tpu.memory_space<vmem>> -> memref<1x100x1x512xf32, #tpu.memory_space<vmem>>
      %dma_start3A_49 = tpu.memref_squeeze %dma_start3A_48 : memref<1x100x1x512xf32, #tpu.memory_space<vmem>> -> memref<100x1x512xf32, #tpu.memory_space<vmem>>
      %dma_start3A_50 = arith.constant 0 : i32
      %dma_start3A_51 = arith.constant 0 : i32
      %dma_start3A_52 = arith.constant 0 : i32
      %dma_start3A_53 = tpu.memref_slice %arg6[%run_scoped3A_3, %dma_start3A_50, %dma_start3A_51, %dma_start3A_52] : memref<2x100x1x512xf32, #tpu.memory_space<vmem>> -> memref<1x100x1x512xf32, #tpu.memory_space<vmem>>
      %dma_start3A_54 = tpu.memref_squeeze %dma_start3A_53 : memref<1x100x1x512xf32, #tpu.memory_space<vmem>> -> memref<100x1x512xf32, #tpu.memory_space<vmem>>
      tpu.enqueue_dma source(%arg3 : memref<100x1x512xf32, #tpu.memory_space<hbm>>) target(%dma_start3A_54 : memref<100x1x512xf32, #tpu.memory_space<vmem>>) target_semaphore(%run_scoped3A_45 : memref<!tpu.dma_semaphore, #tpu.memory_space<semaphore_mem>>)
      %dma_wait3A_55 = arith.constant 0 : i32
      %dma_wait3A_56 = arith.constant 0 : i32
      %dma_wait3A_57 = arith.constant 0 : i32
      %dma_wait3A_58 = tpu.memref_slice %arg6[%run_scoped3A_3, %dma_wait3A_55, %dma_wait3A_56, %dma_wait3A_57] : memref<2x100x1x512xf32, #tpu.memory_space<vmem>> -> memref<1x100x1x512xf32, #tpu.memory_space<vmem>>
      %dma_wait3A_59 = tpu.memref_squeeze %dma_wait3A_58 : memref<1x100x1x512xf32, #tpu.memory_space<vmem>> -> memref<100x1x512xf32, #tpu.memory_space<vmem>>
      %dma_wait3A_60 = arith.constant 0 : i32
      %dma_wait3A_61 = arith.constant 0 : i32
      %dma_wait3A_62 = arith.constant 0 : i32
      %dma_wait3A_63 = tpu.memref_slice %arg6[%run_scoped3A_3, %dma_wait3A_60, %dma_wait3A_61, %dma_wait3A_62] : memref<2x100x1x512xf32, #tpu.memory_space<vmem>> -> memref<1x100x1x512xf32, #tpu.memory_space<vmem>>
      %dma_wait3A_64 = tpu.memref_squeeze %dma_wait3A_63 : memref<1x100x1x512xf32, #tpu.memory_space<vmem>> -> memref<100x1x512xf32, #tpu.memory_space<vmem>>
      tpu.wait_dma2 semaphore(%run_scoped3A_45 : memref<!tpu.dma_semaphore, #tpu.memory_space<semaphore_mem>>) src(%arg3 : memref<100x1x512xf32, #tpu.memory_space<hbm>>) dst(%dma_wait3A_64 : memref<100x1x512xf32, #tpu.memory_space<vmem>>)
      tpu.yield
    }) : () -> ()
    %broadcast_in_dim3A = arith.constant 1.000000e+00 : f32
    %broadcast_in_dim3A_4 = vector.broadcast %broadcast_in_dim3A : f32 to vector<16xf32>
    %broadcast_in_dim3A_5 = arith.constant 0.000000e+00 : f32
    %broadcast_in_dim3A_6 = vector.broadcast %broadcast_in_dim3A_5 : f32 to vector<16xf32>
    %scan3A = arith.constant 0 : i32
    %scan3A_7 = arith.constant 0 : i32
    %scan3A_8 = arith.constant 25 : i32
    %scan3A_9 = arith.addi %scan3A_7, %scan3A_8 : i32
    %scan3A_10 = arith.constant 1 : i32
    scf.for %scan3A_45 = %scan3A_7 to %scan3A_9 step %scan3A_10  : i32 {
      %mul3A_46 = arith.constant 2 : i32
      %mul3A_47 = arith.muli %mul3A_46, %scan3A_45 : i32
      %add3A_48 = arith.constant 0 : i32
      %add3A_49 = arith.addi %mul3A_47, %add3A_48 : i32
      %ge3A = arith.constant 1 : i32
      %ge3A_50 = arith.cmpi sge, %scan3A_45, %ge3A : i32
      %convert_element_type3A = arith.extui %ge3A_50 : i1 to i32
      %cond3A = arith.constant 0 : i32
      %cond3A_51 = arith.cmpi ne, %convert_element_type3A, %cond3A : i32
      scf.if %cond3A_51 {
        %sub3A = arith.constant 2 : i32
        %sub3A_1057 = arith.subi %add3A_49, %sub3A : i32
        %mul3A_1058 = arith.constant 512 : i32
        %mul3A_1059 = arith.muli %sub3A_1057, %mul3A_1058 : i32
        %dma_wait3A_1060 = arith.constant 0 : i32
        %dma_wait3A_1061 = arith.constant 0 : i32
        %dma_wait3A_1062 = arith.constant 0 : i32
        %dma_wait3A_1063 = arith.constant 0 : i32
        %dma_wait3A_1064 = tpu.memref_slice %arg6[%dma_wait3A_1060, %dma_wait3A_1061, %dma_wait3A_1062, %dma_wait3A_1063] : memref<2x100x1x512xf32, #tpu.memory_space<vmem>> -> memref<1x100x1x512xf32, #tpu.memory_space<vmem>>
        %dma_wait3A_1065 = tpu.memref_squeeze %dma_wait3A_1064 : memref<1x100x1x512xf32, #tpu.memory_space<vmem>> -> memref<100x1x512xf32, #tpu.memory_space<vmem>>
        %dma_wait3A_1066 = arith.constant 0 : i32
        %dma_wait3A_1067 = tpu.memref_slice %arg4[%dma_wait3A_1066, %add3A, %mul3A_1059] : memref<100x32x25600xf32, #tpu.memory_space<hbm>> -> memref<100x1x512xf32, #tpu.memory_space<hbm>>
        %dma_wait3A_1068 = arith.constant 0 : i32
        %dma_wait3A_1069 = tpu.memref_slice %arg4[%dma_wait3A_1068, %add3A, %mul3A_1059] : memref<100x32x25600xf32, #tpu.memory_space<hbm>> -> memref<100x1x512xf32, #tpu.memory_space<hbm>>
        %dma_wait3A_1070 = arith.constant 0 : i32
        %dma_wait3A_1071 = arith.constant 0 : i32
        %dma_wait3A_1072 = arith.constant 0 : i32
        %dma_wait3A_1073 = tpu.memref_slice %arg6[%dma_wait3A_1060, %dma_wait3A_1070, %dma_wait3A_1071, %dma_wait3A_1072] : memref<2x100x1x512xf32, #tpu.memory_space<vmem>> -> memref<1x100x1x512xf32, #tpu.memory_space<vmem>>
        %dma_wait3A_1074 = tpu.memref_squeeze %dma_wait3A_1073 : memref<1x100x1x512xf32, #tpu.memory_space<vmem>> -> memref<100x1x512xf32, #tpu.memory_space<vmem>>
        tpu.wait_dma2 semaphore(%arg7 : memref<!tpu.dma_semaphore, #tpu.memory_space<semaphore_mem>>) src(%dma_wait3A_1074 : memref<100x1x512xf32, #tpu.memory_space<vmem>>) dst(%dma_wait3A_1069 : memref<100x1x512xf32, #tpu.memory_space<hbm>>)
        %sub3A_1075 = arith.constant 2 : i32
        %sub3A_1076 = arith.subi %add3A_49, %sub3A_1075 : i32
        %iota3A_1077 = tpu.iota {dimensions = array<i32: 0>} : vector<16xi32>
        %broadcast_in_dim3A_1078 = arith.constant 0 : i32
        %broadcast_in_dim3A_1079 = vector.broadcast %broadcast_in_dim3A_1078 : i32 to vector<16xi32>
        %mul3A_1080 = arith.constant 512 : i32
        %mul3A_1081 = arith.muli %sub3A_1076, %mul3A_1080 : i32
        %add3A_1082 = arith.constant 0 : i32
        %add3A_1083 = arith.addi %mul3A_1081, %add3A_1082 : i32
        %get3A_1084 = arith.index_cast %add3A_1083 : i32 to index
        %get3A_1085 = tpu.vector_load %arg5[%get3A_1084] {strides = array<i32>} : memref<25600xi32, #tpu.memory_space<vmem>>, vector<16xi32>,
        %add3A_1086 = arith.constant 0 : i32
        %add3A_1087 = vector.broadcast %add3A_1086 : i32 to vector<16xi32>
        %add3A_1088 = arith.addi %iota3A_1077, %add3A_1087 : vector<16xi32>
        %scatter3A_1089 = arith.constant 0 : i32
        %scatter3A_1090 = arith.constant 0 : i32
        %scatter3A_1091 = arith.constant 0 : i32
        %scatter3A_1092 = arith.constant 0 : i32
        %scatter3A_1093 = tpu.memref_slice %arg6[%scatter3A_1089, %scatter3A_1090, %scatter3A_1091, %scatter3A_1092] : memref<2x100x1x512xf32, #tpu.memory_space<vmem>> -> memref<1x100x1x512xf32, #tpu.memory_space<vmem>>
        %scatter3A_1094 = tpu.memref_squeeze %scatter3A_1093 : memref<1x100x1x512xf32, #tpu.memory_space<vmem>> -> memref<100x1x512xf32, #tpu.memory_space<vmem>>
        tpu.vector_store_idx %scatter3A_1094[%get3A_1085, %broadcast_in_dim3A_1079, %add3A_1088], %broadcast_in_dim3A_6 : memref<100x1x512xf32, #tpu.memory_space<vmem>>[vector<16xi32>, vector<16xi32>, vector<16xi32>], vector<16xf32>,
        %mul3A_1095 = arith.constant 512 : i32
        %mul3A_1096 = arith.muli %sub3A_1076, %mul3A_1095 : i32
        %add3A_1097 = arith.constant 16 : i32
        %add3A_1098 = arith.addi %mul3A_1096, %add3A_1097 : i32
        %get3A_1099 = arith.index_cast %add3A_1098 : i32 to index
        %get3A_1100 = tpu.vector_load %arg5[%get3A_1099] {strides = array<i32>} : memref<25600xi32, #tpu.memory_space<vmem>>, vector<16xi32>,
        %add3A_1101 = arith.constant 16 : i32
        %add3A_1102 = vector.broadcast %add3A_1101 : i32 to vector<16xi32>
        %add3A_1103 = arith.addi %iota3A_1077, %add3A_1102 : vector<16xi32>
        %scatter3A_1104 = arith.constant 0 : i32
        %scatter3A_1105 = arith.constant 0 : i32
        %scatter3A_1106 = arith.constant 0 : i32
        %scatter3A_1107 = arith.constant 0 : i32
        %scatter3A_1108 = tpu.memref_slice %arg6[%scatter3A_1104, %scatter3A_1105, %scatter3A_1106, %scatter3A_1107] : memref<2x100x1x512xf32, #tpu.memory_space<vmem>> -> memref<1x100x1x512xf32, #tpu.memory_space<vmem>>
        %scatter3A_1109 = tpu.memref_squeeze %scatter3A_1108 : memref<1x100x1x512xf32, #tpu.memory_space<vmem>> -> memref<100x1x512xf32, #tpu.memory_space<vmem>>
        tpu.vector_store_idx %scatter3A_1109[%get3A_1100, %broadcast_in_dim3A_1079, %add3A_1103], %broadcast_in_dim3A_6 : memref<100x1x512xf32, #tpu.memory_space<vmem>>[vector<16xi32>, vector<16xi32>, vector<16xi32>], vector<16xf32>,
        %mul3A_1110 = arith.constant 512 : i32
        %mul3A_1111 = arith.muli %sub3A_1076, %mul3A_1110 : i32
        %add3A_1112 = arith.constant 32 : i32
        %add3A_1113 = arith.addi %mul3A_1111, %add3A_1112 : i32
        %get3A_1114 = arith.index_cast %add3A_1113 : i32 to index
        %get3A_1115 = tpu.vector_load %arg5[%get3A_1114] {strides = array<i32>} : memref<25600xi32, #tpu.memory_space<vmem>>, vector<16xi32>,
        %add3A_1116 = arith.constant 32 : i32
        %add3A_1117 = vector.broadcast %add3A_1116 : i32 to vector<16xi32>
        %add3A_1118 = arith.addi %iota3A_1077, %add3A_1117 : vector<16xi32>
        %scatter3A_1119 = arith.constant 0 : i32
        %scatter3A_1120 = arith.constant 0 : i32
        %scatter3A_1121 = arith.constant 0 : i32
        %scatter3A_1122 = arith.constant 0 : i32
        %scatter3A_1123 = tpu.memref_slice %arg6[%scatter3A_1119, %scatter3A_1120, %scatter3A_1121, %scatter3A_1122] : memref<2x100x1x512xf32, #tpu.memory_space<vmem>> -> memref<1x100x1x512xf32, #tpu.memory_space<vmem>>
        %scatter3A_1124 = tpu.memref_squeeze %scatter3A_1123 : memref<1x100x1x512xf32, #tpu.memory_space<vmem>> -> memref<100x1x512xf32, #tpu.memory_space<vmem>>
        tpu.vector_store_idx %scatter3A_1124[%get3A_1115, %broadcast_in_dim3A_1079, %add3A_1118], %broadcast_in_dim3A_6 : memref<100x1x512xf32, #tpu.memory_space<vmem>>[vector<16xi32>, vector<16xi32>, vector<16xi32>], vector<16xf32>,
        %mul3A_1125 = arith.constant 512 : i32
        %mul3A_1126 = arith.muli %sub3A_1076, %mul3A_1125 : i32
        %add3A_1127 = arith.constant 48 : i32
        %add3A_1128 = arith.addi %mul3A_1126, %add3A_1127 : i32
        %get3A_1129 = arith.index_cast %add3A_1128 : i32 to index
        %get3A_1130 = tpu.vector_load %arg5[%get3A_1129] {strides = array<i32>} : memref<25600xi32, #tpu.memory_space<vmem>>, vector<16xi32>,
        %add3A_1131 = arith.constant 48 : i32
        %add3A_1132 = vector.broadcast %add3A_1131 : i32 to vector<16xi32>
        %add3A_1133 = arith.addi %iota3A_1077, %add3A_1132 : vector<16xi32>
        %scatter3A_1134 = arith.constant 0 : i32
        %scatter3A_1135 = arith.constant 0 : i32
        %scatter3A_1136 = arith.constant 0 : i32
        %scatter3A_1137 = arith.constant 0 : i32
        %scatter3A_1138 = tpu.memref_slice %arg6[%scatter3A_1134, %scatter3A_1135, %scatter3A_1136, %scatter3A_1137] : memref<2x100x1x512xf32, #tpu.memory_space<vmem>> -> memref<1x100x1x512xf32, #tpu.memory_space<vmem>>
        %scatter3A_1139 = tpu.memref_squeeze %scatter3A_1138 : memref<1x100x1x512xf32, #tpu.memory_space<vmem>> -> memref<100x1x512xf32, #tpu.memory_space<vmem>>
        tpu.vector_store_idx %scatter3A_1139[%get3A_1130, %broadcast_in_dim3A_1079, %add3A_1133], %broadcast_in_dim3A_6 : memref<100x1x512xf32, #tpu.memory_space<vmem>>[vector<16xi32>, vector<16xi32>, vector<16xi32>], vector<16xf32>,
        %mul3A_1140 = arith.constant 512 : i32
        %mul3A_1141 = arith.muli %sub3A_1076, %mul3A_1140 : i32
        %add3A_1142 = arith.constant 64 : i32
        %add3A_1143 = arith.addi %mul3A_1141, %add3A_1142 : i32
        %get3A_1144 = arith.index_cast %add3A_1143 : i32 to index
        %get3A_1145 = tpu.vector_load %arg5[%get3A_1144] {strides = array<i32>} : memref<25600xi32, #tpu.memory_space<vmem>>, vector<16xi32>,
        %add3A_1146 = arith.constant 64 : i32
        %add3A_1147 = vector.broadcast %add3A_1146 : i32 to vector<16xi32>
        %add3A_1148 = arith.addi %iota3A_1077, %add3A_1147 : vector<16xi32>
        %scatter3A_1149 = arith.constant 0 : i32
        %scatter3A_1150 = arith.constant 0 : i32
        %scatter3A_1151 = arith.constant 0 : i32
        %scatter3A_1152 = arith.constant 0 : i32
        %scatter3A_1153 = tpu.memref_slice %arg6[%scatter3A_1149, %scatter3A_1150, %scatter3A_1151, %scatter3A_1152] : memref<2x100x1x512xf32, #tpu.memory_space<vmem>> -> memref<1x100x1x512xf32, #tpu.memory_space<vmem>>
        %scatter3A_1154 = tpu.memref_squeeze %scatter3A_1153 : memref<1x100x1x512xf32, #tpu.memory_space<vmem>> -> memref<100x1x512xf32, #tpu.memory_space<vmem>>
        tpu.vector_store_idx %scatter3A_1154[%get3A_1145, %broadcast_in_dim3A_1079, %add3A_1148], %broadcast_in_dim3A_6 : memref<100x1x512xf32, #tpu.memory_space<vmem>>[vector<16xi32>, vector<16xi32>, vector<16xi32>], vector<16xf32>,
        %mul3A_1155 = arith.constant 512 : i32
        %mul3A_1156 = arith.muli %sub3A_1076, %mul3A_1155 : i32
        %add3A_1157 = arith.constant 80 : i32
        %add3A_1158 = arith.addi %mul3A_1156, %add3A_1157 : i32
        %get3A_1159 = arith.index_cast %add3A_1158 : i32 to index
        %get3A_1160 = tpu.vector_load %arg5[%get3A_1159] {strides = array<i32>} : memref<25600xi32, #tpu.memory_space<vmem>>, vector<16xi32>,
        %add3A_1161 = arith.constant 80 : i32
        %add3A_1162 = vector.broadcast %add3A_1161 : i32 to vector<16xi32>
        %add3A_1163 = arith.addi %iota3A_1077, %add3A_1162 : vector<16xi32>
        %scatter3A_1164 = arith.constant 0 : i32
        %scatter3A_1165 = arith.constant 0 : i32
        %scatter3A_1166 = arith.constant 0 : i32
        %scatter3A_1167 = arith.constant 0 : i32
        %scatter3A_1168 = tpu.memref_slice %arg6[%scatter3A_1164, %scatter3A_1165, %scatter3A_1166, %scatter3A_1167] : memref<2x100x1x512xf32, #tpu.memory_space<vmem>> -> memref<1x100x1x512xf32, #tpu.memory_space<vmem>>
        %scatter3A_1169 = tpu.memref_squeeze %scatter3A_1168 : memref<1x100x1x512xf32, #tpu.memory_space<vmem>> -> memref<100x1x512xf32, #tpu.memory_space<vmem>>
        tpu.vector_store_idx %scatter3A_1169[%get3A_1160, %broadcast_in_dim3A_1079, %add3A_1163], %broadcast_in_dim3A_6 : memref<100x1x512xf32, #tpu.memory_space<vmem>>[vector<16xi32>, vector<16xi32>, vector<16xi32>], vector<16xf32>,
        %mul3A_1170 = arith.constant 512 : i32
        %mul3A_1171 = arith.muli %sub3A_1076, %mul3A_1170 : i32
        %add3A_1172 = arith.constant 96 : i32
        %add3A_1173 = arith.addi %mul3A_1171, %add3A_1172 : i32
        %get3A_1174 = arith.index_cast %add3A_1173 : i32 to index
        %get3A_1175 = tpu.vector_load %arg5[%get3A_1174] {strides = array<i32>} : memref<25600xi32, #tpu.memory_space<vmem>>, vector<16xi32>,
        %add3A_1176 = arith.constant 96 : i32
        %add3A_1177 = vector.broadcast %add3A_1176 : i32 to vector<16xi32>
        %add3A_1178 = arith.addi %iota3A_1077, %add3A_1177 : vector<16xi32>
        %scatter3A_1179 = arith.constant 0 : i32
        %scatter3A_1180 = arith.constant 0 : i32
        %scatter3A_1181 = arith.constant 0 : i32
        %scatter3A_1182 = arith.constant 0 : i32
        %scatter3A_1183 = tpu.memref_slice %arg6[%scatter3A_1179, %scatter3A_1180, %scatter3A_1181, %scatter3A_1182] : memref<2x100x1x512xf32, #tpu.memory_space<vmem>> -> memref<1x100x1x512xf32, #tpu.memory_space<vmem>>
        %scatter3A_1184 = tpu.memref_squeeze %scatter3A_1183 : memref<1x100x1x512xf32, #tpu.memory_space<vmem>> -> memref<100x1x512xf32, #tpu.memory_space<vmem>>
        tpu.vector_store_idx %scatter3A_1184[%get3A_1175, %broadcast_in_dim3A_1079, %add3A_1178], %broadcast_in_dim3A_6 : memref<100x1x512xf32, #tpu.memory_space<vmem>>[vector<16xi32>, vector<16xi32>, vector<16xi32>], vector<16xf32>,
        %mul3A_1185 = arith.constant 512 : i32
        %mul3A_1186 = arith.muli %sub3A_1076, %mul3A_1185 : i32
        %add3A_1187 = arith.constant 112 : i32
        %add3A_1188 = arith.addi %mul3A_1186, %add3A_1187 : i32
        %get3A_1189 = arith.index_cast %add3A_1188 : i32 to index
        %get3A_1190 = tpu.vector_load %arg5[%get3A_1189] {strides = array<i32>} : memref<25600xi32, #tpu.memory_space<vmem>>, vector<16xi32>,
        %add3A_1191 = arith.constant 112 : i32
        %add3A_1192 = vector.broadcast %add3A_1191 : i32 to vector<16xi32>
        %add3A_1193 = arith.addi %iota3A_1077, %add3A_1192 : vector<16xi32>
        %scatter3A_1194 = arith.constant 0 : i32
        %scatter3A_1195 = arith.constant 0 : i32
        %scatter3A_1196 = arith.constant 0 : i32
        %scatter3A_1197 = arith.constant 0 : i32
        %scatter3A_1198 = tpu.memref_slice %arg6[%scatter3A_1194, %scatter3A_1195, %scatter3A_1196, %scatter3A_1197] : memref<2x100x1x512xf32, #tpu.memory_space<vmem>> -> memref<1x100x1x512xf32, #tpu.memory_space<vmem>>
        %scatter3A_1199 = tpu.memref_squeeze %scatter3A_1198 : memref<1x100x1x512xf32, #tpu.memory_space<vmem>> -> memref<100x1x512xf32, #tpu.memory_space<vmem>>
        tpu.vector_store_idx %scatter3A_1199[%get3A_1190, %broadcast_in_dim3A_1079, %add3A_1193], %broadcast_in_dim3A_6 : memref<100x1x512xf32, #tpu.memory_space<vmem>>[vector<16xi32>, vector<16xi32>, vector<16xi32>], vector<16xf32>,
        %mul3A_1200 = arith.constant 512 : i32
        %mul3A_1201 = arith.muli %sub3A_1076, %mul3A_1200 : i32
        %add3A_1202 = arith.constant 128 : i32
        %add3A_1203 = arith.addi %mul3A_1201, %add3A_1202 : i32
        %get3A_1204 = arith.index_cast %add3A_1203 : i32 to index
        %get3A_1205 = tpu.vector_load %arg5[%get3A_1204] {strides = array<i32>} : memref<25600xi32, #tpu.memory_space<vmem>>, vector<16xi32>,
        %add3A_1206 = arith.constant 128 : i32
        %add3A_1207 = vector.broadcast %add3A_1206 : i32 to vector<16xi32>
        %add3A_1208 = arith.addi %iota3A_1077, %add3A_1207 : vector<16xi32>
        %scatter3A_1209 = arith.constant 0 : i32
        %scatter3A_1210 = arith.constant 0 : i32
        %scatter3A_1211 = arith.constant 0 : i32
        %scatter3A_1212 = arith.constant 0 : i32
        %scatter3A_1213 = tpu.memref_slice %arg6[%scatter3A_1209, %scatter3A_1210, %scatter3A_1211, %scatter3A_1212] : memref<2x100x1x512xf32, #tpu.memory_space<vmem>> -> memref<1x100x1x512xf32, #tpu.memory_space<vmem>>
        %scatter3A_1214 = tpu.memref_squeeze %scatter3A_1213 : memref<1x100x1x512xf32, #tpu.memory_space<vmem>> -> memref<100x1x512xf32, #tpu.memory_space<vmem>>
        tpu.vector_store_idx %scatter3A_1214[%get3A_1205, %broadcast_in_dim3A_1079, %add3A_1208], %broadcast_in_dim3A_6 : memref<100x1x512xf32, #tpu.memory_space<vmem>>[vector<16xi32>, vector<16xi32>, vector<16xi32>], vector<16xf32>,
        %mul3A_1215 = arith.constant 512 : i32
        %mul3A_1216 = arith.muli %sub3A_1076, %mul3A_1215 : i32
        %add3A_1217 = arith.constant 144 : i32
        %add3A_1218 = arith.addi %mul3A_1216, %add3A_1217 : i32
        %get3A_1219 = arith.index_cast %add3A_1218 : i32 to index
        %get3A_1220 = tpu.vector_load %arg5[%get3A_1219] {strides = array<i32>} : memref<25600xi32, #tpu.memory_space<vmem>>, vector<16xi32>,
        %add3A_1221 = arith.constant 144 : i32
        %add3A_1222 = vector.broadcast %add3A_1221 : i32 to vector<16xi32>
        %add3A_1223 = arith.addi %iota3A_1077, %add3A_1222 : vector<16xi32>
        %scatter3A_1224 = arith.constant 0 : i32
        %scatter3A_1225 = arith.constant 0 : i32
        %scatter3A_1226 = arith.constant 0 : i32
        %scatter3A_1227 = arith.constant 0 : i32
        %scatter3A_1228 = tpu.memref_slice %arg6[%scatter3A_1224, %scatter3A_1225, %scatter3A_1226, %scatter3A_1227] : memref<2x100x1x512xf32, #tpu.memory_space<vmem>> -> memref<1x100x1x512xf32, #tpu.memory_space<vmem>>
        %scatter3A_1229 = tpu.memref_squeeze %scatter3A_1228 : memref<1x100x1x512xf32, #tpu.memory_space<vmem>> -> memref<100x1x512xf32, #tpu.memory_space<vmem>>
        tpu.vector_store_idx %scatter3A_1229[%get3A_1220, %broadcast_in_dim3A_1079, %add3A_1223], %broadcast_in_dim3A_6 : memref<100x1x512xf32, #tpu.memory_space<vmem>>[vector<16xi32>, vector<16xi32>, vector<16xi32>], vector<16xf32>,
        %mul3A_1230 = arith.constant 512 : i32
        %mul3A_1231 = arith.muli %sub3A_1076, %mul3A_1230 : i32
        %add3A_1232 = arith.constant 160 : i32
        %add3A_1233 = arith.addi %mul3A_1231, %add3A_1232 : i32
        %get3A_1234 = arith.index_cast %add3A_1233 : i32 to index
        %get3A_1235 = tpu.vector_load %arg5[%get3A_1234] {strides = array<i32>} : memref<25600xi32, #tpu.memory_space<vmem>>, vector<16xi32>,
        %add3A_1236 = arith.constant 160 : i32
        %add3A_1237 = vector.broadcast %add3A_1236 : i32 to vector<16xi32>
        %add3A_1238 = arith.addi %iota3A_1077, %add3A_1237 : vector<16xi32>
        %scatter3A_1239 = arith.constant 0 : i32
        %scatter3A_1240 = arith.constant 0 : i32
        %scatter3A_1241 = arith.constant 0 : i32
        %scatter3A_1242 = arith.constant 0 : i32
        %scatter3A_1243 = tpu.memref_slice %arg6[%scatter3A_1239, %scatter3A_1240, %scatter3A_1241, %scatter3A_1242] : memref<2x100x1x512xf32, #tpu.memory_space<vmem>> -> memref<1x100x1x512xf32, #tpu.memory_space<vmem>>
        %scatter3A_1244 = tpu.memref_squeeze %scatter3A_1243 : memref<1x100x1x512xf32, #tpu.memory_space<vmem>> -> memref<100x1x512xf32, #tpu.memory_space<vmem>>
        tpu.vector_store_idx %scatter3A_1244[%get3A_1235, %broadcast_in_dim3A_1079, %add3A_1238], %broadcast_in_dim3A_6 : memref<100x1x512xf32, #tpu.memory_space<vmem>>[vector<16xi32>, vector<16xi32>, vector<16xi32>], vector<16xf32>,
        %mul3A_1245 = arith.constant 512 : i32
        %mul3A_1246 = arith.muli %sub3A_1076, %mul3A_1245 : i32
        %add3A_1247 = arith.constant 176 : i32
        %add3A_1248 = arith.addi %mul3A_1246, %add3A_1247 : i32
        %get3A_1249 = arith.index_cast %add3A_1248 : i32 to index
        %get3A_1250 = tpu.vector_load %arg5[%get3A_1249] {strides = array<i32>} : memref<25600xi32, #tpu.memory_space<vmem>>, vector<16xi32>,
        %add3A_1251 = arith.constant 176 : i32
        %add3A_1252 = vector.broadcast %add3A_1251 : i32 to vector<16xi32>
        %add3A_1253 = arith.addi %iota3A_1077, %add3A_1252 : vector<16xi32>
        %scatter3A_1254 = arith.constant 0 : i32
        %scatter3A_1255 = arith.constant 0 : i32
        %scatter3A_1256 = arith.constant 0 : i32
        %scatter3A_1257 = arith.constant 0 : i32
        %scatter3A_1258 = tpu.memref_slice %arg6[%scatter3A_1254, %scatter3A_1255, %scatter3A_1256, %scatter3A_1257] : memref<2x100x1x512xf32, #tpu.memory_space<vmem>> -> memref<1x100x1x512xf32, #tpu.memory_space<vmem>>
        %scatter3A_1259 = tpu.memref_squeeze %scatter3A_1258 : memref<1x100x1x512xf32, #tpu.memory_space<vmem>> -> memref<100x1x512xf32, #tpu.memory_space<vmem>>
        tpu.vector_store_idx %scatter3A_1259[%get3A_1250, %broadcast_in_dim3A_1079, %add3A_1253], %broadcast_in_dim3A_6 : memref<100x1x512xf32, #tpu.memory_space<vmem>>[vector<16xi32>, vector<16xi32>, vector<16xi32>], vector<16xf32>,
        %mul3A_1260 = arith.constant 512 : i32
        %mul3A_1261 = arith.muli %sub3A_1076, %mul3A_1260 : i32
        %add3A_1262 = arith.constant 192 : i32
        %add3A_1263 = arith.addi %mul3A_1261, %add3A_1262 : i32
        %get3A_1264 = arith.index_cast %add3A_1263 : i32 to index
        %get3A_1265 = tpu.vector_load %arg5[%get3A_1264] {strides = array<i32>} : memref<25600xi32, #tpu.memory_space<vmem>>, vector<16xi32>,
        %add3A_1266 = arith.constant 192 : i32
        %add3A_1267 = vector.broadcast %add3A_1266 : i32 to vector<16xi32>
        %add3A_1268 = arith.addi %iota3A_1077, %add3A_1267 : vector<16xi32>
        %scatter3A_1269 = arith.constant 0 : i32
        %scatter3A_1270 = arith.constant 0 : i32
        %scatter3A_1271 = arith.constant 0 : i32
        %scatter3A_1272 = arith.constant 0 : i32
        %scatter3A_1273 = tpu.memref_slice %arg6[%scatter3A_1269, %scatter3A_1270, %scatter3A_1271, %scatter3A_1272] : memref<2x100x1x512xf32, #tpu.memory_space<vmem>> -> memref<1x100x1x512xf32, #tpu.memory_space<vmem>>
        %scatter3A_1274 = tpu.memref_squeeze %scatter3A_1273 : memref<1x100x1x512xf32, #tpu.memory_space<vmem>> -> memref<100x1x512xf32, #tpu.memory_space<vmem>>
        tpu.vector_store_idx %scatter3A_1274[%get3A_1265, %broadcast_in_dim3A_1079, %add3A_1268], %broadcast_in_dim3A_6 : memref<100x1x512xf32, #tpu.memory_space<vmem>>[vector<16xi32>, vector<16xi32>, vector<16xi32>], vector<16xf32>,
        %mul3A_1275 = arith.constant 512 : i32
        %mul3A_1276 = arith.muli %sub3A_1076, %mul3A_1275 : i32
        %add3A_1277 = arith.constant 208 : i32
        %add3A_1278 = arith.addi %mul3A_1276, %add3A_1277 : i32
        %get3A_1279 = arith.index_cast %add3A_1278 : i32 to index
        %get3A_1280 = tpu.vector_load %arg5[%get3A_1279] {strides = array<i32>} : memref<25600xi32, #tpu.memory_space<vmem>>, vector<16xi32>,
        %add3A_1281 = arith.constant 208 : i32
        %add3A_1282 = vector.broadcast %add3A_1281 : i32 to vector<16xi32>
        %add3A_1283 = arith.addi %iota3A_1077, %add3A_1282 : vector<16xi32>
        %scatter3A_1284 = arith.constant 0 : i32
        %scatter3A_1285 = arith.constant 0 : i32
        %scatter3A_1286 = arith.constant 0 : i32
        %scatter3A_1287 = arith.constant 0 : i32
        %scatter3A_1288 = tpu.memref_slice %arg6[%scatter3A_1284, %scatter3A_1285, %scatter3A_1286, %scatter3A_1287] : memref<2x100x1x512xf32, #tpu.memory_space<vmem>> -> memref<1x100x1x512xf32, #tpu.memory_space<vmem>>
        %scatter3A_1289 = tpu.memref_squeeze %scatter3A_1288 : memref<1x100x1x512xf32, #tpu.memory_space<vmem>> -> memref<100x1x512xf32, #tpu.memory_space<vmem>>
        tpu.vector_store_idx %scatter3A_1289[%get3A_1280, %broadcast_in_dim3A_1079, %add3A_1283], %broadcast_in_dim3A_6 : memref<100x1x512xf32, #tpu.memory_space<vmem>>[vector<16xi32>, vector<16xi32>, vector<16xi32>], vector<16xf32>,
        %mul3A_1290 = arith.constant 512 : i32
        %mul3A_1291 = arith.muli %sub3A_1076, %mul3A_1290 : i32
        %add3A_1292 = arith.constant 224 : i32
        %add3A_1293 = arith.addi %mul3A_1291, %add3A_1292 : i32
        %get3A_1294 = arith.index_cast %add3A_1293 : i32 to index
        %get3A_1295 = tpu.vector_load %arg5[%get3A_1294] {strides = array<i32>} : memref<25600xi32, #tpu.memory_space<vmem>>, vector<16xi32>,
        %add3A_1296 = arith.constant 224 : i32
        %add3A_1297 = vector.broadcast %add3A_1296 : i32 to vector<16xi32>
        %add3A_1298 = arith.addi %iota3A_1077, %add3A_1297 : vector<16xi32>
        %scatter3A_1299 = arith.constant 0 : i32
        %scatter3A_1300 = arith.constant 0 : i32
        %scatter3A_1301 = arith.constant 0 : i32
        %scatter3A_1302 = arith.constant 0 : i32
        %scatter3A_1303 = tpu.memref_slice %arg6[%scatter3A_1299, %scatter3A_1300, %scatter3A_1301, %scatter3A_1302] : memref<2x100x1x512xf32, #tpu.memory_space<vmem>> -> memref<1x100x1x512xf32, #tpu.memory_space<vmem>>
        %scatter3A_1304 = tpu.memref_squeeze %scatter3A_1303 : memref<1x100x1x512xf32, #tpu.memory_space<vmem>> -> memref<100x1x512xf32, #tpu.memory_space<vmem>>
        tpu.vector_store_idx %scatter3A_1304[%get3A_1295, %broadcast_in_dim3A_1079, %add3A_1298], %broadcast_in_dim3A_6 : memref<100x1x512xf32, #tpu.memory_space<vmem>>[vector<16xi32>, vector<16xi32>, vector<16xi32>], vector<16xf32>,
        %mul3A_1305 = arith.constant 512 : i32
        %mul3A_1306 = arith.muli %sub3A_1076, %mul3A_1305 : i32
        %add3A_1307 = arith.constant 240 : i32
        %add3A_1308 = arith.addi %mul3A_1306, %add3A_1307 : i32
        %get3A_1309 = arith.index_cast %add3A_1308 : i32 to index
        %get3A_1310 = tpu.vector_load %arg5[%get3A_1309] {strides = array<i32>} : memref<25600xi32, #tpu.memory_space<vmem>>, vector<16xi32>,
        %add3A_1311 = arith.constant 240 : i32
        %add3A_1312 = vector.broadcast %add3A_1311 : i32 to vector<16xi32>
        %add3A_1313 = arith.addi %iota3A_1077, %add3A_1312 : vector<16xi32>
        %scatter3A_1314 = arith.constant 0 : i32
        %scatter3A_1315 = arith.constant 0 : i32
        %scatter3A_1316 = arith.constant 0 : i32
        %scatter3A_1317 = arith.constant 0 : i32
        %scatter3A_1318 = tpu.memref_slice %arg6[%scatter3A_1314, %scatter3A_1315, %scatter3A_1316, %scatter3A_1317] : memref<2x100x1x512xf32, #tpu.memory_space<vmem>> -> memref<1x100x1x512xf32, #tpu.memory_space<vmem>>
        %scatter3A_1319 = tpu.memref_squeeze %scatter3A_1318 : memref<1x100x1x512xf32, #tpu.memory_space<vmem>> -> memref<100x1x512xf32, #tpu.memory_space<vmem>>
        tpu.vector_store_idx %scatter3A_1319[%get3A_1310, %broadcast_in_dim3A_1079, %add3A_1313], %broadcast_in_dim3A_6 : memref<100x1x512xf32, #tpu.memory_space<vmem>>[vector<16xi32>, vector<16xi32>, vector<16xi32>], vector<16xf32>,
        %mul3A_1320 = arith.constant 512 : i32
        %mul3A_1321 = arith.muli %sub3A_1076, %mul3A_1320 : i32
        %add3A_1322 = arith.constant 256 : i32
        %add3A_1323 = arith.addi %mul3A_1321, %add3A_1322 : i32
        %get3A_1324 = arith.index_cast %add3A_1323 : i32 to index
        %get3A_1325 = tpu.vector_load %arg5[%get3A_1324] {strides = array<i32>} : memref<25600xi32, #tpu.memory_space<vmem>>, vector<16xi32>,
        %add3A_1326 = arith.constant 256 : i32
        %add3A_1327 = vector.broadcast %add3A_1326 : i32 to vector<16xi32>
        %add3A_1328 = arith.addi %iota3A_1077, %add3A_1327 : vector<16xi32>
        %scatter3A_1329 = arith.constant 0 : i32
        %scatter3A_1330 = arith.constant 0 : i32
        %scatter3A_1331 = arith.constant 0 : i32
        %scatter3A_1332 = arith.constant 0 : i32
        %scatter3A_1333 = tpu.memref_slice %arg6[%scatter3A_1329, %scatter3A_1330, %scatter3A_1331, %scatter3A_1332] : memref<2x100x1x512xf32, #tpu.memory_space<vmem>> -> memref<1x100x1x512xf32, #tpu.memory_space<vmem>>
        %scatter3A_1334 = tpu.memref_squeeze %scatter3A_1333 : memref<1x100x1x512xf32, #tpu.memory_space<vmem>> -> memref<100x1x512xf32, #tpu.memory_space<vmem>>
        tpu.vector_store_idx %scatter3A_1334[%get3A_1325, %broadcast_in_dim3A_1079, %add3A_1328], %broadcast_in_dim3A_6 : memref<100x1x512xf32, #tpu.memory_space<vmem>>[vector<16xi32>, vector<16xi32>, vector<16xi32>], vector<16xf32>,
        %mul3A_1335 = arith.constant 512 : i32
        %mul3A_1336 = arith.muli %sub3A_1076, %mul3A_1335 : i32
        %add3A_1337 = arith.constant 272 : i32
        %add3A_1338 = arith.addi %mul3A_1336, %add3A_1337 : i32
        %get3A_1339 = arith.index_cast %add3A_1338 : i32 to index
        %get3A_1340 = tpu.vector_load %arg5[%get3A_1339] {strides = array<i32>} : memref<25600xi32, #tpu.memory_space<vmem>>, vector<16xi32>,
        %add3A_1341 = arith.constant 272 : i32
        %add3A_1342 = vector.broadcast %add3A_1341 : i32 to vector<16xi32>
        %add3A_1343 = arith.addi %iota3A_1077, %add3A_1342 : vector<16xi32>
        %scatter3A_1344 = arith.constant 0 : i32
        %scatter3A_1345 = arith.constant 0 : i32
        %scatter3A_1346 = arith.constant 0 : i32
        %scatter3A_1347 = arith.constant 0 : i32
        %scatter3A_1348 = tpu.memref_slice %arg6[%scatter3A_1344, %scatter3A_1345, %scatter3A_1346, %scatter3A_1347] : memref<2x100x1x512xf32, #tpu.memory_space<vmem>> -> memref<1x100x1x512xf32, #tpu.memory_space<vmem>>
        %scatter3A_1349 = tpu.memref_squeeze %scatter3A_1348 : memref<1x100x1x512xf32, #tpu.memory_space<vmem>> -> memref<100x1x512xf32, #tpu.memory_space<vmem>>
        tpu.vector_store_idx %scatter3A_1349[%get3A_1340, %broadcast_in_dim3A_1079, %add3A_1343], %broadcast_in_dim3A_6 : memref<100x1x512xf32, #tpu.memory_space<vmem>>[vector<16xi32>, vector<16xi32>, vector<16xi32>], vector<16xf32>,
        %mul3A_1350 = arith.constant 512 : i32
        %mul3A_1351 = arith.muli %sub3A_1076, %mul3A_1350 : i32
        %add3A_1352 = arith.constant 288 : i32
        %add3A_1353 = arith.addi %mul3A_1351, %add3A_1352 : i32
        %get3A_1354 = arith.index_cast %add3A_1353 : i32 to index
        %get3A_1355 = tpu.vector_load %arg5[%get3A_1354] {strides = array<i32>} : memref<25600xi32, #tpu.memory_space<vmem>>, vector<16xi32>,
        %add3A_1356 = arith.constant 288 : i32
        %add3A_1357 = vector.broadcast %add3A_1356 : i32 to vector<16xi32>
        %add3A_1358 = arith.addi %iota3A_1077, %add3A_1357 : vector<16xi32>
        %scatter3A_1359 = arith.constant 0 : i32
        %scatter3A_1360 = arith.constant 0 : i32
        %scatter3A_1361 = arith.constant 0 : i32
        %scatter3A_1362 = arith.constant 0 : i32
        %scatter3A_1363 = tpu.memref_slice %arg6[%scatter3A_1359, %scatter3A_1360, %scatter3A_1361, %scatter3A_1362] : memref<2x100x1x512xf32, #tpu.memory_space<vmem>> -> memref<1x100x1x512xf32, #tpu.memory_space<vmem>>
        %scatter3A_1364 = tpu.memref_squeeze %scatter3A_1363 : memref<1x100x1x512xf32, #tpu.memory_space<vmem>> -> memref<100x1x512xf32, #tpu.memory_space<vmem>>
        tpu.vector_store_idx %scatter3A_1364[%get3A_1355, %broadcast_in_dim3A_1079, %add3A_1358], %broadcast_in_dim3A_6 : memref<100x1x512xf32, #tpu.memory_space<vmem>>[vector<16xi32>, vector<16xi32>, vector<16xi32>], vector<16xf32>,
        %mul3A_1365 = arith.constant 512 : i32
        %mul3A_1366 = arith.muli %sub3A_1076, %mul3A_1365 : i32
        %add3A_1367 = arith.constant 304 : i32
        %add3A_1368 = arith.addi %mul3A_1366, %add3A_1367 : i32
        %get3A_1369 = arith.index_cast %add3A_1368 : i32 to index
        %get3A_1370 = tpu.vector_load %arg5[%get3A_1369] {strides = array<i32>} : memref<25600xi32, #tpu.memory_space<vmem>>, vector<16xi32>,
        %add3A_1371 = arith.constant 304 : i32
        %add3A_1372 = vector.broadcast %add3A_1371 : i32 to vector<16xi32>
        %add3A_1373 = arith.addi %iota3A_1077, %add3A_1372 : vector<16xi32>
        %scatter3A_1374 = arith.constant 0 : i32
        %scatter3A_1375 = arith.constant 0 : i32
        %scatter3A_1376 = arith.constant 0 : i32
        %scatter3A_1377 = arith.constant 0 : i32
        %scatter3A_1378 = tpu.memref_slice %arg6[%scatter3A_1374, %scatter3A_1375, %scatter3A_1376, %scatter3A_1377] : memref<2x100x1x512xf32, #tpu.memory_space<vmem>> -> memref<1x100x1x512xf32, #tpu.memory_space<vmem>>
        %scatter3A_1379 = tpu.memref_squeeze %scatter3A_1378 : memref<1x100x1x512xf32, #tpu.memory_space<vmem>> -> memref<100x1x512xf32, #tpu.memory_space<vmem>>
        tpu.vector_store_idx %scatter3A_1379[%get3A_1370, %broadcast_in_dim3A_1079, %add3A_1373], %broadcast_in_dim3A_6 : memref<100x1x512xf32, #tpu.memory_space<vmem>>[vector<16xi32>, vector<16xi32>, vector<16xi32>], vector<16xf32>,
        %mul3A_1380 = arith.constant 512 : i32
        %mul3A_1381 = arith.muli %sub3A_1076, %mul3A_1380 : i32
        %add3A_1382 = arith.constant 320 : i32
        %add3A_1383 = arith.addi %mul3A_1381, %add3A_1382 : i32
        %get3A_1384 = arith.index_cast %add3A_1383 : i32 to index
        %get3A_1385 = tpu.vector_load %arg5[%get3A_1384] {strides = array<i32>} : memref<25600xi32, #tpu.memory_space<vmem>>, vector<16xi32>,
        %add3A_1386 = arith.constant 320 : i32
        %add3A_1387 = vector.broadcast %add3A_1386 : i32 to vector<16xi32>
        %add3A_1388 = arith.addi %iota3A_1077, %add3A_1387 : vector<16xi32>
        %scatter3A_1389 = arith.constant 0 : i32
        %scatter3A_1390 = arith.constant 0 : i32
        %scatter3A_1391 = arith.constant 0 : i32
        %scatter3A_1392 = arith.constant 0 : i32
        %scatter3A_1393 = tpu.memref_slice %arg6[%scatter3A_1389, %scatter3A_1390, %scatter3A_1391, %scatter3A_1392] : memref<2x100x1x512xf32, #tpu.memory_space<vmem>> -> memref<1x100x1x512xf32, #tpu.memory_space<vmem>>
        %scatter3A_1394 = tpu.memref_squeeze %scatter3A_1393 : memref<1x100x1x512xf32, #tpu.memory_space<vmem>> -> memref<100x1x512xf32, #tpu.memory_space<vmem>>
        tpu.vector_store_idx %scatter3A_1394[%get3A_1385, %broadcast_in_dim3A_1079, %add3A_1388], %broadcast_in_dim3A_6 : memref<100x1x512xf32, #tpu.memory_space<vmem>>[vector<16xi32>, vector<16xi32>, vector<16xi32>], vector<16xf32>,
        %mul3A_1395 = arith.constant 512 : i32
        %mul3A_1396 = arith.muli %sub3A_1076, %mul3A_1395 : i32
        %add3A_1397 = arith.constant 336 : i32
        %add3A_1398 = arith.addi %mul3A_1396, %add3A_1397 : i32
        %get3A_1399 = arith.index_cast %add3A_1398 : i32 to index
        %get3A_1400 = tpu.vector_load %arg5[%get3A_1399] {strides = array<i32>} : memref<25600xi32, #tpu.memory_space<vmem>>, vector<16xi32>,
        %add3A_1401 = arith.constant 336 : i32
        %add3A_1402 = vector.broadcast %add3A_1401 : i32 to vector<16xi32>
        %add3A_1403 = arith.addi %iota3A_1077, %add3A_1402 : vector<16xi32>
        %scatter3A_1404 = arith.constant 0 : i32
        %scatter3A_1405 = arith.constant 0 : i32
        %scatter3A_1406 = arith.constant 0 : i32
        %scatter3A_1407 = arith.constant 0 : i32
        %scatter3A_1408 = tpu.memref_slice %arg6[%scatter3A_1404, %scatter3A_1405, %scatter3A_1406, %scatter3A_1407] : memref<2x100x1x512xf32, #tpu.memory_space<vmem>> -> memref<1x100x1x512xf32, #tpu.memory_space<vmem>>
        %scatter3A_1409 = tpu.memref_squeeze %scatter3A_1408 : memref<1x100x1x512xf32, #tpu.memory_space<vmem>> -> memref<100x1x512xf32, #tpu.memory_space<vmem>>
        tpu.vector_store_idx %scatter3A_1409[%get3A_1400, %broadcast_in_dim3A_1079, %add3A_1403], %broadcast_in_dim3A_6 : memref<100x1x512xf32, #tpu.memory_space<vmem>>[vector<16xi32>, vector<16xi32>, vector<16xi32>], vector<16xf32>,
        %mul3A_1410 = arith.constant 512 : i32
        %mul3A_1411 = arith.muli %sub3A_1076, %mul3A_1410 : i32
        %add3A_1412 = arith.constant 352 : i32
        %add3A_1413 = arith.addi %mul3A_1411, %add3A_1412 : i32
        %get3A_1414 = arith.index_cast %add3A_1413 : i32 to index
        %get3A_1415 = tpu.vector_load %arg5[%get3A_1414] {strides = array<i32>} : memref<25600xi32, #tpu.memory_space<vmem>>, vector<16xi32>,
        %add3A_1416 = arith.constant 352 : i32
        %add3A_1417 = vector.broadcast %add3A_1416 : i32 to vector<16xi32>
        %add3A_1418 = arith.addi %iota3A_1077, %add3A_1417 : vector<16xi32>
        %scatter3A_1419 = arith.constant 0 : i32
        %scatter3A_1420 = arith.constant 0 : i32
        %scatter3A_1421 = arith.constant 0 : i32
        %scatter3A_1422 = arith.constant 0 : i32
        %scatter3A_1423 = tpu.memref_slice %arg6[%scatter3A_1419, %scatter3A_1420, %scatter3A_1421, %scatter3A_1422] : memref<2x100x1x512xf32, #tpu.memory_space<vmem>> -> memref<1x100x1x512xf32, #tpu.memory_space<vmem>>
        %scatter3A_1424 = tpu.memref_squeeze %scatter3A_1423 : memref<1x100x1x512xf32, #tpu.memory_space<vmem>> -> memref<100x1x512xf32, #tpu.memory_space<vmem>>
        tpu.vector_store_idx %scatter3A_1424[%get3A_1415, %broadcast_in_dim3A_1079, %add3A_1418], %broadcast_in_dim3A_6 : memref<100x1x512xf32, #tpu.memory_space<vmem>>[vector<16xi32>, vector<16xi32>, vector<16xi32>], vector<16xf32>,
        %mul3A_1425 = arith.constant 512 : i32
        %mul3A_1426 = arith.muli %sub3A_1076, %mul3A_1425 : i32
        %add3A_1427 = arith.constant 368 : i32
        %add3A_1428 = arith.addi %mul3A_1426, %add3A_1427 : i32
        %get3A_1429 = arith.index_cast %add3A_1428 : i32 to index
        %get3A_1430 = tpu.vector_load %arg5[%get3A_1429] {strides = array<i32>} : memref<25600xi32, #tpu.memory_space<vmem>>, vector<16xi32>,
        %add3A_1431 = arith.constant 368 : i32
        %add3A_1432 = vector.broadcast %add3A_1431 : i32 to vector<16xi32>
        %add3A_1433 = arith.addi %iota3A_1077, %add3A_1432 : vector<16xi32>
        %scatter3A_1434 = arith.constant 0 : i32
        %scatter3A_1435 = arith.constant 0 : i32
        %scatter3A_1436 = arith.constant 0 : i32
        %scatter3A_1437 = arith.constant 0 : i32
        %scatter3A_1438 = tpu.memref_slice %arg6[%scatter3A_1434, %scatter3A_1435, %scatter3A_1436, %scatter3A_1437] : memref<2x100x1x512xf32, #tpu.memory_space<vmem>> -> memref<1x100x1x512xf32, #tpu.memory_space<vmem>>
        %scatter3A_1439 = tpu.memref_squeeze %scatter3A_1438 : memref<1x100x1x512xf32, #tpu.memory_space<vmem>> -> memref<100x1x512xf32, #tpu.memory_space<vmem>>
        tpu.vector_store_idx %scatter3A_1439[%get3A_1430, %broadcast_in_dim3A_1079, %add3A_1433], %broadcast_in_dim3A_6 : memref<100x1x512xf32, #tpu.memory_space<vmem>>[vector<16xi32>, vector<16xi32>, vector<16xi32>], vector<16xf32>,
        %mul3A_1440 = arith.constant 512 : i32
        %mul3A_1441 = arith.muli %sub3A_1076, %mul3A_1440 : i32
        %add3A_1442 = arith.constant 384 : i32
        %add3A_1443 = arith.addi %mul3A_1441, %add3A_1442 : i32
        %get3A_1444 = arith.index_cast %add3A_1443 : i32 to index
        %get3A_1445 = tpu.vector_load %arg5[%get3A_1444] {strides = array<i32>} : memref<25600xi32, #tpu.memory_space<vmem>>, vector<16xi32>,
        %add3A_1446 = arith.constant 384 : i32
        %add3A_1447 = vector.broadcast %add3A_1446 : i32 to vector<16xi32>
        %add3A_1448 = arith.addi %iota3A_1077, %add3A_1447 : vector<16xi32>
        %scatter3A_1449 = arith.constant 0 : i32
        %scatter3A_1450 = arith.constant 0 : i32
        %scatter3A_1451 = arith.constant 0 : i32
        %scatter3A_1452 = arith.constant 0 : i32
        %scatter3A_1453 = tpu.memref_slice %arg6[%scatter3A_1449, %scatter3A_1450, %scatter3A_1451, %scatter3A_1452] : memref<2x100x1x512xf32, #tpu.memory_space<vmem>> -> memref<1x100x1x512xf32, #tpu.memory_space<vmem>>
        %scatter3A_1454 = tpu.memref_squeeze %scatter3A_1453 : memref<1x100x1x512xf32, #tpu.memory_space<vmem>> -> memref<100x1x512xf32, #tpu.memory_space<vmem>>
        tpu.vector_store_idx %scatter3A_1454[%get3A_1445, %broadcast_in_dim3A_1079, %add3A_1448], %broadcast_in_dim3A_6 : memref<100x1x512xf32, #tpu.memory_space<vmem>>[vector<16xi32>, vector<16xi32>, vector<16xi32>], vector<16xf32>,
        %mul3A_1455 = arith.constant 512 : i32
        %mul3A_1456 = arith.muli %sub3A_1076, %mul3A_1455 : i32
        %add3A_1457 = arith.constant 400 : i32
        %add3A_1458 = arith.addi %mul3A_1456, %add3A_1457 : i32
        %get3A_1459 = arith.index_cast %add3A_1458 : i32 to index
        %get3A_1460 = tpu.vector_load %arg5[%get3A_1459] {strides = array<i32>} : memref<25600xi32, #tpu.memory_space<vmem>>, vector<16xi32>,
        %add3A_1461 = arith.constant 400 : i32
        %add3A_1462 = vector.broadcast %add3A_1461 : i32 to vector<16xi32>
        %add3A_1463 = arith.addi %iota3A_1077, %add3A_1462 : vector<16xi32>
        %scatter3A_1464 = arith.constant 0 : i32
        %scatter3A_1465 = arith.constant 0 : i32
        %scatter3A_1466 = arith.constant 0 : i32
        %scatter3A_1467 = arith.constant 0 : i32
        %scatter3A_1468 = tpu.memref_slice %arg6[%scatter3A_1464, %scatter3A_1465, %scatter3A_1466, %scatter3A_1467] : memref<2x100x1x512xf32, #tpu.memory_space<vmem>> -> memref<1x100x1x512xf32, #tpu.memory_space<vmem>>
        %scatter3A_1469 = tpu.memref_squeeze %scatter3A_1468 : memref<1x100x1x512xf32, #tpu.memory_space<vmem>> -> memref<100x1x512xf32, #tpu.memory_space<vmem>>
        tpu.vector_store_idx %scatter3A_1469[%get3A_1460, %broadcast_in_dim3A_1079, %add3A_1463], %broadcast_in_dim3A_6 : memref<100x1x512xf32, #tpu.memory_space<vmem>>[vector<16xi32>, vector<16xi32>, vector<16xi32>], vector<16xf32>,
        %mul3A_1470 = arith.constant 512 : i32
        %mul3A_1471 = arith.muli %sub3A_1076, %mul3A_1470 : i32
        %add3A_1472 = arith.constant 416 : i32
        %add3A_1473 = arith.addi %mul3A_1471, %add3A_1472 : i32
        %get3A_1474 = arith.index_cast %add3A_1473 : i32 to index
        %get3A_1475 = tpu.vector_load %arg5[%get3A_1474] {strides = array<i32>} : memref<25600xi32, #tpu.memory_space<vmem>>, vector<16xi32>,
        %add3A_1476 = arith.constant 416 : i32
        %add3A_1477 = vector.broadcast %add3A_1476 : i32 to vector<16xi32>
        %add3A_1478 = arith.addi %iota3A_1077, %add3A_1477 : vector<16xi32>
        %scatter3A_1479 = arith.constant 0 : i32
        %scatter3A_1480 = arith.constant 0 : i32
        %scatter3A_1481 = arith.constant 0 : i32
        %scatter3A_1482 = arith.constant 0 : i32
        %scatter3A_1483 = tpu.memref_slice %arg6[%scatter3A_1479, %scatter3A_1480, %scatter3A_1481, %scatter3A_1482] : memref<2x100x1x512xf32, #tpu.memory_space<vmem>> -> memref<1x100x1x512xf32, #tpu.memory_space<vmem>>
        %scatter3A_1484 = tpu.memref_squeeze %scatter3A_1483 : memref<1x100x1x512xf32, #tpu.memory_space<vmem>> -> memref<100x1x512xf32, #tpu.memory_space<vmem>>
        tpu.vector_store_idx %scatter3A_1484[%get3A_1475, %broadcast_in_dim3A_1079, %add3A_1478], %broadcast_in_dim3A_6 : memref<100x1x512xf32, #tpu.memory_space<vmem>>[vector<16xi32>, vector<16xi32>, vector<16xi32>], vector<16xf32>,
        %mul3A_1485 = arith.constant 512 : i32
        %mul3A_1486 = arith.muli %sub3A_1076, %mul3A_1485 : i32
        %add3A_1487 = arith.constant 432 : i32
        %add3A_1488 = arith.addi %mul3A_1486, %add3A_1487 : i32
        %get3A_1489 = arith.index_cast %add3A_1488 : i32 to index
        %get3A_1490 = tpu.vector_load %arg5[%get3A_1489] {strides = array<i32>} : memref<25600xi32, #tpu.memory_space<vmem>>, vector<16xi32>,
        %add3A_1491 = arith.constant 432 : i32
        %add3A_1492 = vector.broadcast %add3A_1491 : i32 to vector<16xi32>
        %add3A_1493 = arith.addi %iota3A_1077, %add3A_1492 : vector<16xi32>
        %scatter3A_1494 = arith.constant 0 : i32
        %scatter3A_1495 = arith.constant 0 : i32
        %scatter3A_1496 = arith.constant 0 : i32
        %scatter3A_1497 = arith.constant 0 : i32
        %scatter3A_1498 = tpu.memref_slice %arg6[%scatter3A_1494, %scatter3A_1495, %scatter3A_1496, %scatter3A_1497] : memref<2x100x1x512xf32, #tpu.memory_space<vmem>> -> memref<1x100x1x512xf32, #tpu.memory_space<vmem>>
        %scatter3A_1499 = tpu.memref_squeeze %scatter3A_1498 : memref<1x100x1x512xf32, #tpu.memory_space<vmem>> -> memref<100x1x512xf32, #tpu.memory_space<vmem>>
        tpu.vector_store_idx %scatter3A_1499[%get3A_1490, %broadcast_in_dim3A_1079, %add3A_1493], %broadcast_in_dim3A_6 : memref<100x1x512xf32, #tpu.memory_space<vmem>>[vector<16xi32>, vector<16xi32>, vector<16xi32>], vector<16xf32>,
        %mul3A_1500 = arith.constant 512 : i32
        %mul3A_1501 = arith.muli %sub3A_1076, %mul3A_1500 : i32
        %add3A_1502 = arith.constant 448 : i32
        %add3A_1503 = arith.addi %mul3A_1501, %add3A_1502 : i32
        %get3A_1504 = arith.index_cast %add3A_1503 : i32 to index
        %get3A_1505 = tpu.vector_load %arg5[%get3A_1504] {strides = array<i32>} : memref<25600xi32, #tpu.memory_space<vmem>>, vector<16xi32>,
        %add3A_1506 = arith.constant 448 : i32
        %add3A_1507 = vector.broadcast %add3A_1506 : i32 to vector<16xi32>
        %add3A_1508 = arith.addi %iota3A_1077, %add3A_1507 : vector<16xi32>
        %scatter3A_1509 = arith.constant 0 : i32
        %scatter3A_1510 = arith.constant 0 : i32
        %scatter3A_1511 = arith.constant 0 : i32
        %scatter3A_1512 = arith.constant 0 : i32
        %scatter3A_1513 = tpu.memref_slice %arg6[%scatter3A_1509, %scatter3A_1510, %scatter3A_1511, %scatter3A_1512] : memref<2x100x1x512xf32, #tpu.memory_space<vmem>> -> memref<1x100x1x512xf32, #tpu.memory_space<vmem>>
        %scatter3A_1514 = tpu.memref_squeeze %scatter3A_1513 : memref<1x100x1x512xf32, #tpu.memory_space<vmem>> -> memref<100x1x512xf32, #tpu.memory_space<vmem>>
        tpu.vector_store_idx %scatter3A_1514[%get3A_1505, %broadcast_in_dim3A_1079, %add3A_1508], %broadcast_in_dim3A_6 : memref<100x1x512xf32, #tpu.memory_space<vmem>>[vector<16xi32>, vector<16xi32>, vector<16xi32>], vector<16xf32>,
        %mul3A_1515 = arith.constant 512 : i32
        %mul3A_1516 = arith.muli %sub3A_1076, %mul3A_1515 : i32
        %add3A_1517 = arith.constant 464 : i32
        %add3A_1518 = arith.addi %mul3A_1516, %add3A_1517 : i32
        %get3A_1519 = arith.index_cast %add3A_1518 : i32 to index
        %get3A_1520 = tpu.vector_load %arg5[%get3A_1519] {strides = array<i32>} : memref<25600xi32, #tpu.memory_space<vmem>>, vector<16xi32>,
        %add3A_1521 = arith.constant 464 : i32
        %add3A_1522 = vector.broadcast %add3A_1521 : i32 to vector<16xi32>
        %add3A_1523 = arith.addi %iota3A_1077, %add3A_1522 : vector<16xi32>
        %scatter3A_1524 = arith.constant 0 : i32
        %scatter3A_1525 = arith.constant 0 : i32
        %scatter3A_1526 = arith.constant 0 : i32
        %scatter3A_1527 = arith.constant 0 : i32
        %scatter3A_1528 = tpu.memref_slice %arg6[%scatter3A_1524, %scatter3A_1525, %scatter3A_1526, %scatter3A_1527] : memref<2x100x1x512xf32, #tpu.memory_space<vmem>> -> memref<1x100x1x512xf32, #tpu.memory_space<vmem>>
        %scatter3A_1529 = tpu.memref_squeeze %scatter3A_1528 : memref<1x100x1x512xf32, #tpu.memory_space<vmem>> -> memref<100x1x512xf32, #tpu.memory_space<vmem>>
        tpu.vector_store_idx %scatter3A_1529[%get3A_1520, %broadcast_in_dim3A_1079, %add3A_1523], %broadcast_in_dim3A_6 : memref<100x1x512xf32, #tpu.memory_space<vmem>>[vector<16xi32>, vector<16xi32>, vector<16xi32>], vector<16xf32>,
        %mul3A_1530 = arith.constant 512 : i32
        %mul3A_1531 = arith.muli %sub3A_1076, %mul3A_1530 : i32
        %add3A_1532 = arith.constant 480 : i32
        %add3A_1533 = arith.addi %mul3A_1531, %add3A_1532 : i32
        %get3A_1534 = arith.index_cast %add3A_1533 : i32 to index
        %get3A_1535 = tpu.vector_load %arg5[%get3A_1534] {strides = array<i32>} : memref<25600xi32, #tpu.memory_space<vmem>>, vector<16xi32>,
        %add3A_1536 = arith.constant 480 : i32
        %add3A_1537 = vector.broadcast %add3A_1536 : i32 to vector<16xi32>
        %add3A_1538 = arith.addi %iota3A_1077, %add3A_1537 : vector<16xi32>
        %scatter3A_1539 = arith.constant 0 : i32
        %scatter3A_1540 = arith.constant 0 : i32
        %scatter3A_1541 = arith.constant 0 : i32
        %scatter3A_1542 = arith.constant 0 : i32
        %scatter3A_1543 = tpu.memref_slice %arg6[%scatter3A_1539, %scatter3A_1540, %scatter3A_1541, %scatter3A_1542] : memref<2x100x1x512xf32, #tpu.memory_space<vmem>> -> memref<1x100x1x512xf32, #tpu.memory_space<vmem>>
        %scatter3A_1544 = tpu.memref_squeeze %scatter3A_1543 : memref<1x100x1x512xf32, #tpu.memory_space<vmem>> -> memref<100x1x512xf32, #tpu.memory_space<vmem>>
        tpu.vector_store_idx %scatter3A_1544[%get3A_1535, %broadcast_in_dim3A_1079, %add3A_1538], %broadcast_in_dim3A_6 : memref<100x1x512xf32, #tpu.memory_space<vmem>>[vector<16xi32>, vector<16xi32>, vector<16xi32>], vector<16xf32>,
        %mul3A_1545 = arith.constant 512 : i32
        %mul3A_1546 = arith.muli %sub3A_1076, %mul3A_1545 : i32
        %add3A_1547 = arith.constant 496 : i32
        %add3A_1548 = arith.addi %mul3A_1546, %add3A_1547 : i32
        %get3A_1549 = arith.index_cast %add3A_1548 : i32 to index
        %get3A_1550 = tpu.vector_load %arg5[%get3A_1549] {strides = array<i32>} : memref<25600xi32, #tpu.memory_space<vmem>>, vector<16xi32>,
        %add3A_1551 = arith.constant 496 : i32
        %add3A_1552 = vector.broadcast %add3A_1551 : i32 to vector<16xi32>
        %add3A_1553 = arith.addi %iota3A_1077, %add3A_1552 : vector<16xi32>
        %scatter3A_1554 = arith.constant 0 : i32
        %scatter3A_1555 = arith.constant 0 : i32
        %scatter3A_1556 = arith.constant 0 : i32
        %scatter3A_1557 = arith.constant 0 : i32
        %scatter3A_1558 = tpu.memref_slice %arg6[%scatter3A_1554, %scatter3A_1555, %scatter3A_1556, %scatter3A_1557] : memref<2x100x1x512xf32, #tpu.memory_space<vmem>> -> memref<1x100x1x512xf32, #tpu.memory_space<vmem>>
        %scatter3A_1559 = tpu.memref_squeeze %scatter3A_1558 : memref<1x100x1x512xf32, #tpu.memory_space<vmem>> -> memref<100x1x512xf32, #tpu.memory_space<vmem>>
        tpu.vector_store_idx %scatter3A_1559[%get3A_1550, %broadcast_in_dim3A_1079, %add3A_1553], %broadcast_in_dim3A_6 : memref<100x1x512xf32, #tpu.memory_space<vmem>>[vector<16xi32>, vector<16xi32>, vector<16xi32>], vector<16xf32>,
      } else {
      }
      %iota3A = tpu.iota {dimensions = array<i32: 0>} : vector<16xi32>
      %broadcast_in_dim3A_52 = arith.constant 0 : i32
      %broadcast_in_dim3A_53 = vector.broadcast %broadcast_in_dim3A_52 : i32 to vector<16xi32>
      %mul3A_54 = arith.constant 512 : i32
      %mul3A_55 = arith.muli %add3A_49, %mul3A_54 : i32
      %add3A_56 = arith.constant 0 : i32
      %add3A_57 = arith.addi %mul3A_55, %add3A_56 : i32
      %get3A = arith.index_cast %add3A_57 : i32 to index
      %get3A_58 = tpu.vector_load %arg5[%get3A] {strides = array<i32>} : memref<25600xi32, #tpu.memory_space<vmem>>, vector<16xi32>,
      %add3A_59 = arith.constant 0 : i32
      %add3A_60 = vector.broadcast %add3A_59 : i32 to vector<16xi32>
      %add3A_61 = arith.addi %iota3A, %add3A_60 : vector<16xi32>
      %scatter3A = arith.constant 0 : i32
      %scatter3A_62 = arith.constant 0 : i32
      %scatter3A_63 = arith.constant 0 : i32
      %scatter3A_64 = arith.constant 0 : i32
      %scatter3A_65 = tpu.memref_slice %arg6[%scatter3A, %scatter3A_62, %scatter3A_63, %scatter3A_64] : memref<2x100x1x512xf32, #tpu.memory_space<vmem>> -> memref<1x100x1x512xf32, #tpu.memory_space<vmem>>
      %scatter3A_66 = tpu.memref_squeeze %scatter3A_65 : memref<1x100x1x512xf32, #tpu.memory_space<vmem>> -> memref<100x1x512xf32, #tpu.memory_space<vmem>>
      tpu.vector_store_idx %scatter3A_66[%get3A_58, %broadcast_in_dim3A_53, %add3A_61], %broadcast_in_dim3A_4 : memref<100x1x512xf32, #tpu.memory_space<vmem>>[vector<16xi32>, vector<16xi32>, vector<16xi32>], vector<16xf32>,
      %mul3A_67 = arith.constant 512 : i32
      %mul3A_68 = arith.muli %add3A_49, %mul3A_67 : i32
      %add3A_69 = arith.constant 16 : i32
      %add3A_70 = arith.addi %mul3A_68, %add3A_69 : i32
      %get3A_71 = arith.index_cast %add3A_70 : i32 to index
      %get3A_72 = tpu.vector_load %arg5[%get3A_71] {strides = array<i32>} : memref<25600xi32, #tpu.memory_space<vmem>>, vector<16xi32>,
      %add3A_73 = arith.constant 16 : i32
      %add3A_74 = vector.broadcast %add3A_73 : i32 to vector<16xi32>
      %add3A_75 = arith.addi %iota3A, %add3A_74 : vector<16xi32>
      %scatter3A_76 = arith.constant 0 : i32
      %scatter3A_77 = arith.constant 0 : i32
      %scatter3A_78 = arith.constant 0 : i32
      %scatter3A_79 = arith.constant 0 : i32
      %scatter3A_80 = tpu.memref_slice %arg6[%scatter3A_76, %scatter3A_77, %scatter3A_78, %scatter3A_79] : memref<2x100x1x512xf32, #tpu.memory_space<vmem>> -> memref<1x100x1x512xf32, #tpu.memory_space<vmem>>
      %scatter3A_81 = tpu.memref_squeeze %scatter3A_80 : memref<1x100x1x512xf32, #tpu.memory_space<vmem>> -> memref<100x1x512xf32, #tpu.memory_space<vmem>>
      tpu.vector_store_idx %scatter3A_81[%get3A_72, %broadcast_in_dim3A_53, %add3A_75], %broadcast_in_dim3A_4 : memref<100x1x512xf32, #tpu.memory_space<vmem>>[vector<16xi32>, vector<16xi32>, vector<16xi32>], vector<16xf32>,
      %mul3A_82 = arith.constant 512 : i32
      %mul3A_83 = arith.muli %add3A_49, %mul3A_82 : i32
      %add3A_84 = arith.constant 32 : i32
      %add3A_85 = arith.addi %mul3A_83, %add3A_84 : i32
      %get3A_86 = arith.index_cast %add3A_85 : i32 to index
      %get3A_87 = tpu.vector_load %arg5[%get3A_86] {strides = array<i32>} : memref<25600xi32, #tpu.memory_space<vmem>>, vector<16xi32>,
      %add3A_88 = arith.constant 32 : i32
      %add3A_89 = vector.broadcast %add3A_88 : i32 to vector<16xi32>
      %add3A_90 = arith.addi %iota3A, %add3A_89 : vector<16xi32>
      %scatter3A_91 = arith.constant 0 : i32
      %scatter3A_92 = arith.constant 0 : i32
      %scatter3A_93 = arith.constant 0 : i32
      %scatter3A_94 = arith.constant 0 : i32
      %scatter3A_95 = tpu.memref_slice %arg6[%scatter3A_91, %scatter3A_92, %scatter3A_93, %scatter3A_94] : memref<2x100x1x512xf32, #tpu.memory_space<vmem>> -> memref<1x100x1x512xf32, #tpu.memory_space<vmem>>
      %scatter3A_96 = tpu.memref_squeeze %scatter3A_95 : memref<1x100x1x512xf32, #tpu.memory_space<vmem>> -> memref<100x1x512xf32, #tpu.memory_space<vmem>>
      tpu.vector_store_idx %scatter3A_96[%get3A_87, %broadcast_in_dim3A_53, %add3A_90], %broadcast_in_dim3A_4 : memref<100x1x512xf32, #tpu.memory_space<vmem>>[vector<16xi32>, vector<16xi32>, vector<16xi32>], vector<16xf32>,
      %mul3A_97 = arith.constant 512 : i32
      %mul3A_98 = arith.muli %add3A_49, %mul3A_97 : i32
      %add3A_99 = arith.constant 48 : i32
      %add3A_100 = arith.addi %mul3A_98, %add3A_99 : i32
      %get3A_101 = arith.index_cast %add3A_100 : i32 to index
      %get3A_102 = tpu.vector_load %arg5[%get3A_101] {strides = array<i32>} : memref<25600xi32, #tpu.memory_space<vmem>>, vector<16xi32>,
      %add3A_103 = arith.constant 48 : i32
      %add3A_104 = vector.broadcast %add3A_103 : i32 to vector<16xi32>
      %add3A_105 = arith.addi %iota3A, %add3A_104 : vector<16xi32>
      %scatter3A_106 = arith.constant 0 : i32
      %scatter3A_107 = arith.constant 0 : i32
      %scatter3A_108 = arith.constant 0 : i32
      %scatter3A_109 = arith.constant 0 : i32
      %scatter3A_110 = tpu.memref_slice %arg6[%scatter3A_106, %scatter3A_107, %scatter3A_108, %scatter3A_109] : memref<2x100x1x512xf32, #tpu.memory_space<vmem>> -> memref<1x100x1x512xf32, #tpu.memory_space<vmem>>
      %scatter3A_111 = tpu.memref_squeeze %scatter3A_110 : memref<1x100x1x512xf32, #tpu.memory_space<vmem>> -> memref<100x1x512xf32, #tpu.memory_space<vmem>>
      tpu.vector_store_idx %scatter3A_111[%get3A_102, %broadcast_in_dim3A_53, %add3A_105], %broadcast_in_dim3A_4 : memref<100x1x512xf32, #tpu.memory_space<vmem>>[vector<16xi32>, vector<16xi32>, vector<16xi32>], vector<16xf32>,
      %mul3A_112 = arith.constant 512 : i32
      %mul3A_113 = arith.muli %add3A_49, %mul3A_112 : i32
      %add3A_114 = arith.constant 64 : i32
      %add3A_115 = arith.addi %mul3A_113, %add3A_114 : i32
      %get3A_116 = arith.index_cast %add3A_115 : i32 to index
      %get3A_117 = tpu.vector_load %arg5[%get3A_116] {strides = array<i32>} : memref<25600xi32, #tpu.memory_space<vmem>>, vector<16xi32>,
      %add3A_118 = arith.constant 64 : i32
      %add3A_119 = vector.broadcast %add3A_118 : i32 to vector<16xi32>
      %add3A_120 = arith.addi %iota3A, %add3A_119 : vector<16xi32>
      %scatter3A_121 = arith.constant 0 : i32
      %scatter3A_122 = arith.constant 0 : i32
      %scatter3A_123 = arith.constant 0 : i32
      %scatter3A_124 = arith.constant 0 : i32
      %scatter3A_125 = tpu.memref_slice %arg6[%scatter3A_121, %scatter3A_122, %scatter3A_123, %scatter3A_124] : memref<2x100x1x512xf32, #tpu.memory_space<vmem>> -> memref<1x100x1x512xf32, #tpu.memory_space<vmem>>
      %scatter3A_126 = tpu.memref_squeeze %scatter3A_125 : memref<1x100x1x512xf32, #tpu.memory_space<vmem>> -> memref<100x1x512xf32, #tpu.memory_space<vmem>>
      tpu.vector_store_idx %scatter3A_126[%get3A_117, %broadcast_in_dim3A_53, %add3A_120], %broadcast_in_dim3A_4 : memref<100x1x512xf32, #tpu.memory_space<vmem>>[vector<16xi32>, vector<16xi32>, vector<16xi32>], vector<16xf32>,
      %mul3A_127 = arith.constant 512 : i32
      %mul3A_128 = arith.muli %add3A_49, %mul3A_127 : i32
      %add3A_129 = arith.constant 80 : i32
      %add3A_130 = arith.addi %mul3A_128, %add3A_129 : i32
      %get3A_131 = arith.index_cast %add3A_130 : i32 to index
      %get3A_132 = tpu.vector_load %arg5[%get3A_131] {strides = array<i32>} : memref<25600xi32, #tpu.memory_space<vmem>>, vector<16xi32>,
      %add3A_133 = arith.constant 80 : i32
      %add3A_134 = vector.broadcast %add3A_133 : i32 to vector<16xi32>
      %add3A_135 = arith.addi %iota3A, %add3A_134 : vector<16xi32>
      %scatter3A_136 = arith.constant 0 : i32
      %scatter3A_137 = arith.constant 0 : i32
      %scatter3A_138 = arith.constant 0 : i32
      %scatter3A_139 = arith.constant 0 : i32
      %scatter3A_140 = tpu.memref_slice %arg6[%scatter3A_136, %scatter3A_137, %scatter3A_138, %scatter3A_139] : memref<2x100x1x512xf32, #tpu.memory_space<vmem>> -> memref<1x100x1x512xf32, #tpu.memory_space<vmem>>
      %scatter3A_141 = tpu.memref_squeeze %scatter3A_140 : memref<1x100x1x512xf32, #tpu.memory_space<vmem>> -> memref<100x1x512xf32, #tpu.memory_space<vmem>>
      tpu.vector_store_idx %scatter3A_141[%get3A_132, %broadcast_in_dim3A_53, %add3A_135], %broadcast_in_dim3A_4 : memref<100x1x512xf32, #tpu.memory_space<vmem>>[vector<16xi32>, vector<16xi32>, vector<16xi32>], vector<16xf32>,
      %mul3A_142 = arith.constant 512 : i32
      %mul3A_143 = arith.muli %add3A_49, %mul3A_142 : i32
      %add3A_144 = arith.constant 96 : i32
      %add3A_145 = arith.addi %mul3A_143, %add3A_144 : i32
      %get3A_146 = arith.index_cast %add3A_145 : i32 to index
      %get3A_147 = tpu.vector_load %arg5[%get3A_146] {strides = array<i32>} : memref<25600xi32, #tpu.memory_space<vmem>>, vector<16xi32>,
      %add3A_148 = arith.constant 96 : i32
      %add3A_149 = vector.broadcast %add3A_148 : i32 to vector<16xi32>
      %add3A_150 = arith.addi %iota3A, %add3A_149 : vector<16xi32>
      %scatter3A_151 = arith.constant 0 : i32
      %scatter3A_152 = arith.constant 0 : i32
      %scatter3A_153 = arith.constant 0 : i32
      %scatter3A_154 = arith.constant 0 : i32
      %scatter3A_155 = tpu.memref_slice %arg6[%scatter3A_151, %scatter3A_152, %scatter3A_153, %scatter3A_154] : memref<2x100x1x512xf32, #tpu.memory_space<vmem>> -> memref<1x100x1x512xf32, #tpu.memory_space<vmem>>
      %scatter3A_156 = tpu.memref_squeeze %scatter3A_155 : memref<1x100x1x512xf32, #tpu.memory_space<vmem>> -> memref<100x1x512xf32, #tpu.memory_space<vmem>>
      tpu.vector_store_idx %scatter3A_156[%get3A_147, %broadcast_in_dim3A_53, %add3A_150], %broadcast_in_dim3A_4 : memref<100x1x512xf32, #tpu.memory_space<vmem>>[vector<16xi32>, vector<16xi32>, vector<16xi32>], vector<16xf32>,
      %mul3A_157 = arith.constant 512 : i32
      %mul3A_158 = arith.muli %add3A_49, %mul3A_157 : i32
      %add3A_159 = arith.constant 112 : i32
      %add3A_160 = arith.addi %mul3A_158, %add3A_159 : i32
      %get3A_161 = arith.index_cast %add3A_160 : i32 to index
      %get3A_162 = tpu.vector_load %arg5[%get3A_161] {strides = array<i32>} : memref<25600xi32, #tpu.memory_space<vmem>>, vector<16xi32>,
      %add3A_163 = arith.constant 112 : i32
      %add3A_164 = vector.broadcast %add3A_163 : i32 to vector<16xi32>
      %add3A_165 = arith.addi %iota3A, %add3A_164 : vector<16xi32>
      %scatter3A_166 = arith.constant 0 : i32
      %scatter3A_167 = arith.constant 0 : i32
      %scatter3A_168 = arith.constant 0 : i32
      %scatter3A_169 = arith.constant 0 : i32
      %scatter3A_170 = tpu.memref_slice %arg6[%scatter3A_166, %scatter3A_167, %scatter3A_168, %scatter3A_169] : memref<2x100x1x512xf32, #tpu.memory_space<vmem>> -> memref<1x100x1x512xf32, #tpu.memory_space<vmem>>
      %scatter3A_171 = tpu.memref_squeeze %scatter3A_170 : memref<1x100x1x512xf32, #tpu.memory_space<vmem>> -> memref<100x1x512xf32, #tpu.memory_space<vmem>>
      tpu.vector_store_idx %scatter3A_171[%get3A_162, %broadcast_in_dim3A_53, %add3A_165], %broadcast_in_dim3A_4 : memref<100x1x512xf32, #tpu.memory_space<vmem>>[vector<16xi32>, vector<16xi32>, vector<16xi32>], vector<16xf32>,
      %mul3A_172 = arith.constant 512 : i32
      %mul3A_173 = arith.muli %add3A_49, %mul3A_172 : i32
      %add3A_174 = arith.constant 128 : i32
      %add3A_175 = arith.addi %mul3A_173, %add3A_174 : i32
      %get3A_176 = arith.index_cast %add3A_175 : i32 to index
      %get3A_177 = tpu.vector_load %arg5[%get3A_176] {strides = array<i32>} : memref<25600xi32, #tpu.memory_space<vmem>>, vector<16xi32>,
      %add3A_178 = arith.constant 128 : i32
      %add3A_179 = vector.broadcast %add3A_178 : i32 to vector<16xi32>
      %add3A_180 = arith.addi %iota3A, %add3A_179 : vector<16xi32>
      %scatter3A_181 = arith.constant 0 : i32
      %scatter3A_182 = arith.constant 0 : i32
      %scatter3A_183 = arith.constant 0 : i32
      %scatter3A_184 = arith.constant 0 : i32
      %scatter3A_185 = tpu.memref_slice %arg6[%scatter3A_181, %scatter3A_182, %scatter3A_183, %scatter3A_184] : memref<2x100x1x512xf32, #tpu.memory_space<vmem>> -> memref<1x100x1x512xf32, #tpu.memory_space<vmem>>
      %scatter3A_186 = tpu.memref_squeeze %scatter3A_185 : memref<1x100x1x512xf32, #tpu.memory_space<vmem>> -> memref<100x1x512xf32, #tpu.memory_space<vmem>>
      tpu.vector_store_idx %scatter3A_186[%get3A_177, %broadcast_in_dim3A_53, %add3A_180], %broadcast_in_dim3A_4 : memref<100x1x512xf32, #tpu.memory_space<vmem>>[vector<16xi32>, vector<16xi32>, vector<16xi32>], vector<16xf32>,
      %mul3A_187 = arith.constant 512 : i32
      %mul3A_188 = arith.muli %add3A_49, %mul3A_187 : i32
      %add3A_189 = arith.constant 144 : i32
      %add3A_190 = arith.addi %mul3A_188, %add3A_189 : i32
      %get3A_191 = arith.index_cast %add3A_190 : i32 to index
      %get3A_192 = tpu.vector_load %arg5[%get3A_191] {strides = array<i32>} : memref<25600xi32, #tpu.memory_space<vmem>>, vector<16xi32>,
      %add3A_193 = arith.constant 144 : i32
      %add3A_194 = vector.broadcast %add3A_193 : i32 to vector<16xi32>
      %add3A_195 = arith.addi %iota3A, %add3A_194 : vector<16xi32>
      %scatter3A_196 = arith.constant 0 : i32
      %scatter3A_197 = arith.constant 0 : i32
      %scatter3A_198 = arith.constant 0 : i32
      %scatter3A_199 = arith.constant 0 : i32
      %scatter3A_200 = tpu.memref_slice %arg6[%scatter3A_196, %scatter3A_197, %scatter3A_198, %scatter3A_199] : memref<2x100x1x512xf32, #tpu.memory_space<vmem>> -> memref<1x100x1x512xf32, #tpu.memory_space<vmem>>
      %scatter3A_201 = tpu.memref_squeeze %scatter3A_200 : memref<1x100x1x512xf32, #tpu.memory_space<vmem>> -> memref<100x1x512xf32, #tpu.memory_space<vmem>>
      tpu.vector_store_idx %scatter3A_201[%get3A_192, %broadcast_in_dim3A_53, %add3A_195], %broadcast_in_dim3A_4 : memref<100x1x512xf32, #tpu.memory_space<vmem>>[vector<16xi32>, vector<16xi32>, vector<16xi32>], vector<16xf32>,
      %mul3A_202 = arith.constant 512 : i32
      %mul3A_203 = arith.muli %add3A_49, %mul3A_202 : i32
      %add3A_204 = arith.constant 160 : i32
      %add3A_205 = arith.addi %mul3A_203, %add3A_204 : i32
      %get3A_206 = arith.index_cast %add3A_205 : i32 to index
      %get3A_207 = tpu.vector_load %arg5[%get3A_206] {strides = array<i32>} : memref<25600xi32, #tpu.memory_space<vmem>>, vector<16xi32>,
      %add3A_208 = arith.constant 160 : i32
      %add3A_209 = vector.broadcast %add3A_208 : i32 to vector<16xi32>
      %add3A_210 = arith.addi %iota3A, %add3A_209 : vector<16xi32>
      %scatter3A_211 = arith.constant 0 : i32
      %scatter3A_212 = arith.constant 0 : i32
      %scatter3A_213 = arith.constant 0 : i32
      %scatter3A_214 = arith.constant 0 : i32
      %scatter3A_215 = tpu.memref_slice %arg6[%scatter3A_211, %scatter3A_212, %scatter3A_213, %scatter3A_214] : memref<2x100x1x512xf32, #tpu.memory_space<vmem>> -> memref<1x100x1x512xf32, #tpu.memory_space<vmem>>
      %scatter3A_216 = tpu.memref_squeeze %scatter3A_215 : memref<1x100x1x512xf32, #tpu.memory_space<vmem>> -> memref<100x1x512xf32, #tpu.memory_space<vmem>>
      tpu.vector_store_idx %scatter3A_216[%get3A_207, %broadcast_in_dim3A_53, %add3A_210], %broadcast_in_dim3A_4 : memref<100x1x512xf32, #tpu.memory_space<vmem>>[vector<16xi32>, vector<16xi32>, vector<16xi32>], vector<16xf32>,
      %mul3A_217 = arith.constant 512 : i32
      %mul3A_218 = arith.muli %add3A_49, %mul3A_217 : i32
      %add3A_219 = arith.constant 176 : i32
      %add3A_220 = arith.addi %mul3A_218, %add3A_219 : i32
      %get3A_221 = arith.index_cast %add3A_220 : i32 to index
      %get3A_222 = tpu.vector_load %arg5[%get3A_221] {strides = array<i32>} : memref<25600xi32, #tpu.memory_space<vmem>>, vector<16xi32>,
      %add3A_223 = arith.constant 176 : i32
      %add3A_224 = vector.broadcast %add3A_223 : i32 to vector<16xi32>
      %add3A_225 = arith.addi %iota3A, %add3A_224 : vector<16xi32>
      %scatter3A_226 = arith.constant 0 : i32
      %scatter3A_227 = arith.constant 0 : i32
      %scatter3A_228 = arith.constant 0 : i32
      %scatter3A_229 = arith.constant 0 : i32
      %scatter3A_230 = tpu.memref_slice %arg6[%scatter3A_226, %scatter3A_227, %scatter3A_228, %scatter3A_229] : memref<2x100x1x512xf32, #tpu.memory_space<vmem>> -> memref<1x100x1x512xf32, #tpu.memory_space<vmem>>
      %scatter3A_231 = tpu.memref_squeeze %scatter3A_230 : memref<1x100x1x512xf32, #tpu.memory_space<vmem>> -> memref<100x1x512xf32, #tpu.memory_space<vmem>>
      tpu.vector_store_idx %scatter3A_231[%get3A_222, %broadcast_in_dim3A_53, %add3A_225], %broadcast_in_dim3A_4 : memref<100x1x512xf32, #tpu.memory_space<vmem>>[vector<16xi32>, vector<16xi32>, vector<16xi32>], vector<16xf32>,
      %mul3A_232 = arith.constant 512 : i32
      %mul3A_233 = arith.muli %add3A_49, %mul3A_232 : i32
      %add3A_234 = arith.constant 192 : i32
      %add3A_235 = arith.addi %mul3A_233, %add3A_234 : i32
      %get3A_236 = arith.index_cast %add3A_235 : i32 to index
      %get3A_237 = tpu.vector_load %arg5[%get3A_236] {strides = array<i32>} : memref<25600xi32, #tpu.memory_space<vmem>>, vector<16xi32>,
      %add3A_238 = arith.constant 192 : i32
      %add3A_239 = vector.broadcast %add3A_238 : i32 to vector<16xi32>
      %add3A_240 = arith.addi %iota3A, %add3A_239 : vector<16xi32>
      %scatter3A_241 = arith.constant 0 : i32
      %scatter3A_242 = arith.constant 0 : i32
      %scatter3A_243 = arith.constant 0 : i32
      %scatter3A_244 = arith.constant 0 : i32
      %scatter3A_245 = tpu.memref_slice %arg6[%scatter3A_241, %scatter3A_242, %scatter3A_243, %scatter3A_244] : memref<2x100x1x512xf32, #tpu.memory_space<vmem>> -> memref<1x100x1x512xf32, #tpu.memory_space<vmem>>
      %scatter3A_246 = tpu.memref_squeeze %scatter3A_245 : memref<1x100x1x512xf32, #tpu.memory_space<vmem>> -> memref<100x1x512xf32, #tpu.memory_space<vmem>>
      tpu.vector_store_idx %scatter3A_246[%get3A_237, %broadcast_in_dim3A_53, %add3A_240], %broadcast_in_dim3A_4 : memref<100x1x512xf32, #tpu.memory_space<vmem>>[vector<16xi32>, vector<16xi32>, vector<16xi32>], vector<16xf32>,
      %mul3A_247 = arith.constant 512 : i32
      %mul3A_248 = arith.muli %add3A_49, %mul3A_247 : i32
      %add3A_249 = arith.constant 208 : i32
      %add3A_250 = arith.addi %mul3A_248, %add3A_249 : i32
      %get3A_251 = arith.index_cast %add3A_250 : i32 to index
      %get3A_252 = tpu.vector_load %arg5[%get3A_251] {strides = array<i32>} : memref<25600xi32, #tpu.memory_space<vmem>>, vector<16xi32>,
      %add3A_253 = arith.constant 208 : i32
      %add3A_254 = vector.broadcast %add3A_253 : i32 to vector<16xi32>
      %add3A_255 = arith.addi %iota3A, %add3A_254 : vector<16xi32>
      %scatter3A_256 = arith.constant 0 : i32
      %scatter3A_257 = arith.constant 0 : i32
      %scatter3A_258 = arith.constant 0 : i32
      %scatter3A_259 = arith.constant 0 : i32
      %scatter3A_260 = tpu.memref_slice %arg6[%scatter3A_256, %scatter3A_257, %scatter3A_258, %scatter3A_259] : memref<2x100x1x512xf32, #tpu.memory_space<vmem>> -> memref<1x100x1x512xf32, #tpu.memory_space<vmem>>
      %scatter3A_261 = tpu.memref_squeeze %scatter3A_260 : memref<1x100x1x512xf32, #tpu.memory_space<vmem>> -> memref<100x1x512xf32, #tpu.memory_space<vmem>>
      tpu.vector_store_idx %scatter3A_261[%get3A_252, %broadcast_in_dim3A_53, %add3A_255], %broadcast_in_dim3A_4 : memref<100x1x512xf32, #tpu.memory_space<vmem>>[vector<16xi32>, vector<16xi32>, vector<16xi32>], vector<16xf32>,
      %mul3A_262 = arith.constant 512 : i32
      %mul3A_263 = arith.muli %add3A_49, %mul3A_262 : i32
      %add3A_264 = arith.constant 224 : i32
      %add3A_265 = arith.addi %mul3A_263, %add3A_264 : i32
      %get3A_266 = arith.index_cast %add3A_265 : i32 to index
      %get3A_267 = tpu.vector_load %arg5[%get3A_266] {strides = array<i32>} : memref<25600xi32, #tpu.memory_space<vmem>>, vector<16xi32>,
      %add3A_268 = arith.constant 224 : i32
      %add3A_269 = vector.broadcast %add3A_268 : i32 to vector<16xi32>
      %add3A_270 = arith.addi %iota3A, %add3A_269 : vector<16xi32>
      %scatter3A_271 = arith.constant 0 : i32
      %scatter3A_272 = arith.constant 0 : i32
      %scatter3A_273 = arith.constant 0 : i32
      %scatter3A_274 = arith.constant 0 : i32
      %scatter3A_275 = tpu.memref_slice %arg6[%scatter3A_271, %scatter3A_272, %scatter3A_273, %scatter3A_274] : memref<2x100x1x512xf32, #tpu.memory_space<vmem>> -> memref<1x100x1x512xf32, #tpu.memory_space<vmem>>
      %scatter3A_276 = tpu.memref_squeeze %scatter3A_275 : memref<1x100x1x512xf32, #tpu.memory_space<vmem>> -> memref<100x1x512xf32, #tpu.memory_space<vmem>>
      tpu.vector_store_idx %scatter3A_276[%get3A_267, %broadcast_in_dim3A_53, %add3A_270], %broadcast_in_dim3A_4 : memref<100x1x512xf32, #tpu.memory_space<vmem>>[vector<16xi32>, vector<16xi32>, vector<16xi32>], vector<16xf32>,
      %mul3A_277 = arith.constant 512 : i32
      %mul3A_278 = arith.muli %add3A_49, %mul3A_277 : i32
      %add3A_279 = arith.constant 240 : i32
      %add3A_280 = arith.addi %mul3A_278, %add3A_279 : i32
      %get3A_281 = arith.index_cast %add3A_280 : i32 to index
      %get3A_282 = tpu.vector_load %arg5[%get3A_281] {strides = array<i32>} : memref<25600xi32, #tpu.memory_space<vmem>>, vector<16xi32>,
      %add3A_283 = arith.constant 240 : i32
      %add3A_284 = vector.broadcast %add3A_283 : i32 to vector<16xi32>
      %add3A_285 = arith.addi %iota3A, %add3A_284 : vector<16xi32>
      %scatter3A_286 = arith.constant 0 : i32
      %scatter3A_287 = arith.constant 0 : i32
      %scatter3A_288 = arith.constant 0 : i32
      %scatter3A_289 = arith.constant 0 : i32
      %scatter3A_290 = tpu.memref_slice %arg6[%scatter3A_286, %scatter3A_287, %scatter3A_288, %scatter3A_289] : memref<2x100x1x512xf32, #tpu.memory_space<vmem>> -> memref<1x100x1x512xf32, #tpu.memory_space<vmem>>
      %scatter3A_291 = tpu.memref_squeeze %scatter3A_290 : memref<1x100x1x512xf32, #tpu.memory_space<vmem>> -> memref<100x1x512xf32, #tpu.memory_space<vmem>>
      tpu.vector_store_idx %scatter3A_291[%get3A_282, %broadcast_in_dim3A_53, %add3A_285], %broadcast_in_dim3A_4 : memref<100x1x512xf32, #tpu.memory_space<vmem>>[vector<16xi32>, vector<16xi32>, vector<16xi32>], vector<16xf32>,
      %mul3A_292 = arith.constant 512 : i32
      %mul3A_293 = arith.muli %add3A_49, %mul3A_292 : i32
      %add3A_294 = arith.constant 256 : i32
      %add3A_295 = arith.addi %mul3A_293, %add3A_294 : i32
      %get3A_296 = arith.index_cast %add3A_295 : i32 to index
      %get3A_297 = tpu.vector_load %arg5[%get3A_296] {strides = array<i32>} : memref<25600xi32, #tpu.memory_space<vmem>>, vector<16xi32>,
      %add3A_298 = arith.constant 256 : i32
      %add3A_299 = vector.broadcast %add3A_298 : i32 to vector<16xi32>
      %add3A_300 = arith.addi %iota3A, %add3A_299 : vector<16xi32>
      %scatter3A_301 = arith.constant 0 : i32
      %scatter3A_302 = arith.constant 0 : i32
      %scatter3A_303 = arith.constant 0 : i32
      %scatter3A_304 = arith.constant 0 : i32
      %scatter3A_305 = tpu.memref_slice %arg6[%scatter3A_301, %scatter3A_302, %scatter3A_303, %scatter3A_304] : memref<2x100x1x512xf32, #tpu.memory_space<vmem>> -> memref<1x100x1x512xf32, #tpu.memory_space<vmem>>
      %scatter3A_306 = tpu.memref_squeeze %scatter3A_305 : memref<1x100x1x512xf32, #tpu.memory_space<vmem>> -> memref<100x1x512xf32, #tpu.memory_space<vmem>>
      tpu.vector_store_idx %scatter3A_306[%get3A_297, %broadcast_in_dim3A_53, %add3A_300], %broadcast_in_dim3A_4 : memref<100x1x512xf32, #tpu.memory_space<vmem>>[vector<16xi32>, vector<16xi32>, vector<16xi32>], vector<16xf32>,
      %mul3A_307 = arith.constant 512 : i32
      %mul3A_308 = arith.muli %add3A_49, %mul3A_307 : i32
      %add3A_309 = arith.constant 272 : i32
      %add3A_310 = arith.addi %mul3A_308, %add3A_309 : i32
      %get3A_311 = arith.index_cast %add3A_310 : i32 to index
      %get3A_312 = tpu.vector_load %arg5[%get3A_311] {strides = array<i32>} : memref<25600xi32, #tpu.memory_space<vmem>>, vector<16xi32>,
      %add3A_313 = arith.constant 272 : i32
      %add3A_314 = vector.broadcast %add3A_313 : i32 to vector<16xi32>
      %add3A_315 = arith.addi %iota3A, %add3A_314 : vector<16xi32>
      %scatter3A_316 = arith.constant 0 : i32
      %scatter3A_317 = arith.constant 0 : i32
      %scatter3A_318 = arith.constant 0 : i32
      %scatter3A_319 = arith.constant 0 : i32
      %scatter3A_320 = tpu.memref_slice %arg6[%scatter3A_316, %scatter3A_317, %scatter3A_318, %scatter3A_319] : memref<2x100x1x512xf32, #tpu.memory_space<vmem>> -> memref<1x100x1x512xf32, #tpu.memory_space<vmem>>
      %scatter3A_321 = tpu.memref_squeeze %scatter3A_320 : memref<1x100x1x512xf32, #tpu.memory_space<vmem>> -> memref<100x1x512xf32, #tpu.memory_space<vmem>>
      tpu.vector_store_idx %scatter3A_321[%get3A_312, %broadcast_in_dim3A_53, %add3A_315], %broadcast_in_dim3A_4 : memref<100x1x512xf32, #tpu.memory_space<vmem>>[vector<16xi32>, vector<16xi32>, vector<16xi32>], vector<16xf32>,
      %mul3A_322 = arith.constant 512 : i32
      %mul3A_323 = arith.muli %add3A_49, %mul3A_322 : i32
      %add3A_324 = arith.constant 288 : i32
      %add3A_325 = arith.addi %mul3A_323, %add3A_324 : i32
      %get3A_326 = arith.index_cast %add3A_325 : i32 to index
      %get3A_327 = tpu.vector_load %arg5[%get3A_326] {strides = array<i32>} : memref<25600xi32, #tpu.memory_space<vmem>>, vector<16xi32>,
      %add3A_328 = arith.constant 288 : i32
      %add3A_329 = vector.broadcast %add3A_328 : i32 to vector<16xi32>
      %add3A_330 = arith.addi %iota3A, %add3A_329 : vector<16xi32>
      %scatter3A_331 = arith.constant 0 : i32
      %scatter3A_332 = arith.constant 0 : i32
      %scatter3A_333 = arith.constant 0 : i32
      %scatter3A_334 = arith.constant 0 : i32
      %scatter3A_335 = tpu.memref_slice %arg6[%scatter3A_331, %scatter3A_332, %scatter3A_333, %scatter3A_334] : memref<2x100x1x512xf32, #tpu.memory_space<vmem>> -> memref<1x100x1x512xf32, #tpu.memory_space<vmem>>
      %scatter3A_336 = tpu.memref_squeeze %scatter3A_335 : memref<1x100x1x512xf32, #tpu.memory_space<vmem>> -> memref<100x1x512xf32, #tpu.memory_space<vmem>>
      tpu.vector_store_idx %scatter3A_336[%get3A_327, %broadcast_in_dim3A_53, %add3A_330], %broadcast_in_dim3A_4 : memref<100x1x512xf32, #tpu.memory_space<vmem>>[vector<16xi32>, vector<16xi32>, vector<16xi32>], vector<16xf32>,
      %mul3A_337 = arith.constant 512 : i32
      %mul3A_338 = arith.muli %add3A_49, %mul3A_337 : i32
      %add3A_339 = arith.constant 304 : i32
      %add3A_340 = arith.addi %mul3A_338, %add3A_339 : i32
      %get3A_341 = arith.index_cast %add3A_340 : i32 to index
      %get3A_342 = tpu.vector_load %arg5[%get3A_341] {strides = array<i32>} : memref<25600xi32, #tpu.memory_space<vmem>>, vector<16xi32>,
      %add3A_343 = arith.constant 304 : i32
      %add3A_344 = vector.broadcast %add3A_343 : i32 to vector<16xi32>
      %add3A_345 = arith.addi %iota3A, %add3A_344 : vector<16xi32>
      %scatter3A_346 = arith.constant 0 : i32
      %scatter3A_347 = arith.constant 0 : i32
      %scatter3A_348 = arith.constant 0 : i32
      %scatter3A_349 = arith.constant 0 : i32
      %scatter3A_350 = tpu.memref_slice %arg6[%scatter3A_346, %scatter3A_347, %scatter3A_348, %scatter3A_349] : memref<2x100x1x512xf32, #tpu.memory_space<vmem>> -> memref<1x100x1x512xf32, #tpu.memory_space<vmem>>
      %scatter3A_351 = tpu.memref_squeeze %scatter3A_350 : memref<1x100x1x512xf32, #tpu.memory_space<vmem>> -> memref<100x1x512xf32, #tpu.memory_space<vmem>>
      tpu.vector_store_idx %scatter3A_351[%get3A_342, %broadcast_in_dim3A_53, %add3A_345], %broadcast_in_dim3A_4 : memref<100x1x512xf32, #tpu.memory_space<vmem>>[vector<16xi32>, vector<16xi32>, vector<16xi32>], vector<16xf32>,
      %mul3A_352 = arith.constant 512 : i32
      %mul3A_353 = arith.muli %add3A_49, %mul3A_352 : i32
      %add3A_354 = arith.constant 320 : i32
      %add3A_355 = arith.addi %mul3A_353, %add3A_354 : i32
      %get3A_356 = arith.index_cast %add3A_355 : i32 to index
      %get3A_357 = tpu.vector_load %arg5[%get3A_356] {strides = array<i32>} : memref<25600xi32, #tpu.memory_space<vmem>>, vector<16xi32>,
      %add3A_358 = arith.constant 320 : i32
      %add3A_359 = vector.broadcast %add3A_358 : i32 to vector<16xi32>
      %add3A_360 = arith.addi %iota3A, %add3A_359 : vector<16xi32>
      %scatter3A_361 = arith.constant 0 : i32
      %scatter3A_362 = arith.constant 0 : i32
      %scatter3A_363 = arith.constant 0 : i32
      %scatter3A_364 = arith.constant 0 : i32
      %scatter3A_365 = tpu.memref_slice %arg6[%scatter3A_361, %scatter3A_362, %scatter3A_363, %scatter3A_364] : memref<2x100x1x512xf32, #tpu.memory_space<vmem>> -> memref<1x100x1x512xf32, #tpu.memory_space<vmem>>
      %scatter3A_366 = tpu.memref_squeeze %scatter3A_365 : memref<1x100x1x512xf32, #tpu.memory_space<vmem>> -> memref<100x1x512xf32, #tpu.memory_space<vmem>>
      tpu.vector_store_idx %scatter3A_366[%get3A_357, %broadcast_in_dim3A_53, %add3A_360], %broadcast_in_dim3A_4 : memref<100x1x512xf32, #tpu.memory_space<vmem>>[vector<16xi32>, vector<16xi32>, vector<16xi32>], vector<16xf32>,
      %mul3A_367 = arith.constant 512 : i32
      %mul3A_368 = arith.muli %add3A_49, %mul3A_367 : i32
      %add3A_369 = arith.constant 336 : i32
      %add3A_370 = arith.addi %mul3A_368, %add3A_369 : i32
      %get3A_371 = arith.index_cast %add3A_370 : i32 to index
      %get3A_372 = tpu.vector_load %arg5[%get3A_371] {strides = array<i32>} : memref<25600xi32, #tpu.memory_space<vmem>>, vector<16xi32>,
      %add3A_373 = arith.constant 336 : i32
      %add3A_374 = vector.broadcast %add3A_373 : i32 to vector<16xi32>
      %add3A_375 = arith.addi %iota3A, %add3A_374 : vector<16xi32>
      %scatter3A_376 = arith.constant 0 : i32
      %scatter3A_377 = arith.constant 0 : i32
      %scatter3A_378 = arith.constant 0 : i32
      %scatter3A_379 = arith.constant 0 : i32
      %scatter3A_380 = tpu.memref_slice %arg6[%scatter3A_376, %scatter3A_377, %scatter3A_378, %scatter3A_379] : memref<2x100x1x512xf32, #tpu.memory_space<vmem>> -> memref<1x100x1x512xf32, #tpu.memory_space<vmem>>
      %scatter3A_381 = tpu.memref_squeeze %scatter3A_380 : memref<1x100x1x512xf32, #tpu.memory_space<vmem>> -> memref<100x1x512xf32, #tpu.memory_space<vmem>>
      tpu.vector_store_idx %scatter3A_381[%get3A_372, %broadcast_in_dim3A_53, %add3A_375], %broadcast_in_dim3A_4 : memref<100x1x512xf32, #tpu.memory_space<vmem>>[vector<16xi32>, vector<16xi32>, vector<16xi32>], vector<16xf32>,
      %mul3A_382 = arith.constant 512 : i32
      %mul3A_383 = arith.muli %add3A_49, %mul3A_382 : i32
      %add3A_384 = arith.constant 352 : i32
      %add3A_385 = arith.addi %mul3A_383, %add3A_384 : i32
      %get3A_386 = arith.index_cast %add3A_385 : i32 to index
      %get3A_387 = tpu.vector_load %arg5[%get3A_386] {strides = array<i32>} : memref<25600xi32, #tpu.memory_space<vmem>>, vector<16xi32>,
      %add3A_388 = arith.constant 352 : i32
      %add3A_389 = vector.broadcast %add3A_388 : i32 to vector<16xi32>
      %add3A_390 = arith.addi %iota3A, %add3A_389 : vector<16xi32>
      %scatter3A_391 = arith.constant 0 : i32
      %scatter3A_392 = arith.constant 0 : i32
      %scatter3A_393 = arith.constant 0 : i32
      %scatter3A_394 = arith.constant 0 : i32
      %scatter3A_395 = tpu.memref_slice %arg6[%scatter3A_391, %scatter3A_392, %scatter3A_393, %scatter3A_394] : memref<2x100x1x512xf32, #tpu.memory_space<vmem>> -> memref<1x100x1x512xf32, #tpu.memory_space<vmem>>
      %scatter3A_396 = tpu.memref_squeeze %scatter3A_395 : memref<1x100x1x512xf32, #tpu.memory_space<vmem>> -> memref<100x1x512xf32, #tpu.memory_space<vmem>>
      tpu.vector_store_idx %scatter3A_396[%get3A_387, %broadcast_in_dim3A_53, %add3A_390], %broadcast_in_dim3A_4 : memref<100x1x512xf32, #tpu.memory_space<vmem>>[vector<16xi32>, vector<16xi32>, vector<16xi32>], vector<16xf32>,
      %mul3A_397 = arith.constant 512 : i32
      %mul3A_398 = arith.muli %add3A_49, %mul3A_397 : i32
      %add3A_399 = arith.constant 368 : i32
      %add3A_400 = arith.addi %mul3A_398, %add3A_399 : i32
      %get3A_401 = arith.index_cast %add3A_400 : i32 to index
      %get3A_402 = tpu.vector_load %arg5[%get3A_401] {strides = array<i32>} : memref<25600xi32, #tpu.memory_space<vmem>>, vector<16xi32>,
      %add3A_403 = arith.constant 368 : i32
      %add3A_404 = vector.broadcast %add3A_403 : i32 to vector<16xi32>
      %add3A_405 = arith.addi %iota3A, %add3A_404 : vector<16xi32>
      %scatter3A_406 = arith.constant 0 : i32
      %scatter3A_407 = arith.constant 0 : i32
      %scatter3A_408 = arith.constant 0 : i32
      %scatter3A_409 = arith.constant 0 : i32
      %scatter3A_410 = tpu.memref_slice %arg6[%scatter3A_406, %scatter3A_407, %scatter3A_408, %scatter3A_409] : memref<2x100x1x512xf32, #tpu.memory_space<vmem>> -> memref<1x100x1x512xf32, #tpu.memory_space<vmem>>
      %scatter3A_411 = tpu.memref_squeeze %scatter3A_410 : memref<1x100x1x512xf32, #tpu.memory_space<vmem>> -> memref<100x1x512xf32, #tpu.memory_space<vmem>>
      tpu.vector_store_idx %scatter3A_411[%get3A_402, %broadcast_in_dim3A_53, %add3A_405], %broadcast_in_dim3A_4 : memref<100x1x512xf32, #tpu.memory_space<vmem>>[vector<16xi32>, vector<16xi32>, vector<16xi32>], vector<16xf32>,
      %mul3A_412 = arith.constant 512 : i32
      %mul3A_413 = arith.muli %add3A_49, %mul3A_412 : i32
      %add3A_414 = arith.constant 384 : i32
      %add3A_415 = arith.addi %mul3A_413, %add3A_414 : i32
      %get3A_416 = arith.index_cast %add3A_415 : i32 to index
      %get3A_417 = tpu.vector_load %arg5[%get3A_416] {strides = array<i32>} : memref<25600xi32, #tpu.memory_space<vmem>>, vector<16xi32>,
      %add3A_418 = arith.constant 384 : i32
      %add3A_419 = vector.broadcast %add3A_418 : i32 to vector<16xi32>
      %add3A_420 = arith.addi %iota3A, %add3A_419 : vector<16xi32>
      %scatter3A_421 = arith.constant 0 : i32
      %scatter3A_422 = arith.constant 0 : i32
      %scatter3A_423 = arith.constant 0 : i32
      %scatter3A_424 = arith.constant 0 : i32
      %scatter3A_425 = tpu.memref_slice %arg6[%scatter3A_421, %scatter3A_422, %scatter3A_423, %scatter3A_424] : memref<2x100x1x512xf32, #tpu.memory_space<vmem>> -> memref<1x100x1x512xf32, #tpu.memory_space<vmem>>
      %scatter3A_426 = tpu.memref_squeeze %scatter3A_425 : memref<1x100x1x512xf32, #tpu.memory_space<vmem>> -> memref<100x1x512xf32, #tpu.memory_space<vmem>>
      tpu.vector_store_idx %scatter3A_426[%get3A_417, %broadcast_in_dim3A_53, %add3A_420], %broadcast_in_dim3A_4 : memref<100x1x512xf32, #tpu.memory_space<vmem>>[vector<16xi32>, vector<16xi32>, vector<16xi32>], vector<16xf32>,
      %mul3A_427 = arith.constant 512 : i32
      %mul3A_428 = arith.muli %add3A_49, %mul3A_427 : i32
      %add3A_429 = arith.constant 400 : i32
      %add3A_430 = arith.addi %mul3A_428, %add3A_429 : i32
      %get3A_431 = arith.index_cast %add3A_430 : i32 to index
      %get3A_432 = tpu.vector_load %arg5[%get3A_431] {strides = array<i32>} : memref<25600xi32, #tpu.memory_space<vmem>>, vector<16xi32>,
      %add3A_433 = arith.constant 400 : i32
      %add3A_434 = vector.broadcast %add3A_433 : i32 to vector<16xi32>
      %add3A_435 = arith.addi %iota3A, %add3A_434 : vector<16xi32>
      %scatter3A_436 = arith.constant 0 : i32
      %scatter3A_437 = arith.constant 0 : i32
      %scatter3A_438 = arith.constant 0 : i32
      %scatter3A_439 = arith.constant 0 : i32
      %scatter3A_440 = tpu.memref_slice %arg6[%scatter3A_436, %scatter3A_437, %scatter3A_438, %scatter3A_439] : memref<2x100x1x512xf32, #tpu.memory_space<vmem>> -> memref<1x100x1x512xf32, #tpu.memory_space<vmem>>
      %scatter3A_441 = tpu.memref_squeeze %scatter3A_440 : memref<1x100x1x512xf32, #tpu.memory_space<vmem>> -> memref<100x1x512xf32, #tpu.memory_space<vmem>>
      tpu.vector_store_idx %scatter3A_441[%get3A_432, %broadcast_in_dim3A_53, %add3A_435], %broadcast_in_dim3A_4 : memref<100x1x512xf32, #tpu.memory_space<vmem>>[vector<16xi32>, vector<16xi32>, vector<16xi32>], vector<16xf32>,
      %mul3A_442 = arith.constant 512 : i32
      %mul3A_443 = arith.muli %add3A_49, %mul3A_442 : i32
      %add3A_444 = arith.constant 416 : i32
      %add3A_445 = arith.addi %mul3A_443, %add3A_444 : i32
      %get3A_446 = arith.index_cast %add3A_445 : i32 to index
      %get3A_447 = tpu.vector_load %arg5[%get3A_446] {strides = array<i32>} : memref<25600xi32, #tpu.memory_space<vmem>>, vector<16xi32>,
      %add3A_448 = arith.constant 416 : i32
      %add3A_449 = vector.broadcast %add3A_448 : i32 to vector<16xi32>
      %add3A_450 = arith.addi %iota3A, %add3A_449 : vector<16xi32>
      %scatter3A_451 = arith.constant 0 : i32
      %scatter3A_452 = arith.constant 0 : i32
      %scatter3A_453 = arith.constant 0 : i32
      %scatter3A_454 = arith.constant 0 : i32
      %scatter3A_455 = tpu.memref_slice %arg6[%scatter3A_451, %scatter3A_452, %scatter3A_453, %scatter3A_454] : memref<2x100x1x512xf32, #tpu.memory_space<vmem>> -> memref<1x100x1x512xf32, #tpu.memory_space<vmem>>
      %scatter3A_456 = tpu.memref_squeeze %scatter3A_455 : memref<1x100x1x512xf32, #tpu.memory_space<vmem>> -> memref<100x1x512xf32, #tpu.memory_space<vmem>>
      tpu.vector_store_idx %scatter3A_456[%get3A_447, %broadcast_in_dim3A_53, %add3A_450], %broadcast_in_dim3A_4 : memref<100x1x512xf32, #tpu.memory_space<vmem>>[vector<16xi32>, vector<16xi32>, vector<16xi32>], vector<16xf32>,
      %mul3A_457 = arith.constant 512 : i32
      %mul3A_458 = arith.muli %add3A_49, %mul3A_457 : i32
      %add3A_459 = arith.constant 432 : i32
      %add3A_460 = arith.addi %mul3A_458, %add3A_459 : i32
      %get3A_461 = arith.index_cast %add3A_460 : i32 to index
      %get3A_462 = tpu.vector_load %arg5[%get3A_461] {strides = array<i32>} : memref<25600xi32, #tpu.memory_space<vmem>>, vector<16xi32>,
      %add3A_463 = arith.constant 432 : i32
      %add3A_464 = vector.broadcast %add3A_463 : i32 to vector<16xi32>
      %add3A_465 = arith.addi %iota3A, %add3A_464 : vector<16xi32>
      %scatter3A_466 = arith.constant 0 : i32
      %scatter3A_467 = arith.constant 0 : i32
      %scatter3A_468 = arith.constant 0 : i32
      %scatter3A_469 = arith.constant 0 : i32
      %scatter3A_470 = tpu.memref_slice %arg6[%scatter3A_466, %scatter3A_467, %scatter3A_468, %scatter3A_469] : memref<2x100x1x512xf32, #tpu.memory_space<vmem>> -> memref<1x100x1x512xf32, #tpu.memory_space<vmem>>
      %scatter3A_471 = tpu.memref_squeeze %scatter3A_470 : memref<1x100x1x512xf32, #tpu.memory_space<vmem>> -> memref<100x1x512xf32, #tpu.memory_space<vmem>>
      tpu.vector_store_idx %scatter3A_471[%get3A_462, %broadcast_in_dim3A_53, %add3A_465], %broadcast_in_dim3A_4 : memref<100x1x512xf32, #tpu.memory_space<vmem>>[vector<16xi32>, vector<16xi32>, vector<16xi32>], vector<16xf32>,
      %mul3A_472 = arith.constant 512 : i32
      %mul3A_473 = arith.muli %add3A_49, %mul3A_472 : i32
      %add3A_474 = arith.constant 448 : i32
      %add3A_475 = arith.addi %mul3A_473, %add3A_474 : i32
      %get3A_476 = arith.index_cast %add3A_475 : i32 to index
      %get3A_477 = tpu.vector_load %arg5[%get3A_476] {strides = array<i32>} : memref<25600xi32, #tpu.memory_space<vmem>>, vector<16xi32>,
      %add3A_478 = arith.constant 448 : i32
      %add3A_479 = vector.broadcast %add3A_478 : i32 to vector<16xi32>
      %add3A_480 = arith.addi %iota3A, %add3A_479 : vector<16xi32>
      %scatter3A_481 = arith.constant 0 : i32
      %scatter3A_482 = arith.constant 0 : i32
      %scatter3A_483 = arith.constant 0 : i32
      %scatter3A_484 = arith.constant 0 : i32
      %scatter3A_485 = tpu.memref_slice %arg6[%scatter3A_481, %scatter3A_482, %scatter3A_483, %scatter3A_484] : memref<2x100x1x512xf32, #tpu.memory_space<vmem>> -> memref<1x100x1x512xf32, #tpu.memory_space<vmem>>
      %scatter3A_486 = tpu.memref_squeeze %scatter3A_485 : memref<1x100x1x512xf32, #tpu.memory_space<vmem>> -> memref<100x1x512xf32, #tpu.memory_space<vmem>>
      tpu.vector_store_idx %scatter3A_486[%get3A_477, %broadcast_in_dim3A_53, %add3A_480], %broadcast_in_dim3A_4 : memref<100x1x512xf32, #tpu.memory_space<vmem>>[vector<16xi32>, vector<16xi32>, vector<16xi32>], vector<16xf32>,
      %mul3A_487 = arith.constant 512 : i32
      %mul3A_488 = arith.muli %add3A_49, %mul3A_487 : i32
      %add3A_489 = arith.constant 464 : i32
      %add3A_490 = arith.addi %mul3A_488, %add3A_489 : i32
      %get3A_491 = arith.index_cast %add3A_490 : i32 to index
      %get3A_492 = tpu.vector_load %arg5[%get3A_491] {strides = array<i32>} : memref<25600xi32, #tpu.memory_space<vmem>>, vector<16xi32>,
      %add3A_493 = arith.constant 464 : i32
      %add3A_494 = vector.broadcast %add3A_493 : i32 to vector<16xi32>
      %add3A_495 = arith.addi %iota3A, %add3A_494 : vector<16xi32>
      %scatter3A_496 = arith.constant 0 : i32
      %scatter3A_497 = arith.constant 0 : i32
      %scatter3A_498 = arith.constant 0 : i32
      %scatter3A_499 = arith.constant 0 : i32
      %scatter3A_500 = tpu.memref_slice %arg6[%scatter3A_496, %scatter3A_497, %scatter3A_498, %scatter3A_499] : memref<2x100x1x512xf32, #tpu.memory_space<vmem>> -> memref<1x100x1x512xf32, #tpu.memory_space<vmem>>
      %scatter3A_501 = tpu.memref_squeeze %scatter3A_500 : memref<1x100x1x512xf32, #tpu.memory_space<vmem>> -> memref<100x1x512xf32, #tpu.memory_space<vmem>>
      tpu.vector_store_idx %scatter3A_501[%get3A_492, %broadcast_in_dim3A_53, %add3A_495], %broadcast_in_dim3A_4 : memref<100x1x512xf32, #tpu.memory_space<vmem>>[vector<16xi32>, vector<16xi32>, vector<16xi32>], vector<16xf32>,
      %mul3A_502 = arith.constant 512 : i32
      %mul3A_503 = arith.muli %add3A_49, %mul3A_502 : i32
      %add3A_504 = arith.constant 480 : i32
      %add3A_505 = arith.addi %mul3A_503, %add3A_504 : i32
      %get3A_506 = arith.index_cast %add3A_505 : i32 to index
      %get3A_507 = tpu.vector_load %arg5[%get3A_506] {strides = array<i32>} : memref<25600xi32, #tpu.memory_space<vmem>>, vector<16xi32>,
      %add3A_508 = arith.constant 480 : i32
      %add3A_509 = vector.broadcast %add3A_508 : i32 to vector<16xi32>
      %add3A_510 = arith.addi %iota3A, %add3A_509 : vector<16xi32>
      %scatter3A_511 = arith.constant 0 : i32
      %scatter3A_512 = arith.constant 0 : i32
      %scatter3A_513 = arith.constant 0 : i32
      %scatter3A_514 = arith.constant 0 : i32
      %scatter3A_515 = tpu.memref_slice %arg6[%scatter3A_511, %scatter3A_512, %scatter3A_513, %scatter3A_514] : memref<2x100x1x512xf32, #tpu.memory_space<vmem>> -> memref<1x100x1x512xf32, #tpu.memory_space<vmem>>
      %scatter3A_516 = tpu.memref_squeeze %scatter3A_515 : memref<1x100x1x512xf32, #tpu.memory_space<vmem>> -> memref<100x1x512xf32, #tpu.memory_space<vmem>>
      tpu.vector_store_idx %scatter3A_516[%get3A_507, %broadcast_in_dim3A_53, %add3A_510], %broadcast_in_dim3A_4 : memref<100x1x512xf32, #tpu.memory_space<vmem>>[vector<16xi32>, vector<16xi32>, vector<16xi32>], vector<16xf32>,
      %mul3A_517 = arith.constant 512 : i32
      %mul3A_518 = arith.muli %add3A_49, %mul3A_517 : i32
      %add3A_519 = arith.constant 496 : i32
      %add3A_520 = arith.addi %mul3A_518, %add3A_519 : i32
      %get3A_521 = arith.index_cast %add3A_520 : i32 to index
      %get3A_522 = tpu.vector_load %arg5[%get3A_521] {strides = array<i32>} : memref<25600xi32, #tpu.memory_space<vmem>>, vector<16xi32>,
      %add3A_523 = arith.constant 496 : i32
      %add3A_524 = vector.broadcast %add3A_523 : i32 to vector<16xi32>
      %add3A_525 = arith.addi %iota3A, %add3A_524 : vector<16xi32>
      %scatter3A_526 = arith.constant 0 : i32
      %scatter3A_527 = arith.constant 0 : i32
      %scatter3A_528 = arith.constant 0 : i32
      %scatter3A_529 = arith.constant 0 : i32
      %scatter3A_530 = tpu.memref_slice %arg6[%scatter3A_526, %scatter3A_527, %scatter3A_528, %scatter3A_529] : memref<2x100x1x512xf32, #tpu.memory_space<vmem>> -> memref<1x100x1x512xf32, #tpu.memory_space<vmem>>
      %scatter3A_531 = tpu.memref_squeeze %scatter3A_530 : memref<1x100x1x512xf32, #tpu.memory_space<vmem>> -> memref<100x1x512xf32, #tpu.memory_space<vmem>>
      tpu.vector_store_idx %scatter3A_531[%get3A_522, %broadcast_in_dim3A_53, %add3A_525], %broadcast_in_dim3A_4 : memref<100x1x512xf32, #tpu.memory_space<vmem>>[vector<16xi32>, vector<16xi32>, vector<16xi32>], vector<16xf32>,
      %mul3A_532 = arith.constant 512 : i32
      %mul3A_533 = arith.muli %add3A_49, %mul3A_532 : i32
      %dma_start3A = arith.constant 0 : i32
      %dma_start3A_534 = arith.constant 0 : i32
      %dma_start3A_535 = arith.constant 0 : i32
      %dma_start3A_536 = arith.constant 0 : i32
      %dma_start3A_537 = tpu.memref_slice %arg6[%dma_start3A, %dma_start3A_534, %dma_start3A_535, %dma_start3A_536] : memref<2x100x1x512xf32, #tpu.memory_space<vmem>> -> memref<1x100x1x512xf32, #tpu.memory_space<vmem>>
      %dma_start3A_538 = tpu.memref_squeeze %dma_start3A_537 : memref<1x100x1x512xf32, #tpu.memory_space<vmem>> -> memref<100x1x512xf32, #tpu.memory_space<vmem>>
      %dma_start3A_539 = arith.constant 0 : i32
      %dma_start3A_540 = tpu.memref_slice %arg4[%dma_start3A_539, %add3A, %mul3A_533] : memref<100x32x25600xf32, #tpu.memory_space<hbm>> -> memref<100x1x512xf32, #tpu.memory_space<hbm>>
      %dma_start3A_541 = arith.constant 0 : i32
      %dma_start3A_542 = tpu.memref_slice %arg4[%dma_start3A_541, %add3A, %mul3A_533] : memref<100x32x25600xf32, #tpu.memory_space<hbm>> -> memref<100x1x512xf32, #tpu.memory_space<hbm>>
      %dma_start3A_543 = arith.constant 0 : i32
      %dma_start3A_544 = arith.constant 0 : i32
      %dma_start3A_545 = arith.constant 0 : i32
      %dma_start3A_546 = tpu.memref_slice %arg6[%dma_start3A, %dma_start3A_543, %dma_start3A_544, %dma_start3A_545] : memref<2x100x1x512xf32, #tpu.memory_space<vmem>> -> memref<1x100x1x512xf32, #tpu.memory_space<vmem>>
      %dma_start3A_547 = tpu.memref_squeeze %dma_start3A_546 : memref<1x100x1x512xf32, #tpu.memory_space<vmem>> -> memref<100x1x512xf32, #tpu.memory_space<vmem>>
      tpu.enqueue_dma source(%dma_start3A_547 : memref<100x1x512xf32, #tpu.memory_space<vmem>>) target(%dma_start3A_542 : memref<100x1x512xf32, #tpu.memory_space<hbm>>) target_semaphore(%arg7 : memref<!tpu.dma_semaphore, #tpu.memory_space<semaphore_mem>>)
      %mul3A_548 = arith.constant 2 : i32
      %mul3A_549 = arith.muli %mul3A_548, %scan3A_45 : i32
      %add3A_550 = arith.constant 1 : i32
      %add3A_551 = arith.addi %mul3A_549, %add3A_550 : i32
      %ge3A_552 = arith.constant 1 : i32
      %ge3A_553 = arith.cmpi sge, %scan3A_45, %ge3A_552 : i32
      %convert_element_type3A_554 = arith.extui %ge3A_553 : i1 to i32
      %cond3A_555 = arith.constant 0 : i32
      %cond3A_556 = arith.cmpi ne, %convert_element_type3A_554, %cond3A_555 : i32
      scf.if %cond3A_556 {
        %sub3A = arith.constant 2 : i32
        %sub3A_1057 = arith.subi %add3A_551, %sub3A : i32
        %mul3A_1058 = arith.constant 512 : i32
        %mul3A_1059 = arith.muli %sub3A_1057, %mul3A_1058 : i32
        %dma_wait3A_1060 = arith.constant 1 : i32
        %dma_wait3A_1061 = arith.constant 0 : i32
        %dma_wait3A_1062 = arith.constant 0 : i32
        %dma_wait3A_1063 = arith.constant 0 : i32
        %dma_wait3A_1064 = tpu.memref_slice %arg6[%dma_wait3A_1060, %dma_wait3A_1061, %dma_wait3A_1062, %dma_wait3A_1063] : memref<2x100x1x512xf32, #tpu.memory_space<vmem>> -> memref<1x100x1x512xf32, #tpu.memory_space<vmem>>
        %dma_wait3A_1065 = tpu.memref_squeeze %dma_wait3A_1064 : memref<1x100x1x512xf32, #tpu.memory_space<vmem>> -> memref<100x1x512xf32, #tpu.memory_space<vmem>>
        %dma_wait3A_1066 = arith.constant 0 : i32
        %dma_wait3A_1067 = tpu.memref_slice %arg4[%dma_wait3A_1066, %add3A, %mul3A_1059] : memref<100x32x25600xf32, #tpu.memory_space<hbm>> -> memref<100x1x512xf32, #tpu.memory_space<hbm>>
        %dma_wait3A_1068 = arith.constant 0 : i32
        %dma_wait3A_1069 = tpu.memref_slice %arg4[%dma_wait3A_1068, %add3A, %mul3A_1059] : memref<100x32x25600xf32, #tpu.memory_space<hbm>> -> memref<100x1x512xf32, #tpu.memory_space<hbm>>
        %dma_wait3A_1070 = arith.constant 0 : i32
        %dma_wait3A_1071 = arith.constant 0 : i32
        %dma_wait3A_1072 = arith.constant 0 : i32
        %dma_wait3A_1073 = tpu.memref_slice %arg6[%dma_wait3A_1060, %dma_wait3A_1070, %dma_wait3A_1071, %dma_wait3A_1072] : memref<2x100x1x512xf32, #tpu.memory_space<vmem>> -> memref<1x100x1x512xf32, #tpu.memory_space<vmem>>
        %dma_wait3A_1074 = tpu.memref_squeeze %dma_wait3A_1073 : memref<1x100x1x512xf32, #tpu.memory_space<vmem>> -> memref<100x1x512xf32, #tpu.memory_space<vmem>>
        tpu.wait_dma2 semaphore(%arg8 : memref<!tpu.dma_semaphore, #tpu.memory_space<semaphore_mem>>) src(%dma_wait3A_1074 : memref<100x1x512xf32, #tpu.memory_space<vmem>>) dst(%dma_wait3A_1069 : memref<100x1x512xf32, #tpu.memory_space<hbm>>)
        %sub3A_1075 = arith.constant 2 : i32
        %sub3A_1076 = arith.subi %add3A_551, %sub3A_1075 : i32
        %iota3A_1077 = tpu.iota {dimensions = array<i32: 0>} : vector<16xi32>
        %broadcast_in_dim3A_1078 = arith.constant 0 : i32
        %broadcast_in_dim3A_1079 = vector.broadcast %broadcast_in_dim3A_1078 : i32 to vector<16xi32>
        %mul3A_1080 = arith.constant 512 : i32
        %mul3A_1081 = arith.muli %sub3A_1076, %mul3A_1080 : i32
        %add3A_1082 = arith.constant 0 : i32
        %add3A_1083 = arith.addi %mul3A_1081, %add3A_1082 : i32
        %get3A_1084 = arith.index_cast %add3A_1083 : i32 to index
        %get3A_1085 = tpu.vector_load %arg5[%get3A_1084] {strides = array<i32>} : memref<25600xi32, #tpu.memory_space<vmem>>, vector<16xi32>,
        %add3A_1086 = arith.constant 0 : i32
        %add3A_1087 = vector.broadcast %add3A_1086 : i32 to vector<16xi32>
        %add3A_1088 = arith.addi %iota3A_1077, %add3A_1087 : vector<16xi32>
        %scatter3A_1089 = arith.constant 1 : i32
        %scatter3A_1090 = arith.constant 0 : i32
        %scatter3A_1091 = arith.constant 0 : i32
        %scatter3A_1092 = arith.constant 0 : i32
        %scatter3A_1093 = tpu.memref_slice %arg6[%scatter3A_1089, %scatter3A_1090, %scatter3A_1091, %scatter3A_1092] : memref<2x100x1x512xf32, #tpu.memory_space<vmem>> -> memref<1x100x1x512xf32, #tpu.memory_space<vmem>>
        %scatter3A_1094 = tpu.memref_squeeze %scatter3A_1093 : memref<1x100x1x512xf32, #tpu.memory_space<vmem>> -> memref<100x1x512xf32, #tpu.memory_space<vmem>>
        tpu.vector_store_idx %scatter3A_1094[%get3A_1085, %broadcast_in_dim3A_1079, %add3A_1088], %broadcast_in_dim3A_6 : memref<100x1x512xf32, #tpu.memory_space<vmem>>[vector<16xi32>, vector<16xi32>, vector<16xi32>], vector<16xf32>,
        %mul3A_1095 = arith.constant 512 : i32
        %mul3A_1096 = arith.muli %sub3A_1076, %mul3A_1095 : i32
        %add3A_1097 = arith.constant 16 : i32
        %add3A_1098 = arith.addi %mul3A_1096, %add3A_1097 : i32
        %get3A_1099 = arith.index_cast %add3A_1098 : i32 to index
        %get3A_1100 = tpu.vector_load %arg5[%get3A_1099] {strides = array<i32>} : memref<25600xi32, #tpu.memory_space<vmem>>, vector<16xi32>,
        %add3A_1101 = arith.constant 16 : i32
        %add3A_1102 = vector.broadcast %add3A_1101 : i32 to vector<16xi32>
        %add3A_1103 = arith.addi %iota3A_1077, %add3A_1102 : vector<16xi32>
        %scatter3A_1104 = arith.constant 1 : i32
        %scatter3A_1105 = arith.constant 0 : i32
        %scatter3A_1106 = arith.constant 0 : i32
        %scatter3A_1107 = arith.constant 0 : i32
        %scatter3A_1108 = tpu.memref_slice %arg6[%scatter3A_1104, %scatter3A_1105, %scatter3A_1106, %scatter3A_1107] : memref<2x100x1x512xf32, #tpu.memory_space<vmem>> -> memref<1x100x1x512xf32, #tpu.memory_space<vmem>>
        %scatter3A_1109 = tpu.memref_squeeze %scatter3A_1108 : memref<1x100x1x512xf32, #tpu.memory_space<vmem>> -> memref<100x1x512xf32, #tpu.memory_space<vmem>>
        tpu.vector_store_idx %scatter3A_1109[%get3A_1100, %broadcast_in_dim3A_1079, %add3A_1103], %broadcast_in_dim3A_6 : memref<100x1x512xf32, #tpu.memory_space<vmem>>[vector<16xi32>, vector<16xi32>, vector<16xi32>], vector<16xf32>,
        %mul3A_1110 = arith.constant 512 : i32
        %mul3A_1111 = arith.muli %sub3A_1076, %mul3A_1110 : i32
        %add3A_1112 = arith.constant 32 : i32
        %add3A_1113 = arith.addi %mul3A_1111, %add3A_1112 : i32
        %get3A_1114 = arith.index_cast %add3A_1113 : i32 to index
        %get3A_1115 = tpu.vector_load %arg5[%get3A_1114] {strides = array<i32>} : memref<25600xi32, #tpu.memory_space<vmem>>, vector<16xi32>,
        %add3A_1116 = arith.constant 32 : i32
        %add3A_1117 = vector.broadcast %add3A_1116 : i32 to vector<16xi32>
        %add3A_1118 = arith.addi %iota3A_1077, %add3A_1117 : vector<16xi32>
        %scatter3A_1119 = arith.constant 1 : i32
        %scatter3A_1120 = arith.constant 0 : i32
        %scatter3A_1121 = arith.constant 0 : i32
        %scatter3A_1122 = arith.constant 0 : i32
        %scatter3A_1123 = tpu.memref_slice %arg6[%scatter3A_1119, %scatter3A_1120, %scatter3A_1121, %scatter3A_1122] : memref<2x100x1x512xf32, #tpu.memory_space<vmem>> -> memref<1x100x1x512xf32, #tpu.memory_space<vmem>>
        %scatter3A_1124 = tpu.memref_squeeze %scatter3A_1123 : memref<1x100x1x512xf32, #tpu.memory_space<vmem>> -> memref<100x1x512xf32, #tpu.memory_space<vmem>>
        tpu.vector_store_idx %scatter3A_1124[%get3A_1115, %broadcast_in_dim3A_1079, %add3A_1118], %broadcast_in_dim3A_6 : memref<100x1x512xf32, #tpu.memory_space<vmem>>[vector<16xi32>, vector<16xi32>, vector<16xi32>], vector<16xf32>,
        %mul3A_1125 = arith.constant 512 : i32
        %mul3A_1126 = arith.muli %sub3A_1076, %mul3A_1125 : i32
        %add3A_1127 = arith.constant 48 : i32
        %add3A_1128 = arith.addi %mul3A_1126, %add3A_1127 : i32
        %get3A_1129 = arith.index_cast %add3A_1128 : i32 to index
        %get3A_1130 = tpu.vector_load %arg5[%get3A_1129] {strides = array<i32>} : memref<25600xi32, #tpu.memory_space<vmem>>, vector<16xi32>,
        %add3A_1131 = arith.constant 48 : i32
        %add3A_1132 = vector.broadcast %add3A_1131 : i32 to vector<16xi32>
        %add3A_1133 = arith.addi %iota3A_1077, %add3A_1132 : vector<16xi32>
        %scatter3A_1134 = arith.constant 1 : i32
        %scatter3A_1135 = arith.constant 0 : i32
        %scatter3A_1136 = arith.constant 0 : i32
        %scatter3A_1137 = arith.constant 0 : i32
        %scatter3A_1138 = tpu.memref_slice %arg6[%scatter3A_1134, %scatter3A_1135, %scatter3A_1136, %scatter3A_1137] : memref<2x100x1x512xf32, #tpu.memory_space<vmem>> -> memref<1x100x1x512xf32, #tpu.memory_space<vmem>>
        %scatter3A_1139 = tpu.memref_squeeze %scatter3A_1138 : memref<1x100x1x512xf32, #tpu.memory_space<vmem>> -> memref<100x1x512xf32, #tpu.memory_space<vmem>>
        tpu.vector_store_idx %scatter3A_1139[%get3A_1130, %broadcast_in_dim3A_1079, %add3A_1133], %broadcast_in_dim3A_6 : memref<100x1x512xf32, #tpu.memory_space<vmem>>[vector<16xi32>, vector<16xi32>, vector<16xi32>], vector<16xf32>,
        %mul3A_1140 = arith.constant 512 : i32
        %mul3A_1141 = arith.muli %sub3A_1076, %mul3A_1140 : i32
        %add3A_1142 = arith.constant 64 : i32
        %add3A_1143 = arith.addi %mul3A_1141, %add3A_1142 : i32
        %get3A_1144 = arith.index_cast %add3A_1143 : i32 to index
        %get3A_1145 = tpu.vector_load %arg5[%get3A_1144] {strides = array<i32>} : memref<25600xi32, #tpu.memory_space<vmem>>, vector<16xi32>,
        %add3A_1146 = arith.constant 64 : i32
        %add3A_1147 = vector.broadcast %add3A_1146 : i32 to vector<16xi32>
        %add3A_1148 = arith.addi %iota3A_1077, %add3A_1147 : vector<16xi32>
        %scatter3A_1149 = arith.constant 1 : i32
        %scatter3A_1150 = arith.constant 0 : i32
        %scatter3A_1151 = arith.constant 0 : i32
        %scatter3A_1152 = arith.constant 0 : i32
        %scatter3A_1153 = tpu.memref_slice %arg6[%scatter3A_1149, %scatter3A_1150, %scatter3A_1151, %scatter3A_1152] : memref<2x100x1x512xf32, #tpu.memory_space<vmem>> -> memref<1x100x1x512xf32, #tpu.memory_space<vmem>>
        %scatter3A_1154 = tpu.memref_squeeze %scatter3A_1153 : memref<1x100x1x512xf32, #tpu.memory_space<vmem>> -> memref<100x1x512xf32, #tpu.memory_space<vmem>>
        tpu.vector_store_idx %scatter3A_1154[%get3A_1145, %broadcast_in_dim3A_1079, %add3A_1148], %broadcast_in_dim3A_6 : memref<100x1x512xf32, #tpu.memory_space<vmem>>[vector<16xi32>, vector<16xi32>, vector<16xi32>], vector<16xf32>,
        %mul3A_1155 = arith.constant 512 : i32
        %mul3A_1156 = arith.muli %sub3A_1076, %mul3A_1155 : i32
        %add3A_1157 = arith.constant 80 : i32
        %add3A_1158 = arith.addi %mul3A_1156, %add3A_1157 : i32
        %get3A_1159 = arith.index_cast %add3A_1158 : i32 to index
        %get3A_1160 = tpu.vector_load %arg5[%get3A_1159] {strides = array<i32>} : memref<25600xi32, #tpu.memory_space<vmem>>, vector<16xi32>,
        %add3A_1161 = arith.constant 80 : i32
        %add3A_1162 = vector.broadcast %add3A_1161 : i32 to vector<16xi32>
        %add3A_1163 = arith.addi %iota3A_1077, %add3A_1162 : vector<16xi32>
        %scatter3A_1164 = arith.constant 1 : i32
        %scatter3A_1165 = arith.constant 0 : i32
        %scatter3A_1166 = arith.constant 0 : i32
        %scatter3A_1167 = arith.constant 0 : i32
        %scatter3A_1168 = tpu.memref_slice %arg6[%scatter3A_1164, %scatter3A_1165, %scatter3A_1166, %scatter3A_1167] : memref<2x100x1x512xf32, #tpu.memory_space<vmem>> -> memref<1x100x1x512xf32, #tpu.memory_space<vmem>>
        %scatter3A_1169 = tpu.memref_squeeze %scatter3A_1168 : memref<1x100x1x512xf32, #tpu.memory_space<vmem>> -> memref<100x1x512xf32, #tpu.memory_space<vmem>>
        tpu.vector_store_idx %scatter3A_1169[%get3A_1160, %broadcast_in_dim3A_1079, %add3A_1163], %broadcast_in_dim3A_6 : memref<100x1x512xf32, #tpu.memory_space<vmem>>[vector<16xi32>, vector<16xi32>, vector<16xi32>], vector<16xf32>,
        %mul3A_1170 = arith.constant 512 : i32
        %mul3A_1171 = arith.muli %sub3A_1076, %mul3A_1170 : i32
        %add3A_1172 = arith.constant 96 : i32
        %add3A_1173 = arith.addi %mul3A_1171, %add3A_1172 : i32
        %get3A_1174 = arith.index_cast %add3A_1173 : i32 to index
        %get3A_1175 = tpu.vector_load %arg5[%get3A_1174] {strides = array<i32>} : memref<25600xi32, #tpu.memory_space<vmem>>, vector<16xi32>,
        %add3A_1176 = arith.constant 96 : i32
        %add3A_1177 = vector.broadcast %add3A_1176 : i32 to vector<16xi32>
        %add3A_1178 = arith.addi %iota3A_1077, %add3A_1177 : vector<16xi32>
        %scatter3A_1179 = arith.constant 1 : i32
        %scatter3A_1180 = arith.constant 0 : i32
        %scatter3A_1181 = arith.constant 0 : i32
        %scatter3A_1182 = arith.constant 0 : i32
        %scatter3A_1183 = tpu.memref_slice %arg6[%scatter3A_1179, %scatter3A_1180, %scatter3A_1181, %scatter3A_1182] : memref<2x100x1x512xf32, #tpu.memory_space<vmem>> -> memref<1x100x1x512xf32, #tpu.memory_space<vmem>>
        %scatter3A_1184 = tpu.memref_squeeze %scatter3A_1183 : memref<1x100x1x512xf32, #tpu.memory_space<vmem>> -> memref<100x1x512xf32, #tpu.memory_space<vmem>>
        tpu.vector_store_idx %scatter3A_1184[%get3A_1175, %broadcast_in_dim3A_1079, %add3A_1178], %broadcast_in_dim3A_6 : memref<100x1x512xf32, #tpu.memory_space<vmem>>[vector<16xi32>, vector<16xi32>, vector<16xi32>], vector<16xf32>,
        %mul3A_1185 = arith.constant 512 : i32
        %mul3A_1186 = arith.muli %sub3A_1076, %mul3A_1185 : i32
        %add3A_1187 = arith.constant 112 : i32
        %add3A_1188 = arith.addi %mul3A_1186, %add3A_1187 : i32
        %get3A_1189 = arith.index_cast %add3A_1188 : i32 to index
        %get3A_1190 = tpu.vector_load %arg5[%get3A_1189] {strides = array<i32>} : memref<25600xi32, #tpu.memory_space<vmem>>, vector<16xi32>,
        %add3A_1191 = arith.constant 112 : i32
        %add3A_1192 = vector.broadcast %add3A_1191 : i32 to vector<16xi32>
        %add3A_1193 = arith.addi %iota3A_1077, %add3A_1192 : vector<16xi32>
        %scatter3A_1194 = arith.constant 1 : i32
        %scatter3A_1195 = arith.constant 0 : i32
        %scatter3A_1196 = arith.constant 0 : i32
        %scatter3A_1197 = arith.constant 0 : i32
        %scatter3A_1198 = tpu.memref_slice %arg6[%scatter3A_1194, %scatter3A_1195, %scatter3A_1196, %scatter3A_1197] : memref<2x100x1x512xf32, #tpu.memory_space<vmem>> -> memref<1x100x1x512xf32, #tpu.memory_space<vmem>>
        %scatter3A_1199 = tpu.memref_squeeze %scatter3A_1198 : memref<1x100x1x512xf32, #tpu.memory_space<vmem>> -> memref<100x1x512xf32, #tpu.memory_space<vmem>>
        tpu.vector_store_idx %scatter3A_1199[%get3A_1190, %broadcast_in_dim3A_1079, %add3A_1193], %broadcast_in_dim3A_6 : memref<100x1x512xf32, #tpu.memory_space<vmem>>[vector<16xi32>, vector<16xi32>, vector<16xi32>], vector<16xf32>,
        %mul3A_1200 = arith.constant 512 : i32
        %mul3A_1201 = arith.muli %sub3A_1076, %mul3A_1200 : i32
        %add3A_1202 = arith.constant 128 : i32
        %add3A_1203 = arith.addi %mul3A_1201, %add3A_1202 : i32
        %get3A_1204 = arith.index_cast %add3A_1203 : i32 to index
        %get3A_1205 = tpu.vector_load %arg5[%get3A_1204] {strides = array<i32>} : memref<25600xi32, #tpu.memory_space<vmem>>, vector<16xi32>,
        %add3A_1206 = arith.constant 128 : i32
        %add3A_1207 = vector.broadcast %add3A_1206 : i32 to vector<16xi32>
        %add3A_1208 = arith.addi %iota3A_1077, %add3A_1207 : vector<16xi32>
        %scatter3A_1209 = arith.constant 1 : i32
        %scatter3A_1210 = arith.constant 0 : i32
        %scatter3A_1211 = arith.constant 0 : i32
        %scatter3A_1212 = arith.constant 0 : i32
        %scatter3A_1213 = tpu.memref_slice %arg6[%scatter3A_1209, %scatter3A_1210, %scatter3A_1211, %scatter3A_1212] : memref<2x100x1x512xf32, #tpu.memory_space<vmem>> -> memref<1x100x1x512xf32, #tpu.memory_space<vmem>>
        %scatter3A_1214 = tpu.memref_squeeze %scatter3A_1213 : memref<1x100x1x512xf32, #tpu.memory_space<vmem>> -> memref<100x1x512xf32, #tpu.memory_space<vmem>>
        tpu.vector_store_idx %scatter3A_1214[%get3A_1205, %broadcast_in_dim3A_1079, %add3A_1208], %broadcast_in_dim3A_6 : memref<100x1x512xf32, #tpu.memory_space<vmem>>[vector<16xi32>, vector<16xi32>, vector<16xi32>], vector<16xf32>,
        %mul3A_1215 = arith.constant 512 : i32
        %mul3A_1216 = arith.muli %sub3A_1076, %mul3A_1215 : i32
        %add3A_1217 = arith.constant 144 : i32
        %add3A_1218 = arith.addi %mul3A_1216, %add3A_1217 : i32
        %get3A_1219 = arith.index_cast %add3A_1218 : i32 to index
        %get3A_1220 = tpu.vector_load %arg5[%get3A_1219] {strides = array<i32>} : memref<25600xi32, #tpu.memory_space<vmem>>, vector<16xi32>,
        %add3A_1221 = arith.constant 144 : i32
        %add3A_1222 = vector.broadcast %add3A_1221 : i32 to vector<16xi32>
        %add3A_1223 = arith.addi %iota3A_1077, %add3A_1222 : vector<16xi32>
        %scatter3A_1224 = arith.constant 1 : i32
        %scatter3A_1225 = arith.constant 0 : i32
        %scatter3A_1226 = arith.constant 0 : i32
        %scatter3A_1227 = arith.constant 0 : i32
        %scatter3A_1228 = tpu.memref_slice %arg6[%scatter3A_1224, %scatter3A_1225, %scatter3A_1226, %scatter3A_1227] : memref<2x100x1x512xf32, #tpu.memory_space<vmem>> -> memref<1x100x1x512xf32, #tpu.memory_space<vmem>>
        %scatter3A_1229 = tpu.memref_squeeze %scatter3A_1228 : memref<1x100x1x512xf32, #tpu.memory_space<vmem>> -> memref<100x1x512xf32, #tpu.memory_space<vmem>>
        tpu.vector_store_idx %scatter3A_1229[%get3A_1220, %broadcast_in_dim3A_1079, %add3A_1223], %broadcast_in_dim3A_6 : memref<100x1x512xf32, #tpu.memory_space<vmem>>[vector<16xi32>, vector<16xi32>, vector<16xi32>], vector<16xf32>,
        %mul3A_1230 = arith.constant 512 : i32
        %mul3A_1231 = arith.muli %sub3A_1076, %mul3A_1230 : i32
        %add3A_1232 = arith.constant 160 : i32
        %add3A_1233 = arith.addi %mul3A_1231, %add3A_1232 : i32
        %get3A_1234 = arith.index_cast %add3A_1233 : i32 to index
        %get3A_1235 = tpu.vector_load %arg5[%get3A_1234] {strides = array<i32>} : memref<25600xi32, #tpu.memory_space<vmem>>, vector<16xi32>,
        %add3A_1236 = arith.constant 160 : i32
        %add3A_1237 = vector.broadcast %add3A_1236 : i32 to vector<16xi32>
        %add3A_1238 = arith.addi %iota3A_1077, %add3A_1237 : vector<16xi32>
        %scatter3A_1239 = arith.constant 1 : i32
        %scatter3A_1240 = arith.constant 0 : i32
        %scatter3A_1241 = arith.constant 0 : i32
        %scatter3A_1242 = arith.constant 0 : i32
        %scatter3A_1243 = tpu.memref_slice %arg6[%scatter3A_1239, %scatter3A_1240, %scatter3A_1241, %scatter3A_1242] : memref<2x100x1x512xf32, #tpu.memory_space<vmem>> -> memref<1x100x1x512xf32, #tpu.memory_space<vmem>>
        %scatter3A_1244 = tpu.memref_squeeze %scatter3A_1243 : memref<1x100x1x512xf32, #tpu.memory_space<vmem>> -> memref<100x1x512xf32, #tpu.memory_space<vmem>>
        tpu.vector_store_idx %scatter3A_1244[%get3A_1235, %broadcast_in_dim3A_1079, %add3A_1238], %broadcast_in_dim3A_6 : memref<100x1x512xf32, #tpu.memory_space<vmem>>[vector<16xi32>, vector<16xi32>, vector<16xi32>], vector<16xf32>,
        %mul3A_1245 = arith.constant 512 : i32
        %mul3A_1246 = arith.muli %sub3A_1076, %mul3A_1245 : i32
        %add3A_1247 = arith.constant 176 : i32
        %add3A_1248 = arith.addi %mul3A_1246, %add3A_1247 : i32
        %get3A_1249 = arith.index_cast %add3A_1248 : i32 to index
        %get3A_1250 = tpu.vector_load %arg5[%get3A_1249] {strides = array<i32>} : memref<25600xi32, #tpu.memory_space<vmem>>, vector<16xi32>,
        %add3A_1251 = arith.constant 176 : i32
        %add3A_1252 = vector.broadcast %add3A_1251 : i32 to vector<16xi32>
        %add3A_1253 = arith.addi %iota3A_1077, %add3A_1252 : vector<16xi32>
        %scatter3A_1254 = arith.constant 1 : i32
        %scatter3A_1255 = arith.constant 0 : i32
        %scatter3A_1256 = arith.constant 0 : i32
        %scatter3A_1257 = arith.constant 0 : i32
        %scatter3A_1258 = tpu.memref_slice %arg6[%scatter3A_1254, %scatter3A_1255, %scatter3A_1256, %scatter3A_1257] : memref<2x100x1x512xf32, #tpu.memory_space<vmem>> -> memref<1x100x1x512xf32, #tpu.memory_space<vmem>>
        %scatter3A_1259 = tpu.memref_squeeze %scatter3A_1258 : memref<1x100x1x512xf32, #tpu.memory_space<vmem>> -> memref<100x1x512xf32, #tpu.memory_space<vmem>>
        tpu.vector_store_idx %scatter3A_1259[%get3A_1250, %broadcast_in_dim3A_1079, %add3A_1253], %broadcast_in_dim3A_6 : memref<100x1x512xf32, #tpu.memory_space<vmem>>[vector<16xi32>, vector<16xi32>, vector<16xi32>], vector<16xf32>,
        %mul3A_1260 = arith.constant 512 : i32
        %mul3A_1261 = arith.muli %sub3A_1076, %mul3A_1260 : i32
        %add3A_1262 = arith.constant 192 : i32
        %add3A_1263 = arith.addi %mul3A_1261, %add3A_1262 : i32
        %get3A_1264 = arith.index_cast %add3A_1263 : i32 to index
        %get3A_1265 = tpu.vector_load %arg5[%get3A_1264] {strides = array<i32>} : memref<25600xi32, #tpu.memory_space<vmem>>, vector<16xi32>,
        %add3A_1266 = arith.constant 192 : i32
        %add3A_1267 = vector.broadcast %add3A_1266 : i32 to vector<16xi32>
        %add3A_1268 = arith.addi %iota3A_1077, %add3A_1267 : vector<16xi32>
        %scatter3A_1269 = arith.constant 1 : i32
        %scatter3A_1270 = arith.constant 0 : i32
        %scatter3A_1271 = arith.constant 0 : i32
        %scatter3A_1272 = arith.constant 0 : i32
        %scatter3A_1273 = tpu.memref_slice %arg6[%scatter3A_1269, %scatter3A_1270, %scatter3A_1271, %scatter3A_1272] : memref<2x100x1x512xf32, #tpu.memory_space<vmem>> -> memref<1x100x1x512xf32, #tpu.memory_space<vmem>>
        %scatter3A_1274 = tpu.memref_squeeze %scatter3A_1273 : memref<1x100x1x512xf32, #tpu.memory_space<vmem>> -> memref<100x1x512xf32, #tpu.memory_space<vmem>>
        tpu.vector_store_idx %scatter3A_1274[%get3A_1265, %broadcast_in_dim3A_1079, %add3A_1268], %broadcast_in_dim3A_6 : memref<100x1x512xf32, #tpu.memory_space<vmem>>[vector<16xi32>, vector<16xi32>, vector<16xi32>], vector<16xf32>,
        %mul3A_1275 = arith.constant 512 : i32
        %mul3A_1276 = arith.muli %sub3A_1076, %mul3A_1275 : i32
        %add3A_1277 = arith.constant 208 : i32
        %add3A_1278 = arith.addi %mul3A_1276, %add3A_1277 : i32
        %get3A_1279 = arith.index_cast %add3A_1278 : i32 to index
        %get3A_1280 = tpu.vector_load %arg5[%get3A_1279] {strides = array<i32>} : memref<25600xi32, #tpu.memory_space<vmem>>, vector<16xi32>,
        %add3A_1281 = arith.constant 208 : i32
        %add3A_1282 = vector.broadcast %add3A_1281 : i32 to vector<16xi32>
        %add3A_1283 = arith.addi %iota3A_1077, %add3A_1282 : vector<16xi32>
        %scatter3A_1284 = arith.constant 1 : i32
        %scatter3A_1285 = arith.constant 0 : i32
        %scatter3A_1286 = arith.constant 0 : i32
        %scatter3A_1287 = arith.constant 0 : i32
        %scatter3A_1288 = tpu.memref_slice %arg6[%scatter3A_1284, %scatter3A_1285, %scatter3A_1286, %scatter3A_1287] : memref<2x100x1x512xf32, #tpu.memory_space<vmem>> -> memref<1x100x1x512xf32, #tpu.memory_space<vmem>>
        %scatter3A_1289 = tpu.memref_squeeze %scatter3A_1288 : memref<1x100x1x512xf32, #tpu.memory_space<vmem>> -> memref<100x1x512xf32, #tpu.memory_space<vmem>>
        tpu.vector_store_idx %scatter3A_1289[%get3A_1280, %broadcast_in_dim3A_1079, %add3A_1283], %broadcast_in_dim3A_6 : memref<100x1x512xf32, #tpu.memory_space<vmem>>[vector<16xi32>, vector<16xi32>, vector<16xi32>], vector<16xf32>,
        %mul3A_1290 = arith.constant 512 : i32
        %mul3A_1291 = arith.muli %sub3A_1076, %mul3A_1290 : i32
        %add3A_1292 = arith.constant 224 : i32
        %add3A_1293 = arith.addi %mul3A_1291, %add3A_1292 : i32
        %get3A_1294 = arith.index_cast %add3A_1293 : i32 to index
        %get3A_1295 = tpu.vector_load %arg5[%get3A_1294] {strides = array<i32>} : memref<25600xi32, #tpu.memory_space<vmem>>, vector<16xi32>,
        %add3A_1296 = arith.constant 224 : i32
        %add3A_1297 = vector.broadcast %add3A_1296 : i32 to vector<16xi32>
        %add3A_1298 = arith.addi %iota3A_1077, %add3A_1297 : vector<16xi32>
        %scatter3A_1299 = arith.constant 1 : i32
        %scatter3A_1300 = arith.constant 0 : i32
        %scatter3A_1301 = arith.constant 0 : i32
        %scatter3A_1302 = arith.constant 0 : i32
        %scatter3A_1303 = tpu.memref_slice %arg6[%scatter3A_1299, %scatter3A_1300, %scatter3A_1301, %scatter3A_1302] : memref<2x100x1x512xf32, #tpu.memory_space<vmem>> -> memref<1x100x1x512xf32, #tpu.memory_space<vmem>>
        %scatter3A_1304 = tpu.memref_squeeze %scatter3A_1303 : memref<1x100x1x512xf32, #tpu.memory_space<vmem>> -> memref<100x1x512xf32, #tpu.memory_space<vmem>>
        tpu.vector_store_idx %scatter3A_1304[%get3A_1295, %broadcast_in_dim3A_1079, %add3A_1298], %broadcast_in_dim3A_6 : memref<100x1x512xf32, #tpu.memory_space<vmem>>[vector<16xi32>, vector<16xi32>, vector<16xi32>], vector<16xf32>,
        %mul3A_1305 = arith.constant 512 : i32
        %mul3A_1306 = arith.muli %sub3A_1076, %mul3A_1305 : i32
        %add3A_1307 = arith.constant 240 : i32
        %add3A_1308 = arith.addi %mul3A_1306, %add3A_1307 : i32
        %get3A_1309 = arith.index_cast %add3A_1308 : i32 to index
        %get3A_1310 = tpu.vector_load %arg5[%get3A_1309] {strides = array<i32>} : memref<25600xi32, #tpu.memory_space<vmem>>, vector<16xi32>,
        %add3A_1311 = arith.constant 240 : i32
        %add3A_1312 = vector.broadcast %add3A_1311 : i32 to vector<16xi32>
        %add3A_1313 = arith.addi %iota3A_1077, %add3A_1312 : vector<16xi32>
        %scatter3A_1314 = arith.constant 1 : i32
        %scatter3A_1315 = arith.constant 0 : i32
        %scatter3A_1316 = arith.constant 0 : i32
        %scatter3A_1317 = arith.constant 0 : i32
        %scatter3A_1318 = tpu.memref_slice %arg6[%scatter3A_1314, %scatter3A_1315, %scatter3A_1316, %scatter3A_1317] : memref<2x100x1x512xf32, #tpu.memory_space<vmem>> -> memref<1x100x1x512xf32, #tpu.memory_space<vmem>>
        %scatter3A_1319 = tpu.memref_squeeze %scatter3A_1318 : memref<1x100x1x512xf32, #tpu.memory_space<vmem>> -> memref<100x1x512xf32, #tpu.memory_space<vmem>>
        tpu.vector_store_idx %scatter3A_1319[%get3A_1310, %broadcast_in_dim3A_1079, %add3A_1313], %broadcast_in_dim3A_6 : memref<100x1x512xf32, #tpu.memory_space<vmem>>[vector<16xi32>, vector<16xi32>, vector<16xi32>], vector<16xf32>,
        %mul3A_1320 = arith.constant 512 : i32
        %mul3A_1321 = arith.muli %sub3A_1076, %mul3A_1320 : i32
        %add3A_1322 = arith.constant 256 : i32
        %add3A_1323 = arith.addi %mul3A_1321, %add3A_1322 : i32
        %get3A_1324 = arith.index_cast %add3A_1323 : i32 to index
        %get3A_1325 = tpu.vector_load %arg5[%get3A_1324] {strides = array<i32>} : memref<25600xi32, #tpu.memory_space<vmem>>, vector<16xi32>,
        %add3A_1326 = arith.constant 256 : i32
        %add3A_1327 = vector.broadcast %add3A_1326 : i32 to vector<16xi32>
        %add3A_1328 = arith.addi %iota3A_1077, %add3A_1327 : vector<16xi32>
        %scatter3A_1329 = arith.constant 1 : i32
        %scatter3A_1330 = arith.constant 0 : i32
        %scatter3A_1331 = arith.constant 0 : i32
        %scatter3A_1332 = arith.constant 0 : i32
        %scatter3A_1333 = tpu.memref_slice %arg6[%scatter3A_1329, %scatter3A_1330, %scatter3A_1331, %scatter3A_1332] : memref<2x100x1x512xf32, #tpu.memory_space<vmem>> -> memref<1x100x1x512xf32, #tpu.memory_space<vmem>>
        %scatter3A_1334 = tpu.memref_squeeze %scatter3A_1333 : memref<1x100x1x512xf32, #tpu.memory_space<vmem>> -> memref<100x1x512xf32, #tpu.memory_space<vmem>>
        tpu.vector_store_idx %scatter3A_1334[%get3A_1325, %broadcast_in_dim3A_1079, %add3A_1328], %broadcast_in_dim3A_6 : memref<100x1x512xf32, #tpu.memory_space<vmem>>[vector<16xi32>, vector<16xi32>, vector<16xi32>], vector<16xf32>,
        %mul3A_1335 = arith.constant 512 : i32
        %mul3A_1336 = arith.muli %sub3A_1076, %mul3A_1335 : i32
        %add3A_1337 = arith.constant 272 : i32
        %add3A_1338 = arith.addi %mul3A_1336, %add3A_1337 : i32
        %get3A_1339 = arith.index_cast %add3A_1338 : i32 to index
        %get3A_1340 = tpu.vector_load %arg5[%get3A_1339] {strides = array<i32>} : memref<25600xi32, #tpu.memory_space<vmem>>, vector<16xi32>,
        %add3A_1341 = arith.constant 272 : i32
        %add3A_1342 = vector.broadcast %add3A_1341 : i32 to vector<16xi32>
        %add3A_1343 = arith.addi %iota3A_1077, %add3A_1342 : vector<16xi32>
        %scatter3A_1344 = arith.constant 1 : i32
        %scatter3A_1345 = arith.constant 0 : i32
        %scatter3A_1346 = arith.constant 0 : i32
        %scatter3A_1347 = arith.constant 0 : i32
        %scatter3A_1348 = tpu.memref_slice %arg6[%scatter3A_1344, %scatter3A_1345, %scatter3A_1346, %scatter3A_1347] : memref<2x100x1x512xf32, #tpu.memory_space<vmem>> -> memref<1x100x1x512xf32, #tpu.memory_space<vmem>>
        %scatter3A_1349 = tpu.memref_squeeze %scatter3A_1348 : memref<1x100x1x512xf32, #tpu.memory_space<vmem>> -> memref<100x1x512xf32, #tpu.memory_space<vmem>>
        tpu.vector_store_idx %scatter3A_1349[%get3A_1340, %broadcast_in_dim3A_1079, %add3A_1343], %broadcast_in_dim3A_6 : memref<100x1x512xf32, #tpu.memory_space<vmem>>[vector<16xi32>, vector<16xi32>, vector<16xi32>], vector<16xf32>,
        %mul3A_1350 = arith.constant 512 : i32
        %mul3A_1351 = arith.muli %sub3A_1076, %mul3A_1350 : i32
        %add3A_1352 = arith.constant 288 : i32
        %add3A_1353 = arith.addi %mul3A_1351, %add3A_1352 : i32
        %get3A_1354 = arith.index_cast %add3A_1353 : i32 to index
        %get3A_1355 = tpu.vector_load %arg5[%get3A_1354] {strides = array<i32>} : memref<25600xi32, #tpu.memory_space<vmem>>, vector<16xi32>,
        %add3A_1356 = arith.constant 288 : i32
        %add3A_1357 = vector.broadcast %add3A_1356 : i32 to vector<16xi32>
        %add3A_1358 = arith.addi %iota3A_1077, %add3A_1357 : vector<16xi32>
        %scatter3A_1359 = arith.constant 1 : i32
        %scatter3A_1360 = arith.constant 0 : i32
        %scatter3A_1361 = arith.constant 0 : i32
        %scatter3A_1362 = arith.constant 0 : i32
        %scatter3A_1363 = tpu.memref_slice %arg6[%scatter3A_1359, %scatter3A_1360, %scatter3A_1361, %scatter3A_1362] : memref<2x100x1x512xf32, #tpu.memory_space<vmem>> -> memref<1x100x1x512xf32, #tpu.memory_space<vmem>>
        %scatter3A_1364 = tpu.memref_squeeze %scatter3A_1363 : memref<1x100x1x512xf32, #tpu.memory_space<vmem>> -> memref<100x1x512xf32, #tpu.memory_space<vmem>>
        tpu.vector_store_idx %scatter3A_1364[%get3A_1355, %broadcast_in_dim3A_1079, %add3A_1358], %broadcast_in_dim3A_6 : memref<100x1x512xf32, #tpu.memory_space<vmem>>[vector<16xi32>, vector<16xi32>, vector<16xi32>], vector<16xf32>,
        %mul3A_1365 = arith.constant 512 : i32
        %mul3A_1366 = arith.muli %sub3A_1076, %mul3A_1365 : i32
        %add3A_1367 = arith.constant 304 : i32
        %add3A_1368 = arith.addi %mul3A_1366, %add3A_1367 : i32
        %get3A_1369 = arith.index_cast %add3A_1368 : i32 to index
        %get3A_1370 = tpu.vector_load %arg5[%get3A_1369] {strides = array<i32>} : memref<25600xi32, #tpu.memory_space<vmem>>, vector<16xi32>,
        %add3A_1371 = arith.constant 304 : i32
        %add3A_1372 = vector.broadcast %add3A_1371 : i32 to vector<16xi32>
        %add3A_1373 = arith.addi %iota3A_1077, %add3A_1372 : vector<16xi32>
        %scatter3A_1374 = arith.constant 1 : i32
        %scatter3A_1375 = arith.constant 0 : i32
        %scatter3A_1376 = arith.constant 0 : i32
        %scatter3A_1377 = arith.constant 0 : i32
        %scatter3A_1378 = tpu.memref_slice %arg6[%scatter3A_1374, %scatter3A_1375, %scatter3A_1376, %scatter3A_1377] : memref<2x100x1x512xf32, #tpu.memory_space<vmem>> -> memref<1x100x1x512xf32, #tpu.memory_space<vmem>>
        %scatter3A_1379 = tpu.memref_squeeze %scatter3A_1378 : memref<1x100x1x512xf32, #tpu.memory_space<vmem>> -> memref<100x1x512xf32, #tpu.memory_space<vmem>>
        tpu.vector_store_idx %scatter3A_1379[%get3A_1370, %broadcast_in_dim3A_1079, %add3A_1373], %broadcast_in_dim3A_6 : memref<100x1x512xf32, #tpu.memory_space<vmem>>[vector<16xi32>, vector<16xi32>, vector<16xi32>], vector<16xf32>,
        %mul3A_1380 = arith.constant 512 : i32
        %mul3A_1381 = arith.muli %sub3A_1076, %mul3A_1380 : i32
        %add3A_1382 = arith.constant 320 : i32
        %add3A_1383 = arith.addi %mul3A_1381, %add3A_1382 : i32
        %get3A_1384 = arith.index_cast %add3A_1383 : i32 to index
        %get3A_1385 = tpu.vector_load %arg5[%get3A_1384] {strides = array<i32>} : memref<25600xi32, #tpu.memory_space<vmem>>, vector<16xi32>,
        %add3A_1386 = arith.constant 320 : i32
        %add3A_1387 = vector.broadcast %add3A_1386 : i32 to vector<16xi32>
        %add3A_1388 = arith.addi %iota3A_1077, %add3A_1387 : vector<16xi32>
        %scatter3A_1389 = arith.constant 1 : i32
        %scatter3A_1390 = arith.constant 0 : i32
        %scatter3A_1391 = arith.constant 0 : i32
        %scatter3A_1392 = arith.constant 0 : i32
        %scatter3A_1393 = tpu.memref_slice %arg6[%scatter3A_1389, %scatter3A_1390, %scatter3A_1391, %scatter3A_1392] : memref<2x100x1x512xf32, #tpu.memory_space<vmem>> -> memref<1x100x1x512xf32, #tpu.memory_space<vmem>>
        %scatter3A_1394 = tpu.memref_squeeze %scatter3A_1393 : memref<1x100x1x512xf32, #tpu.memory_space<vmem>> -> memref<100x1x512xf32, #tpu.memory_space<vmem>>
        tpu.vector_store_idx %scatter3A_1394[%get3A_1385, %broadcast_in_dim3A_1079, %add3A_1388], %broadcast_in_dim3A_6 : memref<100x1x512xf32, #tpu.memory_space<vmem>>[vector<16xi32>, vector<16xi32>, vector<16xi32>], vector<16xf32>,
        %mul3A_1395 = arith.constant 512 : i32
        %mul3A_1396 = arith.muli %sub3A_1076, %mul3A_1395 : i32
        %add3A_1397 = arith.constant 336 : i32
        %add3A_1398 = arith.addi %mul3A_1396, %add3A_1397 : i32
        %get3A_1399 = arith.index_cast %add3A_1398 : i32 to index
        %get3A_1400 = tpu.vector_load %arg5[%get3A_1399] {strides = array<i32>} : memref<25600xi32, #tpu.memory_space<vmem>>, vector<16xi32>,
        %add3A_1401 = arith.constant 336 : i32
        %add3A_1402 = vector.broadcast %add3A_1401 : i32 to vector<16xi32>
        %add3A_1403 = arith.addi %iota3A_1077, %add3A_1402 : vector<16xi32>
        %scatter3A_1404 = arith.constant 1 : i32
        %scatter3A_1405 = arith.constant 0 : i32
        %scatter3A_1406 = arith.constant 0 : i32
        %scatter3A_1407 = arith.constant 0 : i32
        %scatter3A_1408 = tpu.memref_slice %arg6[%scatter3A_1404, %scatter3A_1405, %scatter3A_1406, %scatter3A_1407] : memref<2x100x1x512xf32, #tpu.memory_space<vmem>> -> memref<1x100x1x512xf32, #tpu.memory_space<vmem>>
        %scatter3A_1409 = tpu.memref_squeeze %scatter3A_1408 : memref<1x100x1x512xf32, #tpu.memory_space<vmem>> -> memref<100x1x512xf32, #tpu.memory_space<vmem>>
        tpu.vector_store_idx %scatter3A_1409[%get3A_1400, %broadcast_in_dim3A_1079, %add3A_1403], %broadcast_in_dim3A_6 : memref<100x1x512xf32, #tpu.memory_space<vmem>>[vector<16xi32>, vector<16xi32>, vector<16xi32>], vector<16xf32>,
        %mul3A_1410 = arith.constant 512 : i32
        %mul3A_1411 = arith.muli %sub3A_1076, %mul3A_1410 : i32
        %add3A_1412 = arith.constant 352 : i32
        %add3A_1413 = arith.addi %mul3A_1411, %add3A_1412 : i32
        %get3A_1414 = arith.index_cast %add3A_1413 : i32 to index
        %get3A_1415 = tpu.vector_load %arg5[%get3A_1414] {strides = array<i32>} : memref<25600xi32, #tpu.memory_space<vmem>>, vector<16xi32>,
        %add3A_1416 = arith.constant 352 : i32
        %add3A_1417 = vector.broadcast %add3A_1416 : i32 to vector<16xi32>
        %add3A_1418 = arith.addi %iota3A_1077, %add3A_1417 : vector<16xi32>
        %scatter3A_1419 = arith.constant 1 : i32
        %scatter3A_1420 = arith.constant 0 : i32
        %scatter3A_1421 = arith.constant 0 : i32
        %scatter3A_1422 = arith.constant 0 : i32
        %scatter3A_1423 = tpu.memref_slice %arg6[%scatter3A_1419, %scatter3A_1420, %scatter3A_1421, %scatter3A_1422] : memref<2x100x1x512xf32, #tpu.memory_space<vmem>> -> memref<1x100x1x512xf32, #tpu.memory_space<vmem>>
        %scatter3A_1424 = tpu.memref_squeeze %scatter3A_1423 : memref<1x100x1x512xf32, #tpu.memory_space<vmem>> -> memref<100x1x512xf32, #tpu.memory_space<vmem>>
        tpu.vector_store_idx %scatter3A_1424[%get3A_1415, %broadcast_in_dim3A_1079, %add3A_1418], %broadcast_in_dim3A_6 : memref<100x1x512xf32, #tpu.memory_space<vmem>>[vector<16xi32>, vector<16xi32>, vector<16xi32>], vector<16xf32>,
        %mul3A_1425 = arith.constant 512 : i32
        %mul3A_1426 = arith.muli %sub3A_1076, %mul3A_1425 : i32
        %add3A_1427 = arith.constant 368 : i32
        %add3A_1428 = arith.addi %mul3A_1426, %add3A_1427 : i32
        %get3A_1429 = arith.index_cast %add3A_1428 : i32 to index
        %get3A_1430 = tpu.vector_load %arg5[%get3A_1429] {strides = array<i32>} : memref<25600xi32, #tpu.memory_space<vmem>>, vector<16xi32>,
        %add3A_1431 = arith.constant 368 : i32
        %add3A_1432 = vector.broadcast %add3A_1431 : i32 to vector<16xi32>
        %add3A_1433 = arith.addi %iota3A_1077, %add3A_1432 : vector<16xi32>
        %scatter3A_1434 = arith.constant 1 : i32
        %scatter3A_1435 = arith.constant 0 : i32
        %scatter3A_1436 = arith.constant 0 : i32
        %scatter3A_1437 = arith.constant 0 : i32
        %scatter3A_1438 = tpu.memref_slice %arg6[%scatter3A_1434, %scatter3A_1435, %scatter3A_1436, %scatter3A_1437] : memref<2x100x1x512xf32, #tpu.memory_space<vmem>> -> memref<1x100x1x512xf32, #tpu.memory_space<vmem>>
        %scatter3A_1439 = tpu.memref_squeeze %scatter3A_1438 : memref<1x100x1x512xf32, #tpu.memory_space<vmem>> -> memref<100x1x512xf32, #tpu.memory_space<vmem>>
        tpu.vector_store_idx %scatter3A_1439[%get3A_1430, %broadcast_in_dim3A_1079, %add3A_1433], %broadcast_in_dim3A_6 : memref<100x1x512xf32, #tpu.memory_space<vmem>>[vector<16xi32>, vector<16xi32>, vector<16xi32>], vector<16xf32>,
        %mul3A_1440 = arith.constant 512 : i32
        %mul3A_1441 = arith.muli %sub3A_1076, %mul3A_1440 : i32
        %add3A_1442 = arith.constant 384 : i32
        %add3A_1443 = arith.addi %mul3A_1441, %add3A_1442 : i32
        %get3A_1444 = arith.index_cast %add3A_1443 : i32 to index
        %get3A_1445 = tpu.vector_load %arg5[%get3A_1444] {strides = array<i32>} : memref<25600xi32, #tpu.memory_space<vmem>>, vector<16xi32>,
        %add3A_1446 = arith.constant 384 : i32
        %add3A_1447 = vector.broadcast %add3A_1446 : i32 to vector<16xi32>
        %add3A_1448 = arith.addi %iota3A_1077, %add3A_1447 : vector<16xi32>
        %scatter3A_1449 = arith.constant 1 : i32
        %scatter3A_1450 = arith.constant 0 : i32
        %scatter3A_1451 = arith.constant 0 : i32
        %scatter3A_1452 = arith.constant 0 : i32
        %scatter3A_1453 = tpu.memref_slice %arg6[%scatter3A_1449, %scatter3A_1450, %scatter3A_1451, %scatter3A_1452] : memref<2x100x1x512xf32, #tpu.memory_space<vmem>> -> memref<1x100x1x512xf32, #tpu.memory_space<vmem>>
        %scatter3A_1454 = tpu.memref_squeeze %scatter3A_1453 : memref<1x100x1x512xf32, #tpu.memory_space<vmem>> -> memref<100x1x512xf32, #tpu.memory_space<vmem>>
        tpu.vector_store_idx %scatter3A_1454[%get3A_1445, %broadcast_in_dim3A_1079, %add3A_1448], %broadcast_in_dim3A_6 : memref<100x1x512xf32, #tpu.memory_space<vmem>>[vector<16xi32>, vector<16xi32>, vector<16xi32>], vector<16xf32>,
        %mul3A_1455 = arith.constant 512 : i32
        %mul3A_1456 = arith.muli %sub3A_1076, %mul3A_1455 : i32
        %add3A_1457 = arith.constant 400 : i32
        %add3A_1458 = arith.addi %mul3A_1456, %add3A_1457 : i32
        %get3A_1459 = arith.index_cast %add3A_1458 : i32 to index
        %get3A_1460 = tpu.vector_load %arg5[%get3A_1459] {strides = array<i32>} : memref<25600xi32, #tpu.memory_space<vmem>>, vector<16xi32>,
        %add3A_1461 = arith.constant 400 : i32
        %add3A_1462 = vector.broadcast %add3A_1461 : i32 to vector<16xi32>
        %add3A_1463 = arith.addi %iota3A_1077, %add3A_1462 : vector<16xi32>
        %scatter3A_1464 = arith.constant 1 : i32
        %scatter3A_1465 = arith.constant 0 : i32
        %scatter3A_1466 = arith.constant 0 : i32
        %scatter3A_1467 = arith.constant 0 : i32
        %scatter3A_1468 = tpu.memref_slice %arg6[%scatter3A_1464, %scatter3A_1465, %scatter3A_1466, %scatter3A_1467] : memref<2x100x1x512xf32, #tpu.memory_space<vmem>> -> memref<1x100x1x512xf32, #tpu.memory_space<vmem>>
        %scatter3A_1469 = tpu.memref_squeeze %scatter3A_1468 : memref<1x100x1x512xf32, #tpu.memory_space<vmem>> -> memref<100x1x512xf32, #tpu.memory_space<vmem>>
        tpu.vector_store_idx %scatter3A_1469[%get3A_1460, %broadcast_in_dim3A_1079, %add3A_1463], %broadcast_in_dim3A_6 : memref<100x1x512xf32, #tpu.memory_space<vmem>>[vector<16xi32>, vector<16xi32>, vector<16xi32>], vector<16xf32>,
        %mul3A_1470 = arith.constant 512 : i32
        %mul3A_1471 = arith.muli %sub3A_1076, %mul3A_1470 : i32
        %add3A_1472 = arith.constant 416 : i32
        %add3A_1473 = arith.addi %mul3A_1471, %add3A_1472 : i32
        %get3A_1474 = arith.index_cast %add3A_1473 : i32 to index
        %get3A_1475 = tpu.vector_load %arg5[%get3A_1474] {strides = array<i32>} : memref<25600xi32, #tpu.memory_space<vmem>>, vector<16xi32>,
        %add3A_1476 = arith.constant 416 : i32
        %add3A_1477 = vector.broadcast %add3A_1476 : i32 to vector<16xi32>
        %add3A_1478 = arith.addi %iota3A_1077, %add3A_1477 : vector<16xi32>
        %scatter3A_1479 = arith.constant 1 : i32
        %scatter3A_1480 = arith.constant 0 : i32
        %scatter3A_1481 = arith.constant 0 : i32
        %scatter3A_1482 = arith.constant 0 : i32
        %scatter3A_1483 = tpu.memref_slice %arg6[%scatter3A_1479, %scatter3A_1480, %scatter3A_1481, %scatter3A_1482] : memref<2x100x1x512xf32, #tpu.memory_space<vmem>> -> memref<1x100x1x512xf32, #tpu.memory_space<vmem>>
        %scatter3A_1484 = tpu.memref_squeeze %scatter3A_1483 : memref<1x100x1x512xf32, #tpu.memory_space<vmem>> -> memref<100x1x512xf32, #tpu.memory_space<vmem>>
        tpu.vector_store_idx %scatter3A_1484[%get3A_1475, %broadcast_in_dim3A_1079, %add3A_1478], %broadcast_in_dim3A_6 : memref<100x1x512xf32, #tpu.memory_space<vmem>>[vector<16xi32>, vector<16xi32>, vector<16xi32>], vector<16xf32>,
        %mul3A_1485 = arith.constant 512 : i32
        %mul3A_1486 = arith.muli %sub3A_1076, %mul3A_1485 : i32
        %add3A_1487 = arith.constant 432 : i32
        %add3A_1488 = arith.addi %mul3A_1486, %add3A_1487 : i32
        %get3A_1489 = arith.index_cast %add3A_1488 : i32 to index
        %get3A_1490 = tpu.vector_load %arg5[%get3A_1489] {strides = array<i32>} : memref<25600xi32, #tpu.memory_space<vmem>>, vector<16xi32>,
        %add3A_1491 = arith.constant 432 : i32
        %add3A_1492 = vector.broadcast %add3A_1491 : i32 to vector<16xi32>
        %add3A_1493 = arith.addi %iota3A_1077, %add3A_1492 : vector<16xi32>
        %scatter3A_1494 = arith.constant 1 : i32
        %scatter3A_1495 = arith.constant 0 : i32
        %scatter3A_1496 = arith.constant 0 : i32
        %scatter3A_1497 = arith.constant 0 : i32
        %scatter3A_1498 = tpu.memref_slice %arg6[%scatter3A_1494, %scatter3A_1495, %scatter3A_1496, %scatter3A_1497] : memref<2x100x1x512xf32, #tpu.memory_space<vmem>> -> memref<1x100x1x512xf32, #tpu.memory_space<vmem>>
        %scatter3A_1499 = tpu.memref_squeeze %scatter3A_1498 : memref<1x100x1x512xf32, #tpu.memory_space<vmem>> -> memref<100x1x512xf32, #tpu.memory_space<vmem>>
        tpu.vector_store_idx %scatter3A_1499[%get3A_1490, %broadcast_in_dim3A_1079, %add3A_1493], %broadcast_in_dim3A_6 : memref<100x1x512xf32, #tpu.memory_space<vmem>>[vector<16xi32>, vector<16xi32>, vector<16xi32>], vector<16xf32>,
        %mul3A_1500 = arith.constant 512 : i32
        %mul3A_1501 = arith.muli %sub3A_1076, %mul3A_1500 : i32
        %add3A_1502 = arith.constant 448 : i32
        %add3A_1503 = arith.addi %mul3A_1501, %add3A_1502 : i32
        %get3A_1504 = arith.index_cast %add3A_1503 : i32 to index
        %get3A_1505 = tpu.vector_load %arg5[%get3A_1504] {strides = array<i32>} : memref<25600xi32, #tpu.memory_space<vmem>>, vector<16xi32>,
        %add3A_1506 = arith.constant 448 : i32
        %add3A_1507 = vector.broadcast %add3A_1506 : i32 to vector<16xi32>
        %add3A_1508 = arith.addi %iota3A_1077, %add3A_1507 : vector<16xi32>
        %scatter3A_1509 = arith.constant 1 : i32
        %scatter3A_1510 = arith.constant 0 : i32
        %scatter3A_1511 = arith.constant 0 : i32
        %scatter3A_1512 = arith.constant 0 : i32
        %scatter3A_1513 = tpu.memref_slice %arg6[%scatter3A_1509, %scatter3A_1510, %scatter3A_1511, %scatter3A_1512] : memref<2x100x1x512xf32, #tpu.memory_space<vmem>> -> memref<1x100x1x512xf32, #tpu.memory_space<vmem>>
        %scatter3A_1514 = tpu.memref_squeeze %scatter3A_1513 : memref<1x100x1x512xf32, #tpu.memory_space<vmem>> -> memref<100x1x512xf32, #tpu.memory_space<vmem>>
        tpu.vector_store_idx %scatter3A_1514[%get3A_1505, %broadcast_in_dim3A_1079, %add3A_1508], %broadcast_in_dim3A_6 : memref<100x1x512xf32, #tpu.memory_space<vmem>>[vector<16xi32>, vector<16xi32>, vector<16xi32>], vector<16xf32>,
        %mul3A_1515 = arith.constant 512 : i32
        %mul3A_1516 = arith.muli %sub3A_1076, %mul3A_1515 : i32
        %add3A_1517 = arith.constant 464 : i32
        %add3A_1518 = arith.addi %mul3A_1516, %add3A_1517 : i32
        %get3A_1519 = arith.index_cast %add3A_1518 : i32 to index
        %get3A_1520 = tpu.vector_load %arg5[%get3A_1519] {strides = array<i32>} : memref<25600xi32, #tpu.memory_space<vmem>>, vector<16xi32>,
        %add3A_1521 = arith.constant 464 : i32
        %add3A_1522 = vector.broadcast %add3A_1521 : i32 to vector<16xi32>
        %add3A_1523 = arith.addi %iota3A_1077, %add3A_1522 : vector<16xi32>
        %scatter3A_1524 = arith.constant 1 : i32
        %scatter3A_1525 = arith.constant 0 : i32
        %scatter3A_1526 = arith.constant 0 : i32
        %scatter3A_1527 = arith.constant 0 : i32
        %scatter3A_1528 = tpu.memref_slice %arg6[%scatter3A_1524, %scatter3A_1525, %scatter3A_1526, %scatter3A_1527] : memref<2x100x1x512xf32, #tpu.memory_space<vmem>> -> memref<1x100x1x512xf32, #tpu.memory_space<vmem>>
        %scatter3A_1529 = tpu.memref_squeeze %scatter3A_1528 : memref<1x100x1x512xf32, #tpu.memory_space<vmem>> -> memref<100x1x512xf32, #tpu.memory_space<vmem>>
        tpu.vector_store_idx %scatter3A_1529[%get3A_1520, %broadcast_in_dim3A_1079, %add3A_1523], %broadcast_in_dim3A_6 : memref<100x1x512xf32, #tpu.memory_space<vmem>>[vector<16xi32>, vector<16xi32>, vector<16xi32>], vector<16xf32>,
        %mul3A_1530 = arith.constant 512 : i32
        %mul3A_1531 = arith.muli %sub3A_1076, %mul3A_1530 : i32
        %add3A_1532 = arith.constant 480 : i32
        %add3A_1533 = arith.addi %mul3A_1531, %add3A_1532 : i32
        %get3A_1534 = arith.index_cast %add3A_1533 : i32 to index
        %get3A_1535 = tpu.vector_load %arg5[%get3A_1534] {strides = array<i32>} : memref<25600xi32, #tpu.memory_space<vmem>>, vector<16xi32>,
        %add3A_1536 = arith.constant 480 : i32
        %add3A_1537 = vector.broadcast %add3A_1536 : i32 to vector<16xi32>
        %add3A_1538 = arith.addi %iota3A_1077, %add3A_1537 : vector<16xi32>
        %scatter3A_1539 = arith.constant 1 : i32
        %scatter3A_1540 = arith.constant 0 : i32
        %scatter3A_1541 = arith.constant 0 : i32
        %scatter3A_1542 = arith.constant 0 : i32
        %scatter3A_1543 = tpu.memref_slice %arg6[%scatter3A_1539, %scatter3A_1540, %scatter3A_1541, %scatter3A_1542] : memref<2x100x1x512xf32, #tpu.memory_space<vmem>> -> memref<1x100x1x512xf32, #tpu.memory_space<vmem>>
        %scatter3A_1544 = tpu.memref_squeeze %scatter3A_1543 : memref<1x100x1x512xf32, #tpu.memory_space<vmem>> -> memref<100x1x512xf32, #tpu.memory_space<vmem>>
        tpu.vector_store_idx %scatter3A_1544[%get3A_1535, %broadcast_in_dim3A_1079, %add3A_1538], %broadcast_in_dim3A_6 : memref<100x1x512xf32, #tpu.memory_space<vmem>>[vector<16xi32>, vector<16xi32>, vector<16xi32>], vector<16xf32>,
        %mul3A_1545 = arith.constant 512 : i32
        %mul3A_1546 = arith.muli %sub3A_1076, %mul3A_1545 : i32
        %add3A_1547 = arith.constant 496 : i32
        %add3A_1548 = arith.addi %mul3A_1546, %add3A_1547 : i32
        %get3A_1549 = arith.index_cast %add3A_1548 : i32 to index
        %get3A_1550 = tpu.vector_load %arg5[%get3A_1549] {strides = array<i32>} : memref<25600xi32, #tpu.memory_space<vmem>>, vector<16xi32>,
        %add3A_1551 = arith.constant 496 : i32
        %add3A_1552 = vector.broadcast %add3A_1551 : i32 to vector<16xi32>
        %add3A_1553 = arith.addi %iota3A_1077, %add3A_1552 : vector<16xi32>
        %scatter3A_1554 = arith.constant 1 : i32
        %scatter3A_1555 = arith.constant 0 : i32
        %scatter3A_1556 = arith.constant 0 : i32
        %scatter3A_1557 = arith.constant 0 : i32
        %scatter3A_1558 = tpu.memref_slice %arg6[%scatter3A_1554, %scatter3A_1555, %scatter3A_1556, %scatter3A_1557] : memref<2x100x1x512xf32, #tpu.memory_space<vmem>> -> memref<1x100x1x512xf32, #tpu.memory_space<vmem>>
        %scatter3A_1559 = tpu.memref_squeeze %scatter3A_1558 : memref<1x100x1x512xf32, #tpu.memory_space<vmem>> -> memref<100x1x512xf32, #tpu.memory_space<vmem>>
        tpu.vector_store_idx %scatter3A_1559[%get3A_1550, %broadcast_in_dim3A_1079, %add3A_1553], %broadcast_in_dim3A_6 : memref<100x1x512xf32, #tpu.memory_space<vmem>>[vector<16xi32>, vector<16xi32>, vector<16xi32>], vector<16xf32>,
      } else {
      }
      %iota3A_557 = tpu.iota {dimensions = array<i32: 0>} : vector<16xi32>
      %broadcast_in_dim3A_558 = arith.constant 0 : i32
      %broadcast_in_dim3A_559 = vector.broadcast %broadcast_in_dim3A_558 : i32 to vector<16xi32>
      %mul3A_560 = arith.constant 512 : i32
      %mul3A_561 = arith.muli %add3A_551, %mul3A_560 : i32
      %add3A_562 = arith.constant 0 : i32
      %add3A_563 = arith.addi %mul3A_561, %add3A_562 : i32
      %get3A_564 = arith.index_cast %add3A_563 : i32 to index
      %get3A_565 = tpu.vector_load %arg5[%get3A_564] {strides = array<i32>} : memref<25600xi32, #tpu.memory_space<vmem>>, vector<16xi32>,
      %add3A_566 = arith.constant 0 : i32
      %add3A_567 = vector.broadcast %add3A_566 : i32 to vector<16xi32>
      %add3A_568 = arith.addi %iota3A_557, %add3A_567 : vector<16xi32>
      %scatter3A_569 = arith.constant 1 : i32
      %scatter3A_570 = arith.constant 0 : i32
      %scatter3A_571 = arith.constant 0 : i32
      %scatter3A_572 = arith.constant 0 : i32
      %scatter3A_573 = tpu.memref_slice %arg6[%scatter3A_569, %scatter3A_570, %scatter3A_571, %scatter3A_572] : memref<2x100x1x512xf32, #tpu.memory_space<vmem>> -> memref<1x100x1x512xf32, #tpu.memory_space<vmem>>
      %scatter3A_574 = tpu.memref_squeeze %scatter3A_573 : memref<1x100x1x512xf32, #tpu.memory_space<vmem>> -> memref<100x1x512xf32, #tpu.memory_space<vmem>>
      tpu.vector_store_idx %scatter3A_574[%get3A_565, %broadcast_in_dim3A_559, %add3A_568], %broadcast_in_dim3A_4 : memref<100x1x512xf32, #tpu.memory_space<vmem>>[vector<16xi32>, vector<16xi32>, vector<16xi32>], vector<16xf32>,
      %mul3A_575 = arith.constant 512 : i32
      %mul3A_576 = arith.muli %add3A_551, %mul3A_575 : i32
      %add3A_577 = arith.constant 16 : i32
      %add3A_578 = arith.addi %mul3A_576, %add3A_577 : i32
      %get3A_579 = arith.index_cast %add3A_578 : i32 to index
      %get3A_580 = tpu.vector_load %arg5[%get3A_579] {strides = array<i32>} : memref<25600xi32, #tpu.memory_space<vmem>>, vector<16xi32>,
      %add3A_581 = arith.constant 16 : i32
      %add3A_582 = vector.broadcast %add3A_581 : i32 to vector<16xi32>
      %add3A_583 = arith.addi %iota3A_557, %add3A_582 : vector<16xi32>
      %scatter3A_584 = arith.constant 1 : i32
      %scatter3A_585 = arith.constant 0 : i32
      %scatter3A_586 = arith.constant 0 : i32
      %scatter3A_587 = arith.constant 0 : i32
      %scatter3A_588 = tpu.memref_slice %arg6[%scatter3A_584, %scatter3A_585, %scatter3A_586, %scatter3A_587] : memref<2x100x1x512xf32, #tpu.memory_space<vmem>> -> memref<1x100x1x512xf32, #tpu.memory_space<vmem>>
      %scatter3A_589 = tpu.memref_squeeze %scatter3A_588 : memref<1x100x1x512xf32, #tpu.memory_space<vmem>> -> memref<100x1x512xf32, #tpu.memory_space<vmem>>
      tpu.vector_store_idx %scatter3A_589[%get3A_580, %broadcast_in_dim3A_559, %add3A_583], %broadcast_in_dim3A_4 : memref<100x1x512xf32, #tpu.memory_space<vmem>>[vector<16xi32>, vector<16xi32>, vector<16xi32>], vector<16xf32>,
      %mul3A_590 = arith.constant 512 : i32
      %mul3A_591 = arith.muli %add3A_551, %mul3A_590 : i32
      %add3A_592 = arith.constant 32 : i32
      %add3A_593 = arith.addi %mul3A_591, %add3A_592 : i32
      %get3A_594 = arith.index_cast %add3A_593 : i32 to index
      %get3A_595 = tpu.vector_load %arg5[%get3A_594] {strides = array<i32>} : memref<25600xi32, #tpu.memory_space<vmem>>, vector<16xi32>,
      %add3A_596 = arith.constant 32 : i32
      %add3A_597 = vector.broadcast %add3A_596 : i32 to vector<16xi32>
      %add3A_598 = arith.addi %iota3A_557, %add3A_597 : vector<16xi32>
      %scatter3A_599 = arith.constant 1 : i32
      %scatter3A_600 = arith.constant 0 : i32
      %scatter3A_601 = arith.constant 0 : i32
      %scatter3A_602 = arith.constant 0 : i32
      %scatter3A_603 = tpu.memref_slice %arg6[%scatter3A_599, %scatter3A_600, %scatter3A_601, %scatter3A_602] : memref<2x100x1x512xf32, #tpu.memory_space<vmem>> -> memref<1x100x1x512xf32, #tpu.memory_space<vmem>>
      %scatter3A_604 = tpu.memref_squeeze %scatter3A_603 : memref<1x100x1x512xf32, #tpu.memory_space<vmem>> -> memref<100x1x512xf32, #tpu.memory_space<vmem>>
      tpu.vector_store_idx %scatter3A_604[%get3A_595, %broadcast_in_dim3A_559, %add3A_598], %broadcast_in_dim3A_4 : memref<100x1x512xf32, #tpu.memory_space<vmem>>[vector<16xi32>, vector<16xi32>, vector<16xi32>], vector<16xf32>,
      %mul3A_605 = arith.constant 512 : i32
      %mul3A_606 = arith.muli %add3A_551, %mul3A_605 : i32
      %add3A_607 = arith.constant 48 : i32
      %add3A_608 = arith.addi %mul3A_606, %add3A_607 : i32
      %get3A_609 = arith.index_cast %add3A_608 : i32 to index
      %get3A_610 = tpu.vector_load %arg5[%get3A_609] {strides = array<i32>} : memref<25600xi32, #tpu.memory_space<vmem>>, vector<16xi32>,
      %add3A_611 = arith.constant 48 : i32
      %add3A_612 = vector.broadcast %add3A_611 : i32 to vector<16xi32>
      %add3A_613 = arith.addi %iota3A_557, %add3A_612 : vector<16xi32>
      %scatter3A_614 = arith.constant 1 : i32
      %scatter3A_615 = arith.constant 0 : i32
      %scatter3A_616 = arith.constant 0 : i32
      %scatter3A_617 = arith.constant 0 : i32
      %scatter3A_618 = tpu.memref_slice %arg6[%scatter3A_614, %scatter3A_615, %scatter3A_616, %scatter3A_617] : memref<2x100x1x512xf32, #tpu.memory_space<vmem>> -> memref<1x100x1x512xf32, #tpu.memory_space<vmem>>
      %scatter3A_619 = tpu.memref_squeeze %scatter3A_618 : memref<1x100x1x512xf32, #tpu.memory_space<vmem>> -> memref<100x1x512xf32, #tpu.memory_space<vmem>>
      tpu.vector_store_idx %scatter3A_619[%get3A_610, %broadcast_in_dim3A_559, %add3A_613], %broadcast_in_dim3A_4 : memref<100x1x512xf32, #tpu.memory_space<vmem>>[vector<16xi32>, vector<16xi32>, vector<16xi32>], vector<16xf32>,
      %mul3A_620 = arith.constant 512 : i32
      %mul3A_621 = arith.muli %add3A_551, %mul3A_620 : i32
      %add3A_622 = arith.constant 64 : i32
      %add3A_623 = arith.addi %mul3A_621, %add3A_622 : i32
      %get3A_624 = arith.index_cast %add3A_623 : i32 to index
      %get3A_625 = tpu.vector_load %arg5[%get3A_624] {strides = array<i32>} : memref<25600xi32, #tpu.memory_space<vmem>>, vector<16xi32>,
      %add3A_626 = arith.constant 64 : i32
      %add3A_627 = vector.broadcast %add3A_626 : i32 to vector<16xi32>
      %add3A_628 = arith.addi %iota3A_557, %add3A_627 : vector<16xi32>
      %scatter3A_629 = arith.constant 1 : i32
      %scatter3A_630 = arith.constant 0 : i32
      %scatter3A_631 = arith.constant 0 : i32
      %scatter3A_632 = arith.constant 0 : i32
      %scatter3A_633 = tpu.memref_slice %arg6[%scatter3A_629, %scatter3A_630, %scatter3A_631, %scatter3A_632] : memref<2x100x1x512xf32, #tpu.memory_space<vmem>> -> memref<1x100x1x512xf32, #tpu.memory_space<vmem>>
      %scatter3A_634 = tpu.memref_squeeze %scatter3A_633 : memref<1x100x1x512xf32, #tpu.memory_space<vmem>> -> memref<100x1x512xf32, #tpu.memory_space<vmem>>
      tpu.vector_store_idx %scatter3A_634[%get3A_625, %broadcast_in_dim3A_559, %add3A_628], %broadcast_in_dim3A_4 : memref<100x1x512xf32, #tpu.memory_space<vmem>>[vector<16xi32>, vector<16xi32>, vector<16xi32>], vector<16xf32>,
      %mul3A_635 = arith.constant 512 : i32
      %mul3A_636 = arith.muli %add3A_551, %mul3A_635 : i32
      %add3A_637 = arith.constant 80 : i32
      %add3A_638 = arith.addi %mul3A_636, %add3A_637 : i32
      %get3A_639 = arith.index_cast %add3A_638 : i32 to index
      %get3A_640 = tpu.vector_load %arg5[%get3A_639] {strides = array<i32>} : memref<25600xi32, #tpu.memory_space<vmem>>, vector<16xi32>,
      %add3A_641 = arith.constant 80 : i32
      %add3A_642 = vector.broadcast %add3A_641 : i32 to vector<16xi32>
      %add3A_643 = arith.addi %iota3A_557, %add3A_642 : vector<16xi32>
      %scatter3A_644 = arith.constant 1 : i32
      %scatter3A_645 = arith.constant 0 : i32
      %scatter3A_646 = arith.constant 0 : i32
      %scatter3A_647 = arith.constant 0 : i32
      %scatter3A_648 = tpu.memref_slice %arg6[%scatter3A_644, %scatter3A_645, %scatter3A_646, %scatter3A_647] : memref<2x100x1x512xf32, #tpu.memory_space<vmem>> -> memref<1x100x1x512xf32, #tpu.memory_space<vmem>>
      %scatter3A_649 = tpu.memref_squeeze %scatter3A_648 : memref<1x100x1x512xf32, #tpu.memory_space<vmem>> -> memref<100x1x512xf32, #tpu.memory_space<vmem>>
      tpu.vector_store_idx %scatter3A_649[%get3A_640, %broadcast_in_dim3A_559, %add3A_643], %broadcast_in_dim3A_4 : memref<100x1x512xf32, #tpu.memory_space<vmem>>[vector<16xi32>, vector<16xi32>, vector<16xi32>], vector<16xf32>,
      %mul3A_650 = arith.constant 512 : i32
      %mul3A_651 = arith.muli %add3A_551, %mul3A_650 : i32
      %add3A_652 = arith.constant 96 : i32
      %add3A_653 = arith.addi %mul3A_651, %add3A_652 : i32
      %get3A_654 = arith.index_cast %add3A_653 : i32 to index
      %get3A_655 = tpu.vector_load %arg5[%get3A_654] {strides = array<i32>} : memref<25600xi32, #tpu.memory_space<vmem>>, vector<16xi32>,
      %add3A_656 = arith.constant 96 : i32
      %add3A_657 = vector.broadcast %add3A_656 : i32 to vector<16xi32>
      %add3A_658 = arith.addi %iota3A_557, %add3A_657 : vector<16xi32>
      %scatter3A_659 = arith.constant 1 : i32
      %scatter3A_660 = arith.constant 0 : i32
      %scatter3A_661 = arith.constant 0 : i32
      %scatter3A_662 = arith.constant 0 : i32
      %scatter3A_663 = tpu.memref_slice %arg6[%scatter3A_659, %scatter3A_660, %scatter3A_661, %scatter3A_662] : memref<2x100x1x512xf32, #tpu.memory_space<vmem>> -> memref<1x100x1x512xf32, #tpu.memory_space<vmem>>
      %scatter3A_664 = tpu.memref_squeeze %scatter3A_663 : memref<1x100x1x512xf32, #tpu.memory_space<vmem>> -> memref<100x1x512xf32, #tpu.memory_space<vmem>>
      tpu.vector_store_idx %scatter3A_664[%get3A_655, %broadcast_in_dim3A_559, %add3A_658], %broadcast_in_dim3A_4 : memref<100x1x512xf32, #tpu.memory_space<vmem>>[vector<16xi32>, vector<16xi32>, vector<16xi32>], vector<16xf32>,
      %mul3A_665 = arith.constant 512 : i32
      %mul3A_666 = arith.muli %add3A_551, %mul3A_665 : i32
      %add3A_667 = arith.constant 112 : i32
      %add3A_668 = arith.addi %mul3A_666, %add3A_667 : i32
      %get3A_669 = arith.index_cast %add3A_668 : i32 to index
      %get3A_670 = tpu.vector_load %arg5[%get3A_669] {strides = array<i32>} : memref<25600xi32, #tpu.memory_space<vmem>>, vector<16xi32>,
      %add3A_671 = arith.constant 112 : i32
      %add3A_672 = vector.broadcast %add3A_671 : i32 to vector<16xi32>
      %add3A_673 = arith.addi %iota3A_557, %add3A_672 : vector<16xi32>
      %scatter3A_674 = arith.constant 1 : i32
      %scatter3A_675 = arith.constant 0 : i32
      %scatter3A_676 = arith.constant 0 : i32
      %scatter3A_677 = arith.constant 0 : i32
      %scatter3A_678 = tpu.memref_slice %arg6[%scatter3A_674, %scatter3A_675, %scatter3A_676, %scatter3A_677] : memref<2x100x1x512xf32, #tpu.memory_space<vmem>> -> memref<1x100x1x512xf32, #tpu.memory_space<vmem>>
      %scatter3A_679 = tpu.memref_squeeze %scatter3A_678 : memref<1x100x1x512xf32, #tpu.memory_space<vmem>> -> memref<100x1x512xf32, #tpu.memory_space<vmem>>
      tpu.vector_store_idx %scatter3A_679[%get3A_670, %broadcast_in_dim3A_559, %add3A_673], %broadcast_in_dim3A_4 : memref<100x1x512xf32, #tpu.memory_space<vmem>>[vector<16xi32>, vector<16xi32>, vector<16xi32>], vector<16xf32>,
      %mul3A_680 = arith.constant 512 : i32
      %mul3A_681 = arith.muli %add3A_551, %mul3A_680 : i32
      %add3A_682 = arith.constant 128 : i32
      %add3A_683 = arith.addi %mul3A_681, %add3A_682 : i32
      %get3A_684 = arith.index_cast %add3A_683 : i32 to index
      %get3A_685 = tpu.vector_load %arg5[%get3A_684] {strides = array<i32>} : memref<25600xi32, #tpu.memory_space<vmem>>, vector<16xi32>,
      %add3A_686 = arith.constant 128 : i32
      %add3A_687 = vector.broadcast %add3A_686 : i32 to vector<16xi32>
      %add3A_688 = arith.addi %iota3A_557, %add3A_687 : vector<16xi32>
      %scatter3A_689 = arith.constant 1 : i32
      %scatter3A_690 = arith.constant 0 : i32
      %scatter3A_691 = arith.constant 0 : i32
      %scatter3A_692 = arith.constant 0 : i32
      %scatter3A_693 = tpu.memref_slice %arg6[%scatter3A_689, %scatter3A_690, %scatter3A_691, %scatter3A_692] : memref<2x100x1x512xf32, #tpu.memory_space<vmem>> -> memref<1x100x1x512xf32, #tpu.memory_space<vmem>>
      %scatter3A_694 = tpu.memref_squeeze %scatter3A_693 : memref<1x100x1x512xf32, #tpu.memory_space<vmem>> -> memref<100x1x512xf32, #tpu.memory_space<vmem>>
      tpu.vector_store_idx %scatter3A_694[%get3A_685, %broadcast_in_dim3A_559, %add3A_688], %broadcast_in_dim3A_4 : memref<100x1x512xf32, #tpu.memory_space<vmem>>[vector<16xi32>, vector<16xi32>, vector<16xi32>], vector<16xf32>,
      %mul3A_695 = arith.constant 512 : i32
      %mul3A_696 = arith.muli %add3A_551, %mul3A_695 : i32
      %add3A_697 = arith.constant 144 : i32
      %add3A_698 = arith.addi %mul3A_696, %add3A_697 : i32
      %get3A_699 = arith.index_cast %add3A_698 : i32 to index
      %get3A_700 = tpu.vector_load %arg5[%get3A_699] {strides = array<i32>} : memref<25600xi32, #tpu.memory_space<vmem>>, vector<16xi32>,
      %add3A_701 = arith.constant 144 : i32
      %add3A_702 = vector.broadcast %add3A_701 : i32 to vector<16xi32>
      %add3A_703 = arith.addi %iota3A_557, %add3A_702 : vector<16xi32>
      %scatter3A_704 = arith.constant 1 : i32
      %scatter3A_705 = arith.constant 0 : i32
      %scatter3A_706 = arith.constant 0 : i32
      %scatter3A_707 = arith.constant 0 : i32
      %scatter3A_708 = tpu.memref_slice %arg6[%scatter3A_704, %scatter3A_705, %scatter3A_706, %scatter3A_707] : memref<2x100x1x512xf32, #tpu.memory_space<vmem>> -> memref<1x100x1x512xf32, #tpu.memory_space<vmem>>
      %scatter3A_709 = tpu.memref_squeeze %scatter3A_708 : memref<1x100x1x512xf32, #tpu.memory_space<vmem>> -> memref<100x1x512xf32, #tpu.memory_space<vmem>>
      tpu.vector_store_idx %scatter3A_709[%get3A_700, %broadcast_in_dim3A_559, %add3A_703], %broadcast_in_dim3A_4 : memref<100x1x512xf32, #tpu.memory_space<vmem>>[vector<16xi32>, vector<16xi32>, vector<16xi32>], vector<16xf32>,
      %mul3A_710 = arith.constant 512 : i32
      %mul3A_711 = arith.muli %add3A_551, %mul3A_710 : i32
      %add3A_712 = arith.constant 160 : i32
      %add3A_713 = arith.addi %mul3A_711, %add3A_712 : i32
      %get3A_714 = arith.index_cast %add3A_713 : i32 to index
      %get3A_715 = tpu.vector_load %arg5[%get3A_714] {strides = array<i32>} : memref<25600xi32, #tpu.memory_space<vmem>>, vector<16xi32>,
      %add3A_716 = arith.constant 160 : i32
      %add3A_717 = vector.broadcast %add3A_716 : i32 to vector<16xi32>
      %add3A_718 = arith.addi %iota3A_557, %add3A_717 : vector<16xi32>
      %scatter3A_719 = arith.constant 1 : i32
      %scatter3A_720 = arith.constant 0 : i32
      %scatter3A_721 = arith.constant 0 : i32
      %scatter3A_722 = arith.constant 0 : i32
      %scatter3A_723 = tpu.memref_slice %arg6[%scatter3A_719, %scatter3A_720, %scatter3A_721, %scatter3A_722] : memref<2x100x1x512xf32, #tpu.memory_space<vmem>> -> memref<1x100x1x512xf32, #tpu.memory_space<vmem>>
      %scatter3A_724 = tpu.memref_squeeze %scatter3A_723 : memref<1x100x1x512xf32, #tpu.memory_space<vmem>> -> memref<100x1x512xf32, #tpu.memory_space<vmem>>
      tpu.vector_store_idx %scatter3A_724[%get3A_715, %broadcast_in_dim3A_559, %add3A_718], %broadcast_in_dim3A_4 : memref<100x1x512xf32, #tpu.memory_space<vmem>>[vector<16xi32>, vector<16xi32>, vector<16xi32>], vector<16xf32>,
      %mul3A_725 = arith.constant 512 : i32
      %mul3A_726 = arith.muli %add3A_551, %mul3A_725 : i32
      %add3A_727 = arith.constant 176 : i32
      %add3A_728 = arith.addi %mul3A_726, %add3A_727 : i32
      %get3A_729 = arith.index_cast %add3A_728 : i32 to index
      %get3A_730 = tpu.vector_load %arg5[%get3A_729] {strides = array<i32>} : memref<25600xi32, #tpu.memory_space<vmem>>, vector<16xi32>,
      %add3A_731 = arith.constant 176 : i32
      %add3A_732 = vector.broadcast %add3A_731 : i32 to vector<16xi32>
      %add3A_733 = arith.addi %iota3A_557, %add3A_732 : vector<16xi32>
      %scatter3A_734 = arith.constant 1 : i32
      %scatter3A_735 = arith.constant 0 : i32
      %scatter3A_736 = arith.constant 0 : i32
      %scatter3A_737 = arith.constant 0 : i32
      %scatter3A_738 = tpu.memref_slice %arg6[%scatter3A_734, %scatter3A_735, %scatter3A_736, %scatter3A_737] : memref<2x100x1x512xf32, #tpu.memory_space<vmem>> -> memref<1x100x1x512xf32, #tpu.memory_space<vmem>>
      %scatter3A_739 = tpu.memref_squeeze %scatter3A_738 : memref<1x100x1x512xf32, #tpu.memory_space<vmem>> -> memref<100x1x512xf32, #tpu.memory_space<vmem>>
      tpu.vector_store_idx %scatter3A_739[%get3A_730, %broadcast_in_dim3A_559, %add3A_733], %broadcast_in_dim3A_4 : memref<100x1x512xf32, #tpu.memory_space<vmem>>[vector<16xi32>, vector<16xi32>, vector<16xi32>], vector<16xf32>,
      %mul3A_740 = arith.constant 512 : i32
      %mul3A_741 = arith.muli %add3A_551, %mul3A_740 : i32
      %add3A_742 = arith.constant 192 : i32
      %add3A_743 = arith.addi %mul3A_741, %add3A_742 : i32
      %get3A_744 = arith.index_cast %add3A_743 : i32 to index
      %get3A_745 = tpu.vector_load %arg5[%get3A_744] {strides = array<i32>} : memref<25600xi32, #tpu.memory_space<vmem>>, vector<16xi32>,
      %add3A_746 = arith.constant 192 : i32
      %add3A_747 = vector.broadcast %add3A_746 : i32 to vector<16xi32>
      %add3A_748 = arith.addi %iota3A_557, %add3A_747 : vector<16xi32>
      %scatter3A_749 = arith.constant 1 : i32
      %scatter3A_750 = arith.constant 0 : i32
      %scatter3A_751 = arith.constant 0 : i32
      %scatter3A_752 = arith.constant 0 : i32
      %scatter3A_753 = tpu.memref_slice %arg6[%scatter3A_749, %scatter3A_750, %scatter3A_751, %scatter3A_752] : memref<2x100x1x512xf32, #tpu.memory_space<vmem>> -> memref<1x100x1x512xf32, #tpu.memory_space<vmem>>
      %scatter3A_754 = tpu.memref_squeeze %scatter3A_753 : memref<1x100x1x512xf32, #tpu.memory_space<vmem>> -> memref<100x1x512xf32, #tpu.memory_space<vmem>>
      tpu.vector_store_idx %scatter3A_754[%get3A_745, %broadcast_in_dim3A_559, %add3A_748], %broadcast_in_dim3A_4 : memref<100x1x512xf32, #tpu.memory_space<vmem>>[vector<16xi32>, vector<16xi32>, vector<16xi32>], vector<16xf32>,
      %mul3A_755 = arith.constant 512 : i32
      %mul3A_756 = arith.muli %add3A_551, %mul3A_755 : i32
      %add3A_757 = arith.constant 208 : i32
      %add3A_758 = arith.addi %mul3A_756, %add3A_757 : i32
      %get3A_759 = arith.index_cast %add3A_758 : i32 to index
      %get3A_760 = tpu.vector_load %arg5[%get3A_759] {strides = array<i32>} : memref<25600xi32, #tpu.memory_space<vmem>>, vector<16xi32>,
      %add3A_761 = arith.constant 208 : i32
      %add3A_762 = vector.broadcast %add3A_761 : i32 to vector<16xi32>
      %add3A_763 = arith.addi %iota3A_557, %add3A_762 : vector<16xi32>
      %scatter3A_764 = arith.constant 1 : i32
      %scatter3A_765 = arith.constant 0 : i32
      %scatter3A_766 = arith.constant 0 : i32
      %scatter3A_767 = arith.constant 0 : i32
      %scatter3A_768 = tpu.memref_slice %arg6[%scatter3A_764, %scatter3A_765, %scatter3A_766, %scatter3A_767] : memref<2x100x1x512xf32, #tpu.memory_space<vmem>> -> memref<1x100x1x512xf32, #tpu.memory_space<vmem>>
      %scatter3A_769 = tpu.memref_squeeze %scatter3A_768 : memref<1x100x1x512xf32, #tpu.memory_space<vmem>> -> memref<100x1x512xf32, #tpu.memory_space<vmem>>
      tpu.vector_store_idx %scatter3A_769[%get3A_760, %broadcast_in_dim3A_559, %add3A_763], %broadcast_in_dim3A_4 : memref<100x1x512xf32, #tpu.memory_space<vmem>>[vector<16xi32>, vector<16xi32>, vector<16xi32>], vector<16xf32>,
      %mul3A_770 = arith.constant 512 : i32
      %mul3A_771 = arith.muli %add3A_551, %mul3A_770 : i32
      %add3A_772 = arith.constant 224 : i32
      %add3A_773 = arith.addi %mul3A_771, %add3A_772 : i32
      %get3A_774 = arith.index_cast %add3A_773 : i32 to index
      %get3A_775 = tpu.vector_load %arg5[%get3A_774] {strides = array<i32>} : memref<25600xi32, #tpu.memory_space<vmem>>, vector<16xi32>,
      %add3A_776 = arith.constant 224 : i32
      %add3A_777 = vector.broadcast %add3A_776 : i32 to vector<16xi32>
      %add3A_778 = arith.addi %iota3A_557, %add3A_777 : vector<16xi32>
      %scatter3A_779 = arith.constant 1 : i32
      %scatter3A_780 = arith.constant 0 : i32
      %scatter3A_781 = arith.constant 0 : i32
      %scatter3A_782 = arith.constant 0 : i32
      %scatter3A_783 = tpu.memref_slice %arg6[%scatter3A_779, %scatter3A_780, %scatter3A_781, %scatter3A_782] : memref<2x100x1x512xf32, #tpu.memory_space<vmem>> -> memref<1x100x1x512xf32, #tpu.memory_space<vmem>>
      %scatter3A_784 = tpu.memref_squeeze %scatter3A_783 : memref<1x100x1x512xf32, #tpu.memory_space<vmem>> -> memref<100x1x512xf32, #tpu.memory_space<vmem>>
      tpu.vector_store_idx %scatter3A_784[%get3A_775, %broadcast_in_dim3A_559, %add3A_778], %broadcast_in_dim3A_4 : memref<100x1x512xf32, #tpu.memory_space<vmem>>[vector<16xi32>, vector<16xi32>, vector<16xi32>], vector<16xf32>,
      %mul3A_785 = arith.constant 512 : i32
      %mul3A_786 = arith.muli %add3A_551, %mul3A_785 : i32
      %add3A_787 = arith.constant 240 : i32
      %add3A_788 = arith.addi %mul3A_786, %add3A_787 : i32
      %get3A_789 = arith.index_cast %add3A_788 : i32 to index
      %get3A_790 = tpu.vector_load %arg5[%get3A_789] {strides = array<i32>} : memref<25600xi32, #tpu.memory_space<vmem>>, vector<16xi32>,
      %add3A_791 = arith.constant 240 : i32
      %add3A_792 = vector.broadcast %add3A_791 : i32 to vector<16xi32>
      %add3A_793 = arith.addi %iota3A_557, %add3A_792 : vector<16xi32>
      %scatter3A_794 = arith.constant 1 : i32
      %scatter3A_795 = arith.constant 0 : i32
      %scatter3A_796 = arith.constant 0 : i32
      %scatter3A_797 = arith.constant 0 : i32
      %scatter3A_798 = tpu.memref_slice %arg6[%scatter3A_794, %scatter3A_795, %scatter3A_796, %scatter3A_797] : memref<2x100x1x512xf32, #tpu.memory_space<vmem>> -> memref<1x100x1x512xf32, #tpu.memory_space<vmem>>
      %scatter3A_799 = tpu.memref_squeeze %scatter3A_798 : memref<1x100x1x512xf32, #tpu.memory_space<vmem>> -> memref<100x1x512xf32, #tpu.memory_space<vmem>>
      tpu.vector_store_idx %scatter3A_799[%get3A_790, %broadcast_in_dim3A_559, %add3A_793], %broadcast_in_dim3A_4 : memref<100x1x512xf32, #tpu.memory_space<vmem>>[vector<16xi32>, vector<16xi32>, vector<16xi32>], vector<16xf32>,
      %mul3A_800 = arith.constant 512 : i32
      %mul3A_801 = arith.muli %add3A_551, %mul3A_800 : i32
      %add3A_802 = arith.constant 256 : i32
      %add3A_803 = arith.addi %mul3A_801, %add3A_802 : i32
      %get3A_804 = arith.index_cast %add3A_803 : i32 to index
      %get3A_805 = tpu.vector_load %arg5[%get3A_804] {strides = array<i32>} : memref<25600xi32, #tpu.memory_space<vmem>>, vector<16xi32>,
      %add3A_806 = arith.constant 256 : i32
      %add3A_807 = vector.broadcast %add3A_806 : i32 to vector<16xi32>
      %add3A_808 = arith.addi %iota3A_557, %add3A_807 : vector<16xi32>
      %scatter3A_809 = arith.constant 1 : i32
      %scatter3A_810 = arith.constant 0 : i32
      %scatter3A_811 = arith.constant 0 : i32
      %scatter3A_812 = arith.constant 0 : i32
      %scatter3A_813 = tpu.memref_slice %arg6[%scatter3A_809, %scatter3A_810, %scatter3A_811, %scatter3A_812] : memref<2x100x1x512xf32, #tpu.memory_space<vmem>> -> memref<1x100x1x512xf32, #tpu.memory_space<vmem>>
      %scatter3A_814 = tpu.memref_squeeze %scatter3A_813 : memref<1x100x1x512xf32, #tpu.memory_space<vmem>> -> memref<100x1x512xf32, #tpu.memory_space<vmem>>
      tpu.vector_store_idx %scatter3A_814[%get3A_805, %broadcast_in_dim3A_559, %add3A_808], %broadcast_in_dim3A_4 : memref<100x1x512xf32, #tpu.memory_space<vmem>>[vector<16xi32>, vector<16xi32>, vector<16xi32>], vector<16xf32>,
      %mul3A_815 = arith.constant 512 : i32
      %mul3A_816 = arith.muli %add3A_551, %mul3A_815 : i32
      %add3A_817 = arith.constant 272 : i32
      %add3A_818 = arith.addi %mul3A_816, %add3A_817 : i32
      %get3A_819 = arith.index_cast %add3A_818 : i32 to index
      %get3A_820 = tpu.vector_load %arg5[%get3A_819] {strides = array<i32>} : memref<25600xi32, #tpu.memory_space<vmem>>, vector<16xi32>,
      %add3A_821 = arith.constant 272 : i32
      %add3A_822 = vector.broadcast %add3A_821 : i32 to vector<16xi32>
      %add3A_823 = arith.addi %iota3A_557, %add3A_822 : vector<16xi32>
      %scatter3A_824 = arith.constant 1 : i32
      %scatter3A_825 = arith.constant 0 : i32
      %scatter3A_826 = arith.constant 0 : i32
      %scatter3A_827 = arith.constant 0 : i32
      %scatter3A_828 = tpu.memref_slice %arg6[%scatter3A_824, %scatter3A_825, %scatter3A_826, %scatter3A_827] : memref<2x100x1x512xf32, #tpu.memory_space<vmem>> -> memref<1x100x1x512xf32, #tpu.memory_space<vmem>>
      %scatter3A_829 = tpu.memref_squeeze %scatter3A_828 : memref<1x100x1x512xf32, #tpu.memory_space<vmem>> -> memref<100x1x512xf32, #tpu.memory_space<vmem>>
      tpu.vector_store_idx %scatter3A_829[%get3A_820, %broadcast_in_dim3A_559, %add3A_823], %broadcast_in_dim3A_4 : memref<100x1x512xf32, #tpu.memory_space<vmem>>[vector<16xi32>, vector<16xi32>, vector<16xi32>], vector<16xf32>,
      %mul3A_830 = arith.constant 512 : i32
      %mul3A_831 = arith.muli %add3A_551, %mul3A_830 : i32
      %add3A_832 = arith.constant 288 : i32
      %add3A_833 = arith.addi %mul3A_831, %add3A_832 : i32
      %get3A_834 = arith.index_cast %add3A_833 : i32 to index
      %get3A_835 = tpu.vector_load %arg5[%get3A_834] {strides = array<i32>} : memref<25600xi32, #tpu.memory_space<vmem>>, vector<16xi32>,
      %add3A_836 = arith.constant 288 : i32
      %add3A_837 = vector.broadcast %add3A_836 : i32 to vector<16xi32>
      %add3A_838 = arith.addi %iota3A_557, %add3A_837 : vector<16xi32>
      %scatter3A_839 = arith.constant 1 : i32
      %scatter3A_840 = arith.constant 0 : i32
      %scatter3A_841 = arith.constant 0 : i32
      %scatter3A_842 = arith.constant 0 : i32
      %scatter3A_843 = tpu.memref_slice %arg6[%scatter3A_839, %scatter3A_840, %scatter3A_841, %scatter3A_842] : memref<2x100x1x512xf32, #tpu.memory_space<vmem>> -> memref<1x100x1x512xf32, #tpu.memory_space<vmem>>
      %scatter3A_844 = tpu.memref_squeeze %scatter3A_843 : memref<1x100x1x512xf32, #tpu.memory_space<vmem>> -> memref<100x1x512xf32, #tpu.memory_space<vmem>>
      tpu.vector_store_idx %scatter3A_844[%get3A_835, %broadcast_in_dim3A_559, %add3A_838], %broadcast_in_dim3A_4 : memref<100x1x512xf32, #tpu.memory_space<vmem>>[vector<16xi32>, vector<16xi32>, vector<16xi32>], vector<16xf32>,
      %mul3A_845 = arith.constant 512 : i32
      %mul3A_846 = arith.muli %add3A_551, %mul3A_845 : i32
      %add3A_847 = arith.constant 304 : i32
      %add3A_848 = arith.addi %mul3A_846, %add3A_847 : i32
      %get3A_849 = arith.index_cast %add3A_848 : i32 to index
      %get3A_850 = tpu.vector_load %arg5[%get3A_849] {strides = array<i32>} : memref<25600xi32, #tpu.memory_space<vmem>>, vector<16xi32>,
      %add3A_851 = arith.constant 304 : i32
      %add3A_852 = vector.broadcast %add3A_851 : i32 to vector<16xi32>
      %add3A_853 = arith.addi %iota3A_557, %add3A_852 : vector<16xi32>
      %scatter3A_854 = arith.constant 1 : i32
      %scatter3A_855 = arith.constant 0 : i32
      %scatter3A_856 = arith.constant 0 : i32
      %scatter3A_857 = arith.constant 0 : i32
      %scatter3A_858 = tpu.memref_slice %arg6[%scatter3A_854, %scatter3A_855, %scatter3A_856, %scatter3A_857] : memref<2x100x1x512xf32, #tpu.memory_space<vmem>> -> memref<1x100x1x512xf32, #tpu.memory_space<vmem>>
      %scatter3A_859 = tpu.memref_squeeze %scatter3A_858 : memref<1x100x1x512xf32, #tpu.memory_space<vmem>> -> memref<100x1x512xf32, #tpu.memory_space<vmem>>
      tpu.vector_store_idx %scatter3A_859[%get3A_850, %broadcast_in_dim3A_559, %add3A_853], %broadcast_in_dim3A_4 : memref<100x1x512xf32, #tpu.memory_space<vmem>>[vector<16xi32>, vector<16xi32>, vector<16xi32>], vector<16xf32>,
      %mul3A_860 = arith.constant 512 : i32
      %mul3A_861 = arith.muli %add3A_551, %mul3A_860 : i32
      %add3A_862 = arith.constant 320 : i32
      %add3A_863 = arith.addi %mul3A_861, %add3A_862 : i32
      %get3A_864 = arith.index_cast %add3A_863 : i32 to index
      %get3A_865 = tpu.vector_load %arg5[%get3A_864] {strides = array<i32>} : memref<25600xi32, #tpu.memory_space<vmem>>, vector<16xi32>,
      %add3A_866 = arith.constant 320 : i32
      %add3A_867 = vector.broadcast %add3A_866 : i32 to vector<16xi32>
      %add3A_868 = arith.addi %iota3A_557, %add3A_867 : vector<16xi32>
      %scatter3A_869 = arith.constant 1 : i32
      %scatter3A_870 = arith.constant 0 : i32
      %scatter3A_871 = arith.constant 0 : i32
      %scatter3A_872 = arith.constant 0 : i32
      %scatter3A_873 = tpu.memref_slice %arg6[%scatter3A_869, %scatter3A_870, %scatter3A_871, %scatter3A_872] : memref<2x100x1x512xf32, #tpu.memory_space<vmem>> -> memref<1x100x1x512xf32, #tpu.memory_space<vmem>>
      %scatter3A_874 = tpu.memref_squeeze %scatter3A_873 : memref<1x100x1x512xf32, #tpu.memory_space<vmem>> -> memref<100x1x512xf32, #tpu.memory_space<vmem>>
      tpu.vector_store_idx %scatter3A_874[%get3A_865, %broadcast_in_dim3A_559, %add3A_868], %broadcast_in_dim3A_4 : memref<100x1x512xf32, #tpu.memory_space<vmem>>[vector<16xi32>, vector<16xi32>, vector<16xi32>], vector<16xf32>,
      %mul3A_875 = arith.constant 512 : i32
      %mul3A_876 = arith.muli %add3A_551, %mul3A_875 : i32
      %add3A_877 = arith.constant 336 : i32
      %add3A_878 = arith.addi %mul3A_876, %add3A_877 : i32
      %get3A_879 = arith.index_cast %add3A_878 : i32 to index
      %get3A_880 = tpu.vector_load %arg5[%get3A_879] {strides = array<i32>} : memref<25600xi32, #tpu.memory_space<vmem>>, vector<16xi32>,
      %add3A_881 = arith.constant 336 : i32
      %add3A_882 = vector.broadcast %add3A_881 : i32 to vector<16xi32>
      %add3A_883 = arith.addi %iota3A_557, %add3A_882 : vector<16xi32>
      %scatter3A_884 = arith.constant 1 : i32
      %scatter3A_885 = arith.constant 0 : i32
      %scatter3A_886 = arith.constant 0 : i32
      %scatter3A_887 = arith.constant 0 : i32
      %scatter3A_888 = tpu.memref_slice %arg6[%scatter3A_884, %scatter3A_885, %scatter3A_886, %scatter3A_887] : memref<2x100x1x512xf32, #tpu.memory_space<vmem>> -> memref<1x100x1x512xf32, #tpu.memory_space<vmem>>
      %scatter3A_889 = tpu.memref_squeeze %scatter3A_888 : memref<1x100x1x512xf32, #tpu.memory_space<vmem>> -> memref<100x1x512xf32, #tpu.memory_space<vmem>>
      tpu.vector_store_idx %scatter3A_889[%get3A_880, %broadcast_in_dim3A_559, %add3A_883], %broadcast_in_dim3A_4 : memref<100x1x512xf32, #tpu.memory_space<vmem>>[vector<16xi32>, vector<16xi32>, vector<16xi32>], vector<16xf32>,
      %mul3A_890 = arith.constant 512 : i32
      %mul3A_891 = arith.muli %add3A_551, %mul3A_890 : i32
      %add3A_892 = arith.constant 352 : i32
      %add3A_893 = arith.addi %mul3A_891, %add3A_892 : i32
      %get3A_894 = arith.index_cast %add3A_893 : i32 to index
      %get3A_895 = tpu.vector_load %arg5[%get3A_894] {strides = array<i32>} : memref<25600xi32, #tpu.memory_space<vmem>>, vector<16xi32>,
      %add3A_896 = arith.constant 352 : i32
      %add3A_897 = vector.broadcast %add3A_896 : i32 to vector<16xi32>
      %add3A_898 = arith.addi %iota3A_557, %add3A_897 : vector<16xi32>
      %scatter3A_899 = arith.constant 1 : i32
      %scatter3A_900 = arith.constant 0 : i32
      %scatter3A_901 = arith.constant 0 : i32
      %scatter3A_902 = arith.constant 0 : i32
      %scatter3A_903 = tpu.memref_slice %arg6[%scatter3A_899, %scatter3A_900, %scatter3A_901, %scatter3A_902] : memref<2x100x1x512xf32, #tpu.memory_space<vmem>> -> memref<1x100x1x512xf32, #tpu.memory_space<vmem>>
      %scatter3A_904 = tpu.memref_squeeze %scatter3A_903 : memref<1x100x1x512xf32, #tpu.memory_space<vmem>> -> memref<100x1x512xf32, #tpu.memory_space<vmem>>
      tpu.vector_store_idx %scatter3A_904[%get3A_895, %broadcast_in_dim3A_559, %add3A_898], %broadcast_in_dim3A_4 : memref<100x1x512xf32, #tpu.memory_space<vmem>>[vector<16xi32>, vector<16xi32>, vector<16xi32>], vector<16xf32>,
      %mul3A_905 = arith.constant 512 : i32
      %mul3A_906 = arith.muli %add3A_551, %mul3A_905 : i32
      %add3A_907 = arith.constant 368 : i32
      %add3A_908 = arith.addi %mul3A_906, %add3A_907 : i32
      %get3A_909 = arith.index_cast %add3A_908 : i32 to index
      %get3A_910 = tpu.vector_load %arg5[%get3A_909] {strides = array<i32>} : memref<25600xi32, #tpu.memory_space<vmem>>, vector<16xi32>,
      %add3A_911 = arith.constant 368 : i32
      %add3A_912 = vector.broadcast %add3A_911 : i32 to vector<16xi32>
      %add3A_913 = arith.addi %iota3A_557, %add3A_912 : vector<16xi32>
      %scatter3A_914 = arith.constant 1 : i32
      %scatter3A_915 = arith.constant 0 : i32
      %scatter3A_916 = arith.constant 0 : i32
      %scatter3A_917 = arith.constant 0 : i32
      %scatter3A_918 = tpu.memref_slice %arg6[%scatter3A_914, %scatter3A_915, %scatter3A_916, %scatter3A_917] : memref<2x100x1x512xf32, #tpu.memory_space<vmem>> -> memref<1x100x1x512xf32, #tpu.memory_space<vmem>>
      %scatter3A_919 = tpu.memref_squeeze %scatter3A_918 : memref<1x100x1x512xf32, #tpu.memory_space<vmem>> -> memref<100x1x512xf32, #tpu.memory_space<vmem>>
      tpu.vector_store_idx %scatter3A_919[%get3A_910, %broadcast_in_dim3A_559, %add3A_913], %broadcast_in_dim3A_4 : memref<100x1x512xf32, #tpu.memory_space<vmem>>[vector<16xi32>, vector<16xi32>, vector<16xi32>], vector<16xf32>,
      %mul3A_920 = arith.constant 512 : i32
      %mul3A_921 = arith.muli %add3A_551, %mul3A_920 : i32
      %add3A_922 = arith.constant 384 : i32
      %add3A_923 = arith.addi %mul3A_921, %add3A_922 : i32
      %get3A_924 = arith.index_cast %add3A_923 : i32 to index
      %get3A_925 = tpu.vector_load %arg5[%get3A_924] {strides = array<i32>} : memref<25600xi32, #tpu.memory_space<vmem>>, vector<16xi32>,
      %add3A_926 = arith.constant 384 : i32
      %add3A_927 = vector.broadcast %add3A_926 : i32 to vector<16xi32>
      %add3A_928 = arith.addi %iota3A_557, %add3A_927 : vector<16xi32>
      %scatter3A_929 = arith.constant 1 : i32
      %scatter3A_930 = arith.constant 0 : i32
      %scatter3A_931 = arith.constant 0 : i32
      %scatter3A_932 = arith.constant 0 : i32
      %scatter3A_933 = tpu.memref_slice %arg6[%scatter3A_929, %scatter3A_930, %scatter3A_931, %scatter3A_932] : memref<2x100x1x512xf32, #tpu.memory_space<vmem>> -> memref<1x100x1x512xf32, #tpu.memory_space<vmem>>
      %scatter3A_934 = tpu.memref_squeeze %scatter3A_933 : memref<1x100x1x512xf32, #tpu.memory_space<vmem>> -> memref<100x1x512xf32, #tpu.memory_space<vmem>>
      tpu.vector_store_idx %scatter3A_934[%get3A_925, %broadcast_in_dim3A_559, %add3A_928], %broadcast_in_dim3A_4 : memref<100x1x512xf32, #tpu.memory_space<vmem>>[vector<16xi32>, vector<16xi32>, vector<16xi32>], vector<16xf32>,
      %mul3A_935 = arith.constant 512 : i32
      %mul3A_936 = arith.muli %add3A_551, %mul3A_935 : i32
      %add3A_937 = arith.constant 400 : i32
      %add3A_938 = arith.addi %mul3A_936, %add3A_937 : i32
      %get3A_939 = arith.index_cast %add3A_938 : i32 to index
      %get3A_940 = tpu.vector_load %arg5[%get3A_939] {strides = array<i32>} : memref<25600xi32, #tpu.memory_space<vmem>>, vector<16xi32>,
      %add3A_941 = arith.constant 400 : i32
      %add3A_942 = vector.broadcast %add3A_941 : i32 to vector<16xi32>
      %add3A_943 = arith.addi %iota3A_557, %add3A_942 : vector<16xi32>
      %scatter3A_944 = arith.constant 1 : i32
      %scatter3A_945 = arith.constant 0 : i32
      %scatter3A_946 = arith.constant 0 : i32
      %scatter3A_947 = arith.constant 0 : i32
      %scatter3A_948 = tpu.memref_slice %arg6[%scatter3A_944, %scatter3A_945, %scatter3A_946, %scatter3A_947] : memref<2x100x1x512xf32, #tpu.memory_space<vmem>> -> memref<1x100x1x512xf32, #tpu.memory_space<vmem>>
      %scatter3A_949 = tpu.memref_squeeze %scatter3A_948 : memref<1x100x1x512xf32, #tpu.memory_space<vmem>> -> memref<100x1x512xf32, #tpu.memory_space<vmem>>
      tpu.vector_store_idx %scatter3A_949[%get3A_940, %broadcast_in_dim3A_559, %add3A_943], %broadcast_in_dim3A_4 : memref<100x1x512xf32, #tpu.memory_space<vmem>>[vector<16xi32>, vector<16xi32>, vector<16xi32>], vector<16xf32>,
      %mul3A_950 = arith.constant 512 : i32
      %mul3A_951 = arith.muli %add3A_551, %mul3A_950 : i32
      %add3A_952 = arith.constant 416 : i32
      %add3A_953 = arith.addi %mul3A_951, %add3A_952 : i32
      %get3A_954 = arith.index_cast %add3A_953 : i32 to index
      %get3A_955 = tpu.vector_load %arg5[%get3A_954] {strides = array<i32>} : memref<25600xi32, #tpu.memory_space<vmem>>, vector<16xi32>,
      %add3A_956 = arith.constant 416 : i32
      %add3A_957 = vector.broadcast %add3A_956 : i32 to vector<16xi32>
      %add3A_958 = arith.addi %iota3A_557, %add3A_957 : vector<16xi32>
      %scatter3A_959 = arith.constant 1 : i32
      %scatter3A_960 = arith.constant 0 : i32
      %scatter3A_961 = arith.constant 0 : i32
      %scatter3A_962 = arith.constant 0 : i32
      %scatter3A_963 = tpu.memref_slice %arg6[%scatter3A_959, %scatter3A_960, %scatter3A_961, %scatter3A_962] : memref<2x100x1x512xf32, #tpu.memory_space<vmem>> -> memref<1x100x1x512xf32, #tpu.memory_space<vmem>>
      %scatter3A_964 = tpu.memref_squeeze %scatter3A_963 : memref<1x100x1x512xf32, #tpu.memory_space<vmem>> -> memref<100x1x512xf32, #tpu.memory_space<vmem>>
      tpu.vector_store_idx %scatter3A_964[%get3A_955, %broadcast_in_dim3A_559, %add3A_958], %broadcast_in_dim3A_4 : memref<100x1x512xf32, #tpu.memory_space<vmem>>[vector<16xi32>, vector<16xi32>, vector<16xi32>], vector<16xf32>,
      %mul3A_965 = arith.constant 512 : i32
      %mul3A_966 = arith.muli %add3A_551, %mul3A_965 : i32
      %add3A_967 = arith.constant 432 : i32
      %add3A_968 = arith.addi %mul3A_966, %add3A_967 : i32
      %get3A_969 = arith.index_cast %add3A_968 : i32 to index
      %get3A_970 = tpu.vector_load %arg5[%get3A_969] {strides = array<i32>} : memref<25600xi32, #tpu.memory_space<vmem>>, vector<16xi32>,
      %add3A_971 = arith.constant 432 : i32
      %add3A_972 = vector.broadcast %add3A_971 : i32 to vector<16xi32>
      %add3A_973 = arith.addi %iota3A_557, %add3A_972 : vector<16xi32>
      %scatter3A_974 = arith.constant 1 : i32
      %scatter3A_975 = arith.constant 0 : i32
      %scatter3A_976 = arith.constant 0 : i32
      %scatter3A_977 = arith.constant 0 : i32
      %scatter3A_978 = tpu.memref_slice %arg6[%scatter3A_974, %scatter3A_975, %scatter3A_976, %scatter3A_977] : memref<2x100x1x512xf32, #tpu.memory_space<vmem>> -> memref<1x100x1x512xf32, #tpu.memory_space<vmem>>
      %scatter3A_979 = tpu.memref_squeeze %scatter3A_978 : memref<1x100x1x512xf32, #tpu.memory_space<vmem>> -> memref<100x1x512xf32, #tpu.memory_space<vmem>>
      tpu.vector_store_idx %scatter3A_979[%get3A_970, %broadcast_in_dim3A_559, %add3A_973], %broadcast_in_dim3A_4 : memref<100x1x512xf32, #tpu.memory_space<vmem>>[vector<16xi32>, vector<16xi32>, vector<16xi32>], vector<16xf32>,
      %mul3A_980 = arith.constant 512 : i32
      %mul3A_981 = arith.muli %add3A_551, %mul3A_980 : i32
      %add3A_982 = arith.constant 448 : i32
      %add3A_983 = arith.addi %mul3A_981, %add3A_982 : i32
      %get3A_984 = arith.index_cast %add3A_983 : i32 to index
      %get3A_985 = tpu.vector_load %arg5[%get3A_984] {strides = array<i32>} : memref<25600xi32, #tpu.memory_space<vmem>>, vector<16xi32>,
      %add3A_986 = arith.constant 448 : i32
      %add3A_987 = vector.broadcast %add3A_986 : i32 to vector<16xi32>
      %add3A_988 = arith.addi %iota3A_557, %add3A_987 : vector<16xi32>
      %scatter3A_989 = arith.constant 1 : i32
      %scatter3A_990 = arith.constant 0 : i32
      %scatter3A_991 = arith.constant 0 : i32
      %scatter3A_992 = arith.constant 0 : i32
      %scatter3A_993 = tpu.memref_slice %arg6[%scatter3A_989, %scatter3A_990, %scatter3A_991, %scatter3A_992] : memref<2x100x1x512xf32, #tpu.memory_space<vmem>> -> memref<1x100x1x512xf32, #tpu.memory_space<vmem>>
      %scatter3A_994 = tpu.memref_squeeze %scatter3A_993 : memref<1x100x1x512xf32, #tpu.memory_space<vmem>> -> memref<100x1x512xf32, #tpu.memory_space<vmem>>
      tpu.vector_store_idx %scatter3A_994[%get3A_985, %broadcast_in_dim3A_559, %add3A_988], %broadcast_in_dim3A_4 : memref<100x1x512xf32, #tpu.memory_space<vmem>>[vector<16xi32>, vector<16xi32>, vector<16xi32>], vector<16xf32>,
      %mul3A_995 = arith.constant 512 : i32
      %mul3A_996 = arith.muli %add3A_551, %mul3A_995 : i32
      %add3A_997 = arith.constant 464 : i32
      %add3A_998 = arith.addi %mul3A_996, %add3A_997 : i32
      %get3A_999 = arith.index_cast %add3A_998 : i32 to index
      %get3A_1000 = tpu.vector_load %arg5[%get3A_999] {strides = array<i32>} : memref<25600xi32, #tpu.memory_space<vmem>>, vector<16xi32>,
      %add3A_1001 = arith.constant 464 : i32
      %add3A_1002 = vector.broadcast %add3A_1001 : i32 to vector<16xi32>
      %add3A_1003 = arith.addi %iota3A_557, %add3A_1002 : vector<16xi32>
      %scatter3A_1004 = arith.constant 1 : i32
      %scatter3A_1005 = arith.constant 0 : i32
      %scatter3A_1006 = arith.constant 0 : i32
      %scatter3A_1007 = arith.constant 0 : i32
      %scatter3A_1008 = tpu.memref_slice %arg6[%scatter3A_1004, %scatter3A_1005, %scatter3A_1006, %scatter3A_1007] : memref<2x100x1x512xf32, #tpu.memory_space<vmem>> -> memref<1x100x1x512xf32, #tpu.memory_space<vmem>>
      %scatter3A_1009 = tpu.memref_squeeze %scatter3A_1008 : memref<1x100x1x512xf32, #tpu.memory_space<vmem>> -> memref<100x1x512xf32, #tpu.memory_space<vmem>>
      tpu.vector_store_idx %scatter3A_1009[%get3A_1000, %broadcast_in_dim3A_559, %add3A_1003], %broadcast_in_dim3A_4 : memref<100x1x512xf32, #tpu.memory_space<vmem>>[vector<16xi32>, vector<16xi32>, vector<16xi32>], vector<16xf32>,
      %mul3A_1010 = arith.constant 512 : i32
      %mul3A_1011 = arith.muli %add3A_551, %mul3A_1010 : i32
      %add3A_1012 = arith.constant 480 : i32
      %add3A_1013 = arith.addi %mul3A_1011, %add3A_1012 : i32
      %get3A_1014 = arith.index_cast %add3A_1013 : i32 to index
      %get3A_1015 = tpu.vector_load %arg5[%get3A_1014] {strides = array<i32>} : memref<25600xi32, #tpu.memory_space<vmem>>, vector<16xi32>,
      %add3A_1016 = arith.constant 480 : i32
      %add3A_1017 = vector.broadcast %add3A_1016 : i32 to vector<16xi32>
      %add3A_1018 = arith.addi %iota3A_557, %add3A_1017 : vector<16xi32>
      %scatter3A_1019 = arith.constant 1 : i32
      %scatter3A_1020 = arith.constant 0 : i32
      %scatter3A_1021 = arith.constant 0 : i32
      %scatter3A_1022 = arith.constant 0 : i32
      %scatter3A_1023 = tpu.memref_slice %arg6[%scatter3A_1019, %scatter3A_1020, %scatter3A_1021, %scatter3A_1022] : memref<2x100x1x512xf32, #tpu.memory_space<vmem>> -> memref<1x100x1x512xf32, #tpu.memory_space<vmem>>
      %scatter3A_1024 = tpu.memref_squeeze %scatter3A_1023 : memref<1x100x1x512xf32, #tpu.memory_space<vmem>> -> memref<100x1x512xf32, #tpu.memory_space<vmem>>
      tpu.vector_store_idx %scatter3A_1024[%get3A_1015, %broadcast_in_dim3A_559, %add3A_1018], %broadcast_in_dim3A_4 : memref<100x1x512xf32, #tpu.memory_space<vmem>>[vector<16xi32>, vector<16xi32>, vector<16xi32>], vector<16xf32>,
      %mul3A_1025 = arith.constant 512 : i32
      %mul3A_1026 = arith.muli %add3A_551, %mul3A_1025 : i32
      %add3A_1027 = arith.constant 496 : i32
      %add3A_1028 = arith.addi %mul3A_1026, %add3A_1027 : i32
      %get3A_1029 = arith.index_cast %add3A_1028 : i32 to index
      %get3A_1030 = tpu.vector_load %arg5[%get3A_1029] {strides = array<i32>} : memref<25600xi32, #tpu.memory_space<vmem>>, vector<16xi32>,
      %add3A_1031 = arith.constant 496 : i32
      %add3A_1032 = vector.broadcast %add3A_1031 : i32 to vector<16xi32>
      %add3A_1033 = arith.addi %iota3A_557, %add3A_1032 : vector<16xi32>
      %scatter3A_1034 = arith.constant 1 : i32
      %scatter3A_1035 = arith.constant 0 : i32
      %scatter3A_1036 = arith.constant 0 : i32
      %scatter3A_1037 = arith.constant 0 : i32
      %scatter3A_1038 = tpu.memref_slice %arg6[%scatter3A_1034, %scatter3A_1035, %scatter3A_1036, %scatter3A_1037] : memref<2x100x1x512xf32, #tpu.memory_space<vmem>> -> memref<1x100x1x512xf32, #tpu.memory_space<vmem>>
      %scatter3A_1039 = tpu.memref_squeeze %scatter3A_1038 : memref<1x100x1x512xf32, #tpu.memory_space<vmem>> -> memref<100x1x512xf32, #tpu.memory_space<vmem>>
      tpu.vector_store_idx %scatter3A_1039[%get3A_1030, %broadcast_in_dim3A_559, %add3A_1033], %broadcast_in_dim3A_4 : memref<100x1x512xf32, #tpu.memory_space<vmem>>[vector<16xi32>, vector<16xi32>, vector<16xi32>], vector<16xf32>,
      %mul3A_1040 = arith.constant 512 : i32
      %mul3A_1041 = arith.muli %add3A_551, %mul3A_1040 : i32
      %dma_start3A_1042 = arith.constant 1 : i32
      %dma_start3A_1043 = arith.constant 0 : i32
      %dma_start3A_1044 = arith.constant 0 : i32
      %dma_start3A_1045 = arith.constant 0 : i32
      %dma_start3A_1046 = tpu.memref_slice %arg6[%dma_start3A_1042, %dma_start3A_1043, %dma_start3A_1044, %dma_start3A_1045] : memref<2x100x1x512xf32, #tpu.memory_space<vmem>> -> memref<1x100x1x512xf32, #tpu.memory_space<vmem>>
      %dma_start3A_1047 = tpu.memref_squeeze %dma_start3A_1046 : memref<1x100x1x512xf32, #tpu.memory_space<vmem>> -> memref<100x1x512xf32, #tpu.memory_space<vmem>>
      %dma_start3A_1048 = arith.constant 0 : i32
      %dma_start3A_1049 = tpu.memref_slice %arg4[%dma_start3A_1048, %add3A, %mul3A_1041] : memref<100x32x25600xf32, #tpu.memory_space<hbm>> -> memref<100x1x512xf32, #tpu.memory_space<hbm>>
      %dma_start3A_1050 = arith.constant 0 : i32
      %dma_start3A_1051 = tpu.memref_slice %arg4[%dma_start3A_1050, %add3A, %mul3A_1041] : memref<100x32x25600xf32, #tpu.memory_space<hbm>> -> memref<100x1x512xf32, #tpu.memory_space<hbm>>
      %dma_start3A_1052 = arith.constant 0 : i32
      %dma_start3A_1053 = arith.constant 0 : i32
      %dma_start3A_1054 = arith.constant 0 : i32
      %dma_start3A_1055 = tpu.memref_slice %arg6[%dma_start3A_1042, %dma_start3A_1052, %dma_start3A_1053, %dma_start3A_1054] : memref<2x100x1x512xf32, #tpu.memory_space<vmem>> -> memref<1x100x1x512xf32, #tpu.memory_space<vmem>>
      %dma_start3A_1056 = tpu.memref_squeeze %dma_start3A_1055 : memref<1x100x1x512xf32, #tpu.memory_space<vmem>> -> memref<100x1x512xf32, #tpu.memory_space<vmem>>
      tpu.enqueue_dma source(%dma_start3A_1056 : memref<100x1x512xf32, #tpu.memory_space<vmem>>) target(%dma_start3A_1051 : memref<100x1x512xf32, #tpu.memory_space<hbm>>) target_semaphore(%arg8 : memref<!tpu.dma_semaphore, #tpu.memory_space<semaphore_mem>>)
    }
    %scan3A_11 = arith.constant 25 : i32
    %dma_wait3A = arith.constant 0 : i32
    %dma_wait3A_12 = arith.constant 0 : i32
    %dma_wait3A_13 = arith.constant 0 : i32
    %dma_wait3A_14 = arith.constant 0 : i32
    %dma_wait3A_15 = tpu.memref_slice %arg6[%dma_wait3A, %dma_wait3A_12, %dma_wait3A_13, %dma_wait3A_14] : memref<2x100x1x512xf32, #tpu.memory_space<vmem>> -> memref<1x100x1x512xf32, #tpu.memory_space<vmem>>
    %dma_wait3A_16 = tpu.memref_squeeze %dma_wait3A_15 : memref<1x100x1x512xf32, #tpu.memory_space<vmem>> -> memref<100x1x512xf32, #tpu.memory_space<vmem>>
    %dma_wait3A_17 = arith.constant 0 : i32
    %dma_wait3A_18 = arith.constant 24576 : i32
    %dma_wait3A_19 = tpu.memref_slice %arg4[%dma_wait3A_17, %add3A, %dma_wait3A_18] : memref<100x32x25600xf32, #tpu.memory_space<hbm>> -> memref<100x1x512xf32, #tpu.memory_space<hbm>>
    %dma_wait3A_20 = arith.constant 0 : i32
    %dma_wait3A_21 = arith.constant 24576 : i32
    %dma_wait3A_22 = tpu.memref_slice %arg4[%dma_wait3A_20, %add3A, %dma_wait3A_21] : memref<100x32x25600xf32, #tpu.memory_space<hbm>> -> memref<100x1x512xf32, #tpu.memory_space<hbm>>
    %dma_wait3A_23 = arith.constant 0 : i32
    %dma_wait3A_24 = arith.constant 0 : i32
    %dma_wait3A_25 = arith.constant 0 : i32
    %dma_wait3A_26 = tpu.memref_slice %arg6[%dma_wait3A, %dma_wait3A_23, %dma_wait3A_24, %dma_wait3A_25] : memref<2x100x1x512xf32, #tpu.memory_space<vmem>> -> memref<1x100x1x512xf32, #tpu.memory_space<vmem>>
    %dma_wait3A_27 = tpu.memref_squeeze %dma_wait3A_26 : memref<1x100x1x512xf32, #tpu.memory_space<vmem>> -> memref<100x1x512xf32, #tpu.memory_space<vmem>>
    tpu.wait_dma2 semaphore(%arg7 : memref<!tpu.dma_semaphore, #tpu.memory_space<semaphore_mem>>) src(%dma_wait3A_27 : memref<100x1x512xf32, #tpu.memory_space<vmem>>) dst(%dma_wait3A_22 : memref<100x1x512xf32, #tpu.memory_space<hbm>>)
    %dma_wait3A_28 = arith.constant 1 : i32
    %dma_wait3A_29 = arith.constant 0 : i32
    %dma_wait3A_30 = arith.constant 0 : i32
    %dma_wait3A_31 = arith.constant 0 : i32
    %dma_wait3A_32 = tpu.memref_slice %arg6[%dma_wait3A_28, %dma_wait3A_29, %dma_wait3A_30, %dma_wait3A_31] : memref<2x100x1x512xf32, #tpu.memory_space<vmem>> -> memref<1x100x1x512xf32, #tpu.memory_space<vmem>>
    %dma_wait3A_33 = tpu.memref_squeeze %dma_wait3A_32 : memref<1x100x1x512xf32, #tpu.memory_space<vmem>> -> memref<100x1x512xf32, #tpu.memory_space<vmem>>
    %dma_wait3A_34 = arith.constant 0 : i32
    %dma_wait3A_35 = arith.constant 25088 : i32
    %dma_wait3A_36 = tpu.memref_slice %arg4[%dma_wait3A_34, %add3A, %dma_wait3A_35] : memref<100x32x25600xf32, #tpu.memory_space<hbm>> -> memref<100x1x512xf32, #tpu.memory_space<hbm>>
    %dma_wait3A_37 = arith.constant 0 : i32
    %dma_wait3A_38 = arith.constant 25088 : i32
    %dma_wait3A_39 = tpu.memref_slice %arg4[%dma_wait3A_37, %add3A, %dma_wait3A_38] : memref<100x32x25600xf32, #tpu.memory_space<hbm>> -> memref<100x1x512xf32, #tpu.memory_space<hbm>>
    %dma_wait3A_40 = arith.constant 0 : i32
    %dma_wait3A_41 = arith.constant 0 : i32
    %dma_wait3A_42 = arith.constant 0 : i32
    %dma_wait3A_43 = tpu.memref_slice %arg6[%dma_wait3A_28, %dma_wait3A_40, %dma_wait3A_41, %dma_wait3A_42] : memref<2x100x1x512xf32, #tpu.memory_space<vmem>> -> memref<1x100x1x512xf32, #tpu.memory_space<vmem>>
    %dma_wait3A_44 = tpu.memref_squeeze %dma_wait3A_43 : memref<1x100x1x512xf32, #tpu.memory_space<vmem>> -> memref<100x1x512xf32, #tpu.memory_space<vmem>>
    tpu.wait_dma2 semaphore(%arg8 : memref<!tpu.dma_semaphore, #tpu.memory_space<semaphore_mem>>) src(%dma_wait3A_44 : memref<100x1x512xf32, #tpu.memory_space<vmem>>) dst(%dma_wait3A_39 : memref<100x1x512xf32, #tpu.memory_space<hbm>>)
    return
  }
}

</mosaic_0001>

<sc_bundles>
// kernel: kernel.3.cloned.1.call-start
scs
__scs_entry_jumppad:
0x0: {  	(pc) =	sbr.rel $0x88, $3  }
0x1: {  	(tag) =	ssettag $0x0;
	lr =	simm.s32 $0x1  }
0x2: {  	[smem:$0x3FA0] =	sst lr;
	_ =	strace $0xD0000000  }
0x3: {  	_ = 	snop  }
0x4: {  	_ = 	snop  }
0x5: {  	_ = 	snop  }
0x6: {  	_ = 	snop  }
0x7: {  	_ = 	snop  }
__scs_overlays_trampoline_lowered:
0x8: {  	[smem:$0x3FAF] =	sst s0  }
0x9: {  	[smem:$0x3FB0] =	sst s1  }
0xa: {  	[smem:$0x3FB1] =	sst s2  }
0xb: {  	[smem:$0x3FB2] =	sst s3  }
0xc: {  	[smem:$0x3FB3] =	sst s4  }
0xd: {  	[smem:$0x3FB4] =	sst s5  }
0xe: {  	[smem:$0x3FB5] =	sst s6  }
0xf: {  	[smem:$0x3FB6] =	sst s7  }
0x10: {  	[smem:$0x3FB7] =	sst s8  }
0x11: {  	[smem:$0x3FB8] =	sst s9;
	s0 =	simm.s32 @!p0 $0x0  }
0x12: {  	s1 =	sld [smem:$0x3F9E];
	s0 =	simm.s32 @p0 $0x1  }
0x13: {  	[smem:$0x3FB9] =	sst s0;
	s0 =	simm.s32 @!p1 $0x0  }
0x14: {  	s2 =	sld [smem:$0x3F9D];
	s0 =	simm.s32 @p1 $0x1  }
0x15: {  	[smem:$0x3FBA] =	sst s0;
	s0 =	simm.s32 @!p2 $0x0  }
0x16: {  	s3 =	sld [smem:$0x3FDB];
	s0 =	simm.s32 @p2 $0x1  }
0x17: {  	s4 =	simm.s32 $0x1BF5;
	[smem:$0x3FBC] =	sst s0  }
0x18: {  	s0 =	sld [smem:$0x3F9F];
	_ =	swait.ge [sflag:s4], $0x0  }
0x19: {  	s7 =	sld [smem:$0x3FA0]  }
0x1a: {  	s8 =	sadd.s32 $0xFFFFE003, lr  }
0x1b: {  	s9 =	sadd.s32 $0xFFFFFEF7, lr;
	s5 =	simm.s32 $0xFFFFFFFF;
	p2 =	slt.u32 s8, $0xFFFFF086  }
0x1c: {  	p1 =	slt.u32 s9, $0xF7A;
	s5 =	simm.s32 @!p2 $0x0  }
0x1d: {  	s5 =	simm.s32 @p1 $0x1;
	p0 =	seq.s32 s7, s2  }
0x1e: {  	s7 =	smul.u32 @!p0 $0xF7A, s2;
	p2 =	seq.s32 @!p0 s5, $0x0  }
0x1f: {  	s9 =	smul.u32 $0xF7A, s1;
	s8 =	simm.s32 @!p0 $0x1BF5;
	p2 =	por !p2, p0  }
0x20: {  	[sflag:s8] =	ssyncset.s32 @!p0 $0xFFFFF086;
	s6 =	sadd.s32 @!p0 s3, s7;
	s7 =	simm.s32 @!p0 $0x108  }
0x21: {  	s3 =	sadd.s32 s3, s9;
	s6 =	sadd.s32 @!p0 $0x88, s6;
	s7 =	simm.s32 @p2 $0x1082  }
0x22: {  	[simem:s7], [sflag:s8] =	dma.local @!p0 [hbm:s6], $0xF7A  }
0x23: {  	s9 =	sor.u32 $0xD0000000, s2;
	s6 =	simm.s32 $0x108;
	_ =	swait.ge @!p0 [sflag:s8], $0x0  }
0x24: {  	s3 =	sadd.s32 $0x88, s3;
	s6 =	simm.s32 @!p1 $0x1082;
	[sflag:s4] =	ssyncset.s32 $0xFFFFF086  }
0x25: {  	[simem:s6], [sflag:s4] =	dma.local [hbm:s3], $0xF7A  }
0x26: {  	[smem:$0x3FA0] =	sst s1;
	(tag) =	ssettag s2;
	_ =	strace s9  }
0x27: {  	s1 =	sld [smem:$0x3FB0]  }
0x28: {  	s2 =	sld [smem:$0x3FB1]  }
0x29: {  	s4 =	sld [smem:$0x3FB3]  }
0x2a: {  	p0 =	seq.s32 s5, $0x0;
	s5 =	sld [smem:$0x3FB4]  }
0x2b: {  	s6 =	sld [smem:$0x3FB5]  }
0x2c: {  	s7 =	sld [smem:$0x3FB6]  }
0x2d: {  	s3 =	simm.s32 $0x108;
	s8 =	sld [smem:$0x3FB7]  }
0x2e: {  	s3 =	simm.s32 @!p0 $0x1082;
	s9 =	sld [smem:$0x3FB8]  }
0x2f: {  	lr =	sadd.s32 s0, s3;
	s0 =	sld [smem:$0x3FAF]  }
0x30: {  	s3 =	sld [smem:$0x3FB2]  }
0x31: {  	[smem:$0x3FBB] =	sst s10  }
0x32: {  	s10 =	sld [smem:$0x3FB9];
	_ =	sdelay $0x3  }
0x33: {  	p0 =	seq.s32 s10, $0x1;
	s10 =	sld [smem:$0x3FBB];
	_ =	sdelay $0x3  }
0x34: {  	[smem:$0x3FBB] =	sst s10  }
0x35: {  	s10 =	sld [smem:$0x3FBA];
	_ =	sdelay $0x3  }
0x36: {  	p1 =	seq.s32 s10, $0x1;
	s10 =	sld [smem:$0x3FBB];
	_ =	sdelay $0x3  }
0x37: {  	[smem:$0x3FBB] =	sst s10  }
0x38: {  	s10 =	sld [smem:$0x3FBC]  }
0x39: {  	_ = 	snop;
	(pc) =	sbr.ind lr, $3  }
0x3a: {  	_ = 	snop  }
0x3b: {  	_ = 	snop  }
0x3c: {  	p2 =	seq.s32 s10, $0x1;
	s10 =	sld [smem:$0x3FBB]  }
0x3d: {  	_ =	shalt  }
0x3e: {  	_ =	shalt  }
0x3f: {  	_ =	shalt  }
0x40: {  	_ =	shalt  }
0x41: {  	_ =	shalt  }
0x42: {  	_ =	shalt  }
0x43: {  	_ =	shalt  }
0x44: {  	_ =	shalt  }
0x45: {  	_ =	shalt  }
0x46: {  	_ =	shalt  }
0x47: {  	_ =	shalt  }
0x48: {  	_ =	shalt  }
0x49: {  	_ =	shalt  }
0x4a: {  	_ =	shalt  }
0x4b: {  	_ =	shalt  }
0x4c: {  	_ =	shalt  }
0x4d: {  	_ =	shalt  }
0x4e: {  	_ =	shalt  }
0x4f: {  	_ =	shalt  }
0x50: {  	_ =	shalt  }
0x51: {  	_ =	shalt  }
0x52: {  	_ =	shalt  }
0x53: {  	_ =	shalt  }
0x54: {  	_ =	shalt  }
0x55: {  	_ =	shalt  }
0x56: {  	_ =	shalt  }
0x57: {  	_ =	shalt  }
0x58: {  	_ =	shalt  }
0x59: {  	_ =	shalt  }
0x5a: {  	_ =	shalt  }
0x5b: {  	_ =	shalt  }
0x5c: {  	_ =	shalt  }
0x5d: {  	_ =	shalt  }
0x5e: {  	_ =	shalt  }
0x5f: {  	_ =	shalt  }
0x60: {  	_ =	shalt  }
0x61: {  	_ =	shalt  }
0x62: {  	_ =	shalt  }
0x63: {  	_ =	shalt  }
0x64: {  	_ =	shalt  }
0x65: {  	_ =	shalt  }
0x66: {  	_ =	shalt  }
0x67: {  	_ =	shalt  }
0x68: {  	_ =	shalt  }
0x69: {  	_ =	shalt  }
0x6a: {  	_ =	shalt  }
0x6b: {  	_ =	shalt  }
0x6c: {  	_ =	shalt  }
0x6d: {  	_ =	shalt  }
0x6e: {  	_ =	shalt  }
0x6f: {  	_ =	shalt  }
0x70: {  	_ =	shalt  }
0x71: {  	_ =	shalt  }
0x72: {  	_ =	shalt  }
0x73: {  	_ =	shalt  }
0x74: {  	_ =	shalt  }
0x75: {  	_ =	shalt  }
0x76: {  	_ =	shalt  }
0x77: {  	_ =	shalt  }
0x78: {  	_ =	shalt  }
0x79: {  	_ =	shalt  }
0x7a: {  	_ =	shalt  }
0x7b: {  	_ =	shalt  }
0x7c: {  	_ =	shalt  }
0x7d: {  	_ =	shalt  }
0x7e: {  	_ =	shalt  }
0x7f: {  	_ =	shalt  }
0x80: {  	_ =	shalt  }
0x81: {  	_ =	shalt  }
0x82: {  	_ =	shalt  }
0x83: {  	_ =	shalt  }
0x84: {  	_ =	shalt  }
0x85: {  	_ =	shalt  }
0x86: {  	_ =	shalt  }
0x87: {  	_ =	shalt  }
.Lfunc_end0:
.L_simem_size_0:
called_computation_lowered:
.L_overlay_start_0:
0x88: {  	s2 =	sld [smem:$0x3FD9]  }
0x89: {  	s3 =	sld [smem:$0x3FFE];
	_ =	sdelay $0x1  }
0x8a: {  	s1 =	srdreg.scid  }
0x8b: {  	s0 =	sand.u32 $0x1, s1  }
0x8c: {  	s17 =	sshll.u32 s0, $0xA;
	s2 =	sadd.s32 s3, s2  }
0x8d: {  	s2 =	sadd.s32 s2, s17  }
0x8e: {  	[smem:$0x3FC7] =	sst s2  }
0x8f: {  	_ = 	snop  }
0x90: {  	s2 =	sld [smem:$0x3FD0];
	(tm) =	ssettm $0x1  }
0x91: {  	s18 =	sld [smem:$0x3FFB];
	_ =	sdelay $0x3  }
0x92: {  	_ =	strace s18  }
0x93: {  	s3 =	sld [smem:$0x3FFC];
	_ =	sdelay $0x3  }
0x94: {  	_ =	strace s3  }
0x95: {  	s3 =	sld [smem:$0x3FFD];
	_ =	sdelay $0x3  }
0x96: {  	_ =	strace s3  }
0x97: {  	_ =	strace $0x8FFFFFFF  }
0x98: {  	s19 =	sld [smem:$0x3FDB];
	_ =	sdelay $0x1  }
0x99: {  	s4 =	simm.s32 $_scs_section_size  }
0x9a: {  	s5 =	simm.s32 $_size__tile_overlayer_lowered;
	s6 =	simm.s32 $_tile_overlayer_lowered  }
0x9b: {  	s22 =	simm.s32 $0x1BFF;
	s21 =	sshll.u32 s6, $0x1;
	s3 =	sadd.s32 s4, s19  }
0x9c: {  	s7 =	simm.s32 $0x0;
	s20 =	sshll.u32 s5, $0x1;
	s5 =	sadd.s32 s21, s3  }
0x9d: {  	[timem:s7], [sflag:s22] =	dma.local [hbm:s5], s20  }
0x9e: {  	_ =	swait.ge [sflag:s22], s20  }
0x9f: {  	s4 =	ssub.s32 $0x0, s20;
	[sflag:s22] =	ssyncset.done $0x0  }
0xa0: {  	[sflag:s22] =	ssyncadd.s32 s4;
	_ =	sdelay $0x1  }
0xa1: {  	s23 =	simm.s32 $0x1B8B  }
0xa2: {  	_ =	swait.ge [sflag:s23], $0x1  }
0xa3: {  	[sflag:s23] =	ssyncset.done $0x0  }
0xa4: {  	s25 =	simm.s32 $0x1B8E;
	s24 =	sld [smem:$0x3FFE];
	[sflag:s23] =	ssyncadd.s32 $0xFFFFFFFF  }
0xa5: {  	s26 =	simm.s32 $execute0_lowered;
	[smem:$0x3FD2] =	sst s25  }
0xa6: {  	s5 =	sshll.u32 s26, $0x1;
	_ =	strace $0x80000046;
	[dreg:$0x1] =	wrdreg $0xFFFFFFFF  }
0xa7: {  	s28 =	simm.s32 $_size_execute0_lowered;
	s3 =	sadd.s32 s3, s5;
	[dreg:$0x0] =	wrdreg $0x0  }
0xa8: {  	s5 =	sshll.u32 s28, $0x1;
	[dreg:$0x2] =	wrdreg s3  }
0xa9: {  	[dreg:$0x3] =	wrdreg s5  }
0xaa: {  	[dreg:$0x4] =	wrdreg $0xC0  }
0xab: {  	_ =	task [dreg:s7], $0x5FFFF  }
0xac: {  	[dreg:$0x1] =	wrdreg $0xFFFFFFFF  }
0xad: {  	[dreg:$0x0] =	wrdreg $0x60  }
0xae: {  	[dreg:$0x2] =	wrdreg s2  }
0xaf: {  	[dreg:$0x3] =	wrdreg s24  }
0xb0: {  	[dreg:$0x4] =	wrdreg $0x9  }
0xb1: {  	_ =	task.clear_ibuf [dreg:s7], $0x5FFFF;
	_ =	strace $0x90000046  }
0xb2: {  	s29 =	simm.s32 $0x9;
	_ =	strace $0x80000048  }
0xb3: {  	_ =	swait.ge [sflag:s29], $0x1  }
0xb4: {  	[sflag:s29] =	ssyncadd.s32 $0xFFFFFFFF  }
0xb5: {  	_ =	strace $0x90000048  }
0xb6: {  	_ =	sfence  }
0xb7: {  	s30 =	sld [smem:$0x0];
	_ =	sdelay $0x2  }
0xb8: {  	s31 =	sshll.u32 s1, $0xD;
	s1 =	sshrl.u32 s1, $0x2  }
0xb9: {  	s3 =	sand.u32 $0x4000, s31;
	s1 =	sadd.s32 s1, s30  }
0xba: {  	s0 =	sor.u32 s3, s0;
	s1 =	sshll.u32 s1, $0x11  }
0xbb: {  	s0 =	sor.u32 s1, s0  }
0xbc: {  	s0 =	sadd.s32 $0x8F2B, s0  }
0xbd: {  	[sflag:s0] =	ssyncadd.remote.s32 $0x1  }
0xbe: {  	_ =	sfence.sel $0xFFFF  }
0xbf: {  	[dreg:$0x0] =	wrdreg $0xFFFFFFFF;
	(pc) =	sbr.abs _section_cstart, $3  }
0xc0: {  	[dreg:$0x1] =	wrdreg $0xFFFFFFFF  }
0xc1: {  	_ =	task.clear_ibuf [dreg:s7], $0x2FFFF;
	_ =	strace $0x9FFFFFFF  }
0xc2: {  	(tm) =	ssettm $0x7FFFFFFF  }
0xc3: {  	_ =	shalt  }
tec
execute0_lowered:
.L_overlay_start_1:
0x0: {  	(tag) =	ssettag $0x1  }
0x1: {  	s6 =	rddreg [dreg:$0x0]  }
0x2: {  	s4 =	rddreg [dreg:$0x1];
	v0 =	vlaneseq.u32  }
0x3: {  	s0 =	rddreg [dreg:$0x2];
	s1 =	simm.s32 $0x0;
	v1 =	vimm.f32 $1.000000000e+00;
	v33 =	vimm.f32 $0.0e+00;
	v2 =	vor.u32 $0x10, v0  }
0x4: {  	s3 =	srdreg.scid;
	s2 =	stileid.u32;
	s11 =	simm.s32 $0x12C00;
	v3 =	vor.u32 $0x20, v0;
	v4 =	vor.u32 $0x30, v0;
	v5 =	vor.u32 $0x40, v0  }
0x5: {  	s12 =	simm.s32 $0x80;
	s13 =	simm.s32 $0x400;
	s14 =	simm.s32 $0x1;
	v6 =	vor.u32 $0x50, v0;
	v7 =	vor.u32 $0x60, v0;
	v8 =	vor.u32 $0x70, v0  }
0x6: {  	s15 =	simm.s32 $0x2;
	s16 =	simm.s32 $0x0;
	[smem:$0x7FF] =	sst s1;
	v9 =	vor.u32 $0x80, v0;
	v10 =	vor.u32 $0x90, v0;
	v11 =	vor.u32 $0xA0, v0  }
0x7: {  	s5 =	sand.u32 $0x1, s3;
	s7 =	sshll.u32 s2, $0x1;
	s3 =	sadd.s32 $0x400, s4;
	v12 =	vor.u32 $0xB0, v0;
	v13 =	vor.u32 $0xC0, v0;
	v14 =	vor.u32 $0xD0, v0  }
0x8: {  	s8 =	sshrl.u32 s2, $0x2;
	v15 =	vor.u32 $0xE0, v0;
	v16 =	vor.u32 $0xF0, v0;
	v17 =	vor.u32 $0x100, v0;
	s4 =	sadd.s32 $0x1E00, s4;
	s7 =	sor.u32 s5, s7  }
0x9: {  	v18 =	vor.u32 $0x110, v0;
	v19 =	vor.u32 $0x120, v0;
	v20 =	vor.u32 $0x130, v0;
	s5 =	ssub.s32 $0x2, s5;
	s8 =	smul.u32 $0x32000, s8;
	s9 =	sshll.u32 s7, $0x7  }
0xa: {  	v21 =	vor.u32 $0x140, v0;
	v22 =	vor.u32 $0x150, v0;
	v23 =	vor.u32 $0x160, v0;
	s10 =	sshrl.u32 s5, $0x1;
	s7 =	smul.u32 $0xC80, s7;
	s9 =	sand.u32 $0x380, s9  }
0xb: {  	v24 =	vor.u32 $0x170, v0;
	v25 =	vor.u32 $0x180, v0;
	v26 =	vor.u32 $0x190, v0;
	_ =	strace $0x80000047;
	s10 =	ssub.s32 s5, s10;
	s5 =	sor.u32 s9, s8  }
0xc: {  	v27 =	vor.u32 $0x1A0, v0;
	v28 =	vor.u32 $0x1B0, v0;
	v29 =	vor.u32 $0x1C0, v0;
	s6 =	sadd.s32 s6, s7;
	s7 =	smax.u32 s10, $0x1;
	s8 =	sshrl.u32 s5, $0x3  }
0xd: {  	v30 =	vor.u32 $0x1D0, v0;
	v31 =	vor.u32 $0x1E0, v0;
	v32 =	vor.u32 $0x1F0, v0;
	s9 =	simm.s32 $0x3;
	s10 =	simm.s32 $0x6400;
	s8 =	sadd.s32 s4, s8  }
.LBB2_1:
0xe: {  	[tilespmem:s1], [sflag:$0x3] =	stream.linear.gather [hbm4b:s6+s1], $0x6400, $0x38;
	[tilespmem:$0x1F400] =	vst v63  }
0xf: {  	_ =	swait.ge [sflag:s9], $0x6400  }
0x10: {  	[sflag:s9] =	ssyncset.done $0x0  }
0x11: {  	[sflag:s9] =	ssyncadd.s32 $0xFFFF9C00  }
0x12: {  	[tilespmem:s10], [sflag:$0x3] =	stream.linear.gather [hbm4b:s3+s1], $0xC800, $0x38;
	[tilespmem:$0x1F400] =	vst v63  }
0x13: {  	_ =	swait.ge [sflag:s9], $0xC800  }
0x14: {  	[sflag:s9] =	ssyncset.done $0x0  }
0x15: {  	[sflag:s9] =	ssyncadd.s32 $0xFFFF3800  }
0x16: {  	[tilespmem:s11], [sflag:$0x3] =	stream.linear.gather [hbm4b:s3+s1], $0xC800, $0x38;
	[tilespmem:$0x1F400] =	vst v63  }
0x17: {  	_ =	swait.ge [sflag:s9], $0xC800  }
0x18: {  	[sflag:s9] =	ssyncset.done $0x0  }
0x19: {  	s17 =	simm.s32 $0x0;
	[sflag:s9] =	ssyncadd.s32 $0xFFFF3800  }
.LBB2_2:
0x1a: {  	p0 =	seq.s32 s17, $0x0  }
.Ltmp0:
0x1b: {  	_ = 	snop;
	(pc) =	sbr.rel @p0 .LBB2_4-.Ltmp0, $2  }
0x1c: {  	_ =	sdelay $0x2  }
0x1d: {  	s18 =	sshll.u32 s17, $0xA  }
0x1e: {  	_ =	swait.ge [sflag:s14], $0xC800  }
0x1f: {  	[sflag:s14] =	ssyncset.done $0x0  }
0x20: {  	[sflag:s14] =	ssyncadd.s32 $0xFFFF3800  }
0x21: {  	v34 =	vld [tilespmem:s18+$0xFFFFFC00];
	_ =	sdelay $0x4  }
0x22: {  	v34 =	vshll.u32 v34, $0x9  }
0x23: {  	v34 =	vor.u32 v0, v34;
	_ =	sdelay $0x4  }
0x24: {  	[tilespmem:v34+s10+$0x0] =	vst.idx.msk $0xffff, v33  }
0x25: {  	v34 =	vld [tilespmem:s18+$0xFFFFFC10];
	_ =	sdelay $0x4  }
0x26: {  	v34 =	vshll.u32 v34, $0x9  }
0x27: {  	v34 =	vor.u32 v2, v34;
	_ =	sdelay $0x4  }
0x28: {  	[tilespmem:v34+s10+$0x0] =	vst.idx.msk $0xffff, v33  }
0x29: {  	v34 =	vld [tilespmem:s18+$0xFFFFFC20];
	_ =	sdelay $0x4  }
0x2a: {  	v34 =	vshll.u32 v34, $0x9  }
0x2b: {  	v34 =	vor.u32 v3, v34;
	_ =	sdelay $0x4  }
0x2c: {  	[tilespmem:v34+s10+$0x0] =	vst.idx.msk $0xffff, v33  }
0x2d: {  	v34 =	vld [tilespmem:s18+$0xFFFFFC30];
	_ =	sdelay $0x4  }
0x2e: {  	v34 =	vshll.u32 v34, $0x9  }
0x2f: {  	v34 =	vor.u32 v4, v34;
	_ =	sdelay $0x4  }
0x30: {  	[tilespmem:v34+s10+$0x0] =	vst.idx.msk $0xffff, v33  }
0x31: {  	v34 =	vld [tilespmem:s18+$0xFFFFFC40];
	_ =	sdelay $0x4  }
0x32: {  	v34 =	vshll.u32 v34, $0x9  }
0x33: {  	v34 =	vor.u32 v5, v34;
	_ =	sdelay $0x4  }
0x34: {  	[tilespmem:v34+s10+$0x0] =	vst.idx.msk $0xffff, v33  }
0x35: {  	v34 =	vld [tilespmem:s18+$0xFFFFFC50];
	_ =	sdelay $0x4  }
0x36: {  	v34 =	vshll.u32 v34, $0x9  }
0x37: {  	v34 =	vor.u32 v6, v34;
	_ =	sdelay $0x4  }
0x38: {  	[tilespmem:v34+s10+$0x0] =	vst.idx.msk $0xffff, v33  }
0x39: {  	v34 =	vld [tilespmem:s18+$0xFFFFFC60];
	_ =	sdelay $0x4  }
0x3a: {  	v34 =	vshll.u32 v34, $0x9  }
0x3b: {  	v34 =	vor.u32 v7, v34;
	_ =	sdelay $0x4  }
0x3c: {  	[tilespmem:v34+s10+$0x0] =	vst.idx.msk $0xffff, v33  }
0x3d: {  	v34 =	vld [tilespmem:s18+$0xFFFFFC70];
	_ =	sdelay $0x4  }
0x3e: {  	v34 =	vshll.u32 v34, $0x9  }
0x3f: {  	v34 =	vor.u32 v8, v34;
	_ =	sdelay $0x4  }
0x40: {  	[tilespmem:v34+s10+$0x0] =	vst.idx.msk $0xffff, v33  }
0x41: {  	v34 =	vld [tilespmem:s18+$0xFFFFFC80];
	_ =	sdelay $0x4  }
0x42: {  	v34 =	vshll.u32 v34, $0x9  }
0x43: {  	v34 =	vor.u32 v9, v34;
	_ =	sdelay $0x4  }
0x44: {  	[tilespmem:v34+s10+$0x0] =	vst.idx.msk $0xffff, v33  }
0x45: {  	v34 =	vld [tilespmem:s18+$0xFFFFFC90];
	_ =	sdelay $0x4  }
0x46: {  	v34 =	vshll.u32 v34, $0x9  }
0x47: {  	v34 =	vor.u32 v10, v34;
	_ =	sdelay $0x4  }
0x48: {  	[tilespmem:v34+s10+$0x0] =	vst.idx.msk $0xffff, v33  }
0x49: {  	v34 =	vld [tilespmem:s18+$0xFFFFFCA0];
	_ =	sdelay $0x4  }
0x4a: {  	v34 =	vshll.u32 v34, $0x9  }
0x4b: {  	v34 =	vor.u32 v11, v34;
	_ =	sdelay $0x4  }
0x4c: {  	[tilespmem:v34+s10+$0x0] =	vst.idx.msk $0xffff, v33  }
0x4d: {  	v34 =	vld [tilespmem:s18+$0xFFFFFCB0];
	_ =	sdelay $0x4  }
0x4e: {  	v34 =	vshll.u32 v34, $0x9  }
0x4f: {  	v34 =	vor.u32 v12, v34;
	_ =	sdelay $0x4  }
0x50: {  	[tilespmem:v34+s10+$0x0] =	vst.idx.msk $0xffff, v33  }
0x51: {  	v34 =	vld [tilespmem:s18+$0xFFFFFCC0];
	_ =	sdelay $0x4  }
0x52: {  	v34 =	vshll.u32 v34, $0x9  }
0x53: {  	v34 =	vor.u32 v13, v34;
	_ =	sdelay $0x4  }
0x54: {  	[tilespmem:v34+s10+$0x0] =	vst.idx.msk $0xffff, v33  }
0x55: {  	v34 =	vld [tilespmem:s18+$0xFFFFFCD0];
	_ =	sdelay $0x4  }
0x56: {  	v34 =	vshll.u32 v34, $0x9  }
0x57: {  	v34 =	vor.u32 v14, v34;
	_ =	sdelay $0x4  }
0x58: {  	[tilespmem:v34+s10+$0x0] =	vst.idx.msk $0xffff, v33  }
0x59: {  	v34 =	vld [tilespmem:s18+$0xFFFFFCE0];
	_ =	sdelay $0x4  }
0x5a: {  	v34 =	vshll.u32 v34, $0x9  }
0x5b: {  	v34 =	vor.u32 v15, v34;
	_ =	sdelay $0x4  }
0x5c: {  	[tilespmem:v34+s10+$0x0] =	vst.idx.msk $0xffff, v33  }
0x5d: {  	v34 =	vld [tilespmem:s18+$0xFFFFFCF0];
	_ =	sdelay $0x4  }
0x5e: {  	v34 =	vshll.u32 v34, $0x9  }
0x5f: {  	v34 =	vor.u32 v16, v34;
	_ =	sdelay $0x4  }
0x60: {  	[tilespmem:v34+s10+$0x0] =	vst.idx.msk $0xffff, v33  }
0x61: {  	v34 =	vld [tilespmem:s18+$0xFFFFFD00];
	_ =	sdelay $0x4  }
0x62: {  	v34 =	vshll.u32 v34, $0x9  }
0x63: {  	v34 =	vor.u32 v17, v34;
	_ =	sdelay $0x4  }
0x64: {  	[tilespmem:v34+s10+$0x0] =	vst.idx.msk $0xffff, v33  }
0x65: {  	v34 =	vld [tilespmem:s18+$0xFFFFFD10];
	_ =	sdelay $0x4  }
0x66: {  	v34 =	vshll.u32 v34, $0x9  }
0x67: {  	v34 =	vor.u32 v18, v34;
	_ =	sdelay $0x4  }
0x68: {  	[tilespmem:v34+s10+$0x0] =	vst.idx.msk $0xffff, v33  }
0x69: {  	v34 =	vld [tilespmem:s18+$0xFFFFFD20];
	_ =	sdelay $0x4  }
0x6a: {  	v34 =	vshll.u32 v34, $0x9  }
0x6b: {  	v34 =	vor.u32 v19, v34;
	_ =	sdelay $0x4  }
0x6c: {  	[tilespmem:v34+s10+$0x0] =	vst.idx.msk $0xffff, v33  }
0x6d: {  	v34 =	vld [tilespmem:s18+$0xFFFFFD30];
	_ =	sdelay $0x4  }
0x6e: {  	v34 =	vshll.u32 v34, $0x9  }
0x6f: {  	v34 =	vor.u32 v20, v34;
	_ =	sdelay $0x4  }
0x70: {  	[tilespmem:v34+s10+$0x0] =	vst.idx.msk $0xffff, v33  }
0x71: {  	v34 =	vld [tilespmem:s18+$0xFFFFFD40];
	_ =	sdelay $0x4  }
0x72: {  	v34 =	vshll.u32 v34, $0x9  }
0x73: {  	v34 =	vor.u32 v21, v34;
	_ =	sdelay $0x4  }
0x74: {  	[tilespmem:v34+s10+$0x0] =	vst.idx.msk $0xffff, v33  }
0x75: {  	v34 =	vld [tilespmem:s18+$0xFFFFFD50];
	_ =	sdelay $0x4  }
0x76: {  	v34 =	vshll.u32 v34, $0x9  }
0x77: {  	v34 =	vor.u32 v22, v34;
	_ =	sdelay $0x4  }
0x78: {  	[tilespmem:v34+s10+$0x0] =	vst.idx.msk $0xffff, v33  }
0x79: {  	v34 =	vld [tilespmem:s18+$0xFFFFFD60];
	_ =	sdelay $0x4  }
0x7a: {  	v34 =	vshll.u32 v34, $0x9  }
0x7b: {  	v34 =	vor.u32 v23, v34;
	_ =	sdelay $0x4  }
0x7c: {  	[tilespmem:v34+s10+$0x0] =	vst.idx.msk $0xffff, v33  }
0x7d: {  	v34 =	vld [tilespmem:s18+$0xFFFFFD70];
	_ =	sdelay $0x4  }
0x7e: {  	v34 =	vshll.u32 v34, $0x9  }
0x7f: {  	v34 =	vor.u32 v24, v34;
	_ =	sdelay $0x4  }
0x80: {  	[tilespmem:v34+s10+$0x0] =	vst.idx.msk $0xffff, v33  }
0x81: {  	v34 =	vld [tilespmem:s18+$0xFFFFFD80];
	_ =	sdelay $0x4  }
0x82: {  	v34 =	vshll.u32 v34, $0x9  }
0x83: {  	v34 =	vor.u32 v25, v34;
	_ =	sdelay $0x4  }
0x84: {  	[tilespmem:v34+s10+$0x0] =	vst.idx.msk $0xffff, v33  }
0x85: {  	v34 =	vld [tilespmem:s18+$0xFFFFFD90];
	_ =	sdelay $0x4  }
0x86: {  	v34 =	vshll.u32 v34, $0x9  }
0x87: {  	v34 =	vor.u32 v26, v34;
	_ =	sdelay $0x4  }
0x88: {  	[tilespmem:v34+s10+$0x0] =	vst.idx.msk $0xffff, v33  }
0x89: {  	v34 =	vld [tilespmem:s18+$0xFFFFFDA0];
	_ =	sdelay $0x4  }
0x8a: {  	v34 =	vshll.u32 v34, $0x9  }
0x8b: {  	v34 =	vor.u32 v27, v34;
	_ =	sdelay $0x4  }
0x8c: {  	[tilespmem:v34+s10+$0x0] =	vst.idx.msk $0xffff, v33  }
0x8d: {  	v34 =	vld [tilespmem:s18+$0xFFFFFDB0];
	_ =	sdelay $0x4  }
0x8e: {  	v34 =	vshll.u32 v34, $0x9  }
0x8f: {  	v34 =	vor.u32 v28, v34;
	_ =	sdelay $0x4  }
0x90: {  	[tilespmem:v34+s10+$0x0] =	vst.idx.msk $0xffff, v33  }
0x91: {  	v34 =	vld [tilespmem:s18+$0xFFFFFDC0];
	_ =	sdelay $0x4  }
0x92: {  	v34 =	vshll.u32 v34, $0x9  }
0x93: {  	v34 =	vor.u32 v29, v34;
	_ =	sdelay $0x4  }
0x94: {  	[tilespmem:v34+s10+$0x0] =	vst.idx.msk $0xffff, v33  }
0x95: {  	v34 =	vld [tilespmem:s18+$0xFFFFFDD0];
	_ =	sdelay $0x4  }
0x96: {  	v34 =	vshll.u32 v34, $0x9  }
0x97: {  	v34 =	vor.u32 v30, v34;
	_ =	sdelay $0x4  }
0x98: {  	[tilespmem:v34+s10+$0x0] =	vst.idx.msk $0xffff, v33  }
0x99: {  	v34 =	vld [tilespmem:s18+$0xFFFFFDE0];
	_ =	sdelay $0x4  }
0x9a: {  	v34 =	vshll.u32 v34, $0x9  }
0x9b: {  	v34 =	vor.u32 v31, v34;
	_ =	sdelay $0x4  }
0x9c: {  	[tilespmem:v34+s10+$0x0] =	vst.idx.msk $0xffff, v33  }
0x9d: {  	v34 =	vld [tilespmem:s18+$0xFFFFFDF0];
	_ =	sdelay $0x4  }
0x9e: {  	v34 =	vshll.u32 v34, $0x9  }
0x9f: {  	v34 =	vor.u32 v32, v34;
	_ =	sdelay $0x4  }
0xa0: {  	[tilespmem:v34+s10+$0x0] =	vst.idx.msk $0xffff, v33  }
.LBB2_4:
0xa1: {  	v34 =	vld [tilespmem:s18+$0x0];
	_ =	sdelay $0x4  }
0xa2: {  	v34 =	vshll.u32 v34, $0x9  }
0xa3: {  	v34 =	vor.u32 v0, v34;
	_ =	sdelay $0x4  }
0xa4: {  	[tilespmem:v34+s10+$0x0] =	vst.idx.msk $0xffff, v1  }
0xa5: {  	v34 =	vld [tilespmem:s18+$0x10];
	_ =	sdelay $0x4  }
0xa6: {  	v34 =	vshll.u32 v34, $0x9  }
0xa7: {  	v34 =	vor.u32 v2, v34;
	_ =	sdelay $0x4  }
0xa8: {  	[tilespmem:v34+s10+$0x0] =	vst.idx.msk $0xffff, v1  }
0xa9: {  	v34 =	vld [tilespmem:s18+$0x20];
	_ =	sdelay $0x4  }
0xaa: {  	v34 =	vshll.u32 v34, $0x9  }
0xab: {  	v34 =	vor.u32 v3, v34;
	_ =	sdelay $0x4  }
0xac: {  	[tilespmem:v34+s10+$0x0] =	vst.idx.msk $0xffff, v1  }
0xad: {  	v34 =	vld [tilespmem:s18+$0x30];
	_ =	sdelay $0x4  }
0xae: {  	v34 =	vshll.u32 v34, $0x9  }
0xaf: {  	v34 =	vor.u32 v4, v34;
	_ =	sdelay $0x4  }
0xb0: {  	[tilespmem:v34+s10+$0x0] =	vst.idx.msk $0xffff, v1  }
0xb1: {  	v34 =	vld [tilespmem:s18+$0x40];
	_ =	sdelay $0x4  }
0xb2: {  	v34 =	vshll.u32 v34, $0x9  }
0xb3: {  	v34 =	vor.u32 v5, v34;
	_ =	sdelay $0x4  }
0xb4: {  	[tilespmem:v34+s10+$0x0] =	vst.idx.msk $0xffff, v1  }
0xb5: {  	v34 =	vld [tilespmem:s18+$0x50];
	_ =	sdelay $0x4  }
0xb6: {  	v34 =	vshll.u32 v34, $0x9  }
0xb7: {  	v34 =	vor.u32 v6, v34;
	_ =	sdelay $0x4  }
0xb8: {  	[tilespmem:v34+s10+$0x0] =	vst.idx.msk $0xffff, v1  }
0xb9: {  	v34 =	vld [tilespmem:s18+$0x60];
	_ =	sdelay $0x4  }
0xba: {  	v34 =	vshll.u32 v34, $0x9  }
0xbb: {  	v34 =	vor.u32 v7, v34;
	_ =	sdelay $0x4  }
0xbc: {  	[tilespmem:v34+s10+$0x0] =	vst.idx.msk $0xffff, v1  }
0xbd: {  	v34 =	vld [tilespmem:s18+$0x70];
	_ =	sdelay $0x4  }
0xbe: {  	v34 =	vshll.u32 v34, $0x9  }
0xbf: {  	v34 =	vor.u32 v8, v34;
	_ =	sdelay $0x4  }
0xc0: {  	[tilespmem:v34+s10+$0x0] =	vst.idx.msk $0xffff, v1  }
0xc1: {  	v34 =	vld [tilespmem:s18+$0x80];
	_ =	sdelay $0x4  }
0xc2: {  	v34 =	vshll.u32 v34, $0x9  }
0xc3: {  	v34 =	vor.u32 v9, v34;
	_ =	sdelay $0x4  }
0xc4: {  	[tilespmem:v34+s10+$0x0] =	vst.idx.msk $0xffff, v1  }
0xc5: {  	v34 =	vld [tilespmem:s18+$0x90];
	_ =	sdelay $0x4  }
0xc6: {  	v34 =	vshll.u32 v34, $0x9  }
0xc7: {  	v34 =	vor.u32 v10, v34;
	_ =	sdelay $0x4  }
0xc8: {  	[tilespmem:v34+s10+$0x0] =	vst.idx.msk $0xffff, v1  }
0xc9: {  	v34 =	vld [tilespmem:s18+$0xA0];
	_ =	sdelay $0x4  }
0xca: {  	v34 =	vshll.u32 v34, $0x9  }
0xcb: {  	v34 =	vor.u32 v11, v34;
	_ =	sdelay $0x4  }
0xcc: {  	[tilespmem:v34+s10+$0x0] =	vst.idx.msk $0xffff, v1  }
0xcd: {  	v34 =	vld [tilespmem:s18+$0xB0];
	_ =	sdelay $0x4  }
0xce: {  	v34 =	vshll.u32 v34, $0x9  }
0xcf: {  	v34 =	vor.u32 v12, v34;
	_ =	sdelay $0x4  }
0xd0: {  	[tilespmem:v34+s10+$0x0] =	vst.idx.msk $0xffff, v1  }
0xd1: {  	v34 =	vld [tilespmem:s18+$0xC0];
	_ =	sdelay $0x4  }
0xd2: {  	v34 =	vshll.u32 v34, $0x9  }
0xd3: {  	v34 =	vor.u32 v13, v34;
	_ =	sdelay $0x4  }
0xd4: {  	[tilespmem:v34+s10+$0x0] =	vst.idx.msk $0xffff, v1  }
0xd5: {  	v34 =	vld [tilespmem:s18+$0xD0];
	_ =	sdelay $0x4  }
0xd6: {  	v34 =	vshll.u32 v34, $0x9  }
0xd7: {  	v34 =	vor.u32 v14, v34;
	_ =	sdelay $0x4  }
0xd8: {  	[tilespmem:v34+s10+$0x0] =	vst.idx.msk $0xffff, v1  }
0xd9: {  	v34 =	vld [tilespmem:s18+$0xE0];
	_ =	sdelay $0x4  }
0xda: {  	v34 =	vshll.u32 v34, $0x9  }
0xdb: {  	v34 =	vor.u32 v15, v34;
	_ =	sdelay $0x4  }
0xdc: {  	[tilespmem:v34+s10+$0x0] =	vst.idx.msk $0xffff, v1  }
0xdd: {  	v34 =	vld [tilespmem:s18+$0xF0];
	_ =	sdelay $0x4  }
0xde: {  	v34 =	vshll.u32 v34, $0x9  }
0xdf: {  	v34 =	vor.u32 v16, v34;
	_ =	sdelay $0x4  }
0xe0: {  	[tilespmem:v34+s10+$0x0] =	vst.idx.msk $0xffff, v1  }
0xe1: {  	v34 =	vld [tilespmem:s18+$0x100];
	_ =	sdelay $0x4  }
0xe2: {  	v34 =	vshll.u32 v34, $0x9  }
0xe3: {  	v34 =	vor.u32 v17, v34;
	_ =	sdelay $0x4  }
0xe4: {  	[tilespmem:v34+s10+$0x0] =	vst.idx.msk $0xffff, v1  }
0xe5: {  	v34 =	vld [tilespmem:s18+$0x110];
	_ =	sdelay $0x4  }
0xe6: {  	v34 =	vshll.u32 v34, $0x9  }
0xe7: {  	v34 =	vor.u32 v18, v34;
	_ =	sdelay $0x4  }
0xe8: {  	[tilespmem:v34+s10+$0x0] =	vst.idx.msk $0xffff, v1  }
0xe9: {  	v34 =	vld [tilespmem:s18+$0x120];
	_ =	sdelay $0x4  }
0xea: {  	v34 =	vshll.u32 v34, $0x9  }
0xeb: {  	v34 =	vor.u32 v19, v34;
	_ =	sdelay $0x4  }
0xec: {  	[tilespmem:v34+s10+$0x0] =	vst.idx.msk $0xffff, v1  }
0xed: {  	v34 =	vld [tilespmem:s18+$0x130];
	_ =	sdelay $0x4  }
0xee: {  	v34 =	vshll.u32 v34, $0x9  }
0xef: {  	v34 =	vor.u32 v20, v34;
	_ =	sdelay $0x4  }
0xf0: {  	[tilespmem:v34+s10+$0x0] =	vst.idx.msk $0xffff, v1  }
0xf1: {  	v34 =	vld [tilespmem:s18+$0x140];
	_ =	sdelay $0x4  }
0xf2: {  	v34 =	vshll.u32 v34, $0x9  }
0xf3: {  	v34 =	vor.u32 v21, v34;
	_ =	sdelay $0x4  }
0xf4: {  	[tilespmem:v34+s10+$0x0] =	vst.idx.msk $0xffff, v1  }
0xf5: {  	v34 =	vld [tilespmem:s18+$0x150];
	_ =	sdelay $0x4  }
0xf6: {  	v34 =	vshll.u32 v34, $0x9  }
0xf7: {  	v34 =	vor.u32 v22, v34;
	_ =	sdelay $0x4  }
0xf8: {  	[tilespmem:v34+s10+$0x0] =	vst.idx.msk $0xffff, v1  }
0xf9: {  	v34 =	vld [tilespmem:s18+$0x160];
	_ =	sdelay $0x4  }
0xfa: {  	v34 =	vshll.u32 v34, $0x9  }
0xfb: {  	v34 =	vor.u32 v23, v34;
	_ =	sdelay $0x4  }
0xfc: {  	[tilespmem:v34+s10+$0x0] =	vst.idx.msk $0xffff, v1  }
0xfd: {  	v34 =	vld [tilespmem:s18+$0x170];
	_ =	sdelay $0x4  }
0xfe: {  	v34 =	vshll.u32 v34, $0x9  }
0xff: {  	v34 =	vor.u32 v24, v34;
	_ =	sdelay $0x4  }
0x100: {  	[tilespmem:v34+s10+$0x0] =	vst.idx.msk $0xffff, v1  }
0x101: {  	v34 =	vld [tilespmem:s18+$0x180];
	_ =	sdelay $0x4  }
0x102: {  	v34 =	vshll.u32 v34, $0x9  }
0x103: {  	v34 =	vor.u32 v25, v34;
	_ =	sdelay $0x4  }
0x104: {  	[tilespmem:v34+s10+$0x0] =	vst.idx.msk $0xffff, v1  }
0x105: {  	v34 =	vld [tilespmem:s18+$0x190];
	_ =	sdelay $0x4  }
0x106: {  	v34 =	vshll.u32 v34, $0x9  }
0x107: {  	v34 =	vor.u32 v26, v34;
	_ =	sdelay $0x4  }
0x108: {  	[tilespmem:v34+s10+$0x0] =	vst.idx.msk $0xffff, v1  }
0x109: {  	v34 =	vld [tilespmem:s18+$0x1A0];
	_ =	sdelay $0x4  }
0x10a: {  	v34 =	vshll.u32 v34, $0x9  }
0x10b: {  	v34 =	vor.u32 v27, v34;
	_ =	sdelay $0x4  }
0x10c: {  	[tilespmem:v34+s10+$0x0] =	vst.idx.msk $0xffff, v1  }
0x10d: {  	v34 =	vld [tilespmem:s18+$0x1B0];
	_ =	sdelay $0x4  }
0x10e: {  	v34 =	vshll.u32 v34, $0x9  }
0x10f: {  	v34 =	vor.u32 v28, v34;
	_ =	sdelay $0x4  }
0x110: {  	[tilespmem:v34+s10+$0x0] =	vst.idx.msk $0xffff, v1  }
0x111: {  	v34 =	vld [tilespmem:s18+$0x1C0];
	_ =	sdelay $0x4  }
0x112: {  	v34 =	vshll.u32 v34, $0x9  }
0x113: {  	v34 =	vor.u32 v29, v34;
	_ =	sdelay $0x4  }
0x114: {  	[tilespmem:v34+s10+$0x0] =	vst.idx.msk $0xffff, v1  }
0x115: {  	v34 =	vld [tilespmem:s18+$0x1D0];
	_ =	sdelay $0x4  }
0x116: {  	v34 =	vshll.u32 v34, $0x9  }
0x117: {  	v34 =	vor.u32 v30, v34;
	_ =	sdelay $0x4  }
0x118: {  	[tilespmem:v34+s10+$0x0] =	vst.idx.msk $0xffff, v1  }
0x119: {  	v34 =	vld [tilespmem:s18+$0x1E0];
	_ =	sdelay $0x4  }
0x11a: {  	v34 =	vshll.u32 v34, $0x9  }
0x11b: {  	v34 =	vor.u32 v31, v34;
	_ =	sdelay $0x4  }
0x11c: {  	[tilespmem:v34+s10+$0x0] =	vst.idx.msk $0xffff, v1  }
0x11d: {  	v34 =	vld [tilespmem:s18+$0x1F0];
	_ =	sdelay $0x4  }
0x11e: {  	v34 =	vshll.u32 v34, $0x9  }
0x11f: {  	v34 =	vor.u32 v32, v34;
	_ =	sdelay $0x1  }
0x120: {  	s19 =	sshll.u32 s17, $0xD  }
0x121: {  	s19 =	sadd.s32 s5, s19  }
0x122: {  	s19 =	sshrl.u32 s19, $0x3  }
0x123: {  	s20 =	simm.s32 $0x6400;
	s19 =	sadd.s32 s4, s19;
	[tilespmem:v34+s10+$0x0] =	vst.idx.msk $0xffff, v1  }
0x124: {  	[hbm4b:s19+s12] =	stream.strided.scatter [tilespmem:s20], [sflag:$0x1], $0x200, s13, s12, $0x38;
	[tilespmem:$0x1F400] =	vst v63  }
0x125: {  	s20 =	simm.s32 $0x800  }
.LBB2_5:
0x126: {  	p1 =	sne.s32 s20, $0x31800  }
.Ltmp1:
0x127: {  	_ = 	snop;
	(pc) =	sbr.rel @p1 .LBB2_5-.Ltmp1, $4  }
0x128: {  	_ = 	snop  }
0x129: {  	s21 =	sshra.s32 s20, $0x2;
	s20 =	sadd.s32 $0x800, s20  }
0x12a: {  	s19 =	sadd.s32 $0x19000, s19;
	s21 =	sadd.s32 $0x6400, s21  }
0x12b: {  	[hbm4b:s19+s12] =	stream.strided.scatter [tilespmem:s21], [sflag:$0x1], $0x200, s13, s12, $0x38;
	[tilespmem:$0x1F400] =	vst v63  }
.Ltmp2:
0x12c: {  	(pc) =	sbr.rel @p0 .LBB2_8-.Ltmp2, $1  }
0x12d: {  	_ =	sdelay $0x3  }
0x12e: {  	_ =	swait.ge [sflag:s15], $0xC800  }
0x12f: {  	[sflag:s15] =	ssyncset.done $0x0  }
0x130: {  	[sflag:s15] =	ssyncadd.s32 $0xFFFF3800  }
0x131: {  	v34 =	vld [tilespmem:s18+$0xFFFFFE00];
	_ =	sdelay $0x4  }
0x132: {  	v34 =	vshll.u32 v34, $0x9  }
0x133: {  	v34 =	vor.u32 v0, v34;
	_ =	sdelay $0x4  }
0x134: {  	[tilespmem:v34+s11+$0x0] =	vst.idx.msk $0xffff, v33  }
0x135: {  	v34 =	vld [tilespmem:s18+$0xFFFFFE10];
	_ =	sdelay $0x4  }
0x136: {  	v34 =	vshll.u32 v34, $0x9  }
0x137: {  	v34 =	vor.u32 v2, v34;
	_ =	sdelay $0x4  }
0x138: {  	[tilespmem:v34+s11+$0x0] =	vst.idx.msk $0xffff, v33  }
0x139: {  	v34 =	vld [tilespmem:s18+$0xFFFFFE20];
	_ =	sdelay $0x4  }
0x13a: {  	v34 =	vshll.u32 v34, $0x9  }
0x13b: {  	v34 =	vor.u32 v3, v34;
	_ =	sdelay $0x4  }
0x13c: {  	[tilespmem:v34+s11+$0x0] =	vst.idx.msk $0xffff, v33  }
0x13d: {  	v34 =	vld [tilespmem:s18+$0xFFFFFE30];
	_ =	sdelay $0x4  }
0x13e: {  	v34 =	vshll.u32 v34, $0x9  }
0x13f: {  	v34 =	vor.u32 v4, v34;
	_ =	sdelay $0x4  }
0x140: {  	[tilespmem:v34+s11+$0x0] =	vst.idx.msk $0xffff, v33  }
0x141: {  	v34 =	vld [tilespmem:s18+$0xFFFFFE40];
	_ =	sdelay $0x4  }
0x142: {  	v34 =	vshll.u32 v34, $0x9  }
0x143: {  	v34 =	vor.u32 v5, v34;
	_ =	sdelay $0x4  }
0x144: {  	[tilespmem:v34+s11+$0x0] =	vst.idx.msk $0xffff, v33  }
0x145: {  	v34 =	vld [tilespmem:s18+$0xFFFFFE50];
	_ =	sdelay $0x4  }
0x146: {  	v34 =	vshll.u32 v34, $0x9  }
0x147: {  	v34 =	vor.u32 v6, v34;
	_ =	sdelay $0x4  }
0x148: {  	[tilespmem:v34+s11+$0x0] =	vst.idx.msk $0xffff, v33  }
0x149: {  	v34 =	vld [tilespmem:s18+$0xFFFFFE60];
	_ =	sdelay $0x4  }
0x14a: {  	v34 =	vshll.u32 v34, $0x9  }
0x14b: {  	v34 =	vor.u32 v7, v34;
	_ =	sdelay $0x4  }
0x14c: {  	[tilespmem:v34+s11+$0x0] =	vst.idx.msk $0xffff, v33  }
0x14d: {  	v34 =	vld [tilespmem:s18+$0xFFFFFE70];
	_ =	sdelay $0x4  }
0x14e: {  	v34 =	vshll.u32 v34, $0x9  }
0x14f: {  	v34 =	vor.u32 v8, v34;
	_ =	sdelay $0x4  }
0x150: {  	[tilespmem:v34+s11+$0x0] =	vst.idx.msk $0xffff, v33  }
0x151: {  	v34 =	vld [tilespmem:s18+$0xFFFFFE80];
	_ =	sdelay $0x4  }
0x152: {  	v34 =	vshll.u32 v34, $0x9  }
0x153: {  	v34 =	vor.u32 v9, v34;
	_ =	sdelay $0x4  }
0x154: {  	[tilespmem:v34+s11+$0x0] =	vst.idx.msk $0xffff, v33  }
0x155: {  	v34 =	vld [tilespmem:s18+$0xFFFFFE90];
	_ =	sdelay $0x4  }
0x156: {  	v34 =	vshll.u32 v34, $0x9  }
0x157: {  	v34 =	vor.u32 v10, v34;
	_ =	sdelay $0x4  }
0x158: {  	[tilespmem:v34+s11+$0x0] =	vst.idx.msk $0xffff, v33  }
0x159: {  	v34 =	vld [tilespmem:s18+$0xFFFFFEA0];
	_ =	sdelay $0x4  }
0x15a: {  	v34 =	vshll.u32 v34, $0x9  }
0x15b: {  	v34 =	vor.u32 v11, v34;
	_ =	sdelay $0x4  }
0x15c: {  	[tilespmem:v34+s11+$0x0] =	vst.idx.msk $0xffff, v33  }
0x15d: {  	v34 =	vld [tilespmem:s18+$0xFFFFFEB0];
	_ =	sdelay $0x4  }
0x15e: {  	v34 =	vshll.u32 v34, $0x9  }
0x15f: {  	v34 =	vor.u32 v12, v34;
	_ =	sdelay $0x4  }
0x160: {  	[tilespmem:v34+s11+$0x0] =	vst.idx.msk $0xffff, v33  }
0x161: {  	v34 =	vld [tilespmem:s18+$0xFFFFFEC0];
	_ =	sdelay $0x4  }
0x162: {  	v34 =	vshll.u32 v34, $0x9  }
0x163: {  	v34 =	vor.u32 v13, v34;
	_ =	sdelay $0x4  }
0x164: {  	[tilespmem:v34+s11+$0x0] =	vst.idx.msk $0xffff, v33  }
0x165: {  	v34 =	vld [tilespmem:s18+$0xFFFFFED0];
	_ =	sdelay $0x4  }
0x166: {  	v34 =	vshll.u32 v34, $0x9  }
0x167: {  	v34 =	vor.u32 v14, v34;
	_ =	sdelay $0x4  }
0x168: {  	[tilespmem:v34+s11+$0x0] =	vst.idx.msk $0xffff, v33  }
0x169: {  	v34 =	vld [tilespmem:s18+$0xFFFFFEE0];
	_ =	sdelay $0x4  }
0x16a: {  	v34 =	vshll.u32 v34, $0x9  }
0x16b: {  	v34 =	vor.u32 v15, v34;
	_ =	sdelay $0x4  }
0x16c: {  	[tilespmem:v34+s11+$0x0] =	vst.idx.msk $0xffff, v33  }
0x16d: {  	v34 =	vld [tilespmem:s18+$0xFFFFFEF0];
	_ =	sdelay $0x4  }
0x16e: {  	v34 =	vshll.u32 v34, $0x9  }
0x16f: {  	v34 =	vor.u32 v16, v34;
	_ =	sdelay $0x4  }
0x170: {  	[tilespmem:v34+s11+$0x0] =	vst.idx.msk $0xffff, v33  }
0x171: {  	v34 =	vld [tilespmem:s18+$0xFFFFFF00];
	_ =	sdelay $0x4  }
0x172: {  	v34 =	vshll.u32 v34, $0x9  }
0x173: {  	v34 =	vor.u32 v17, v34;
	_ =	sdelay $0x4  }
0x174: {  	[tilespmem:v34+s11+$0x0] =	vst.idx.msk $0xffff, v33  }
0x175: {  	v34 =	vld [tilespmem:s18+$0xFFFFFF10];
	_ =	sdelay $0x4  }
0x176: {  	v34 =	vshll.u32 v34, $0x9  }
0x177: {  	v34 =	vor.u32 v18, v34;
	_ =	sdelay $0x4  }
0x178: {  	[tilespmem:v34+s11+$0x0] =	vst.idx.msk $0xffff, v33  }
0x179: {  	v34 =	vld [tilespmem:s18+$0xFFFFFF20];
	_ =	sdelay $0x4  }
0x17a: {  	v34 =	vshll.u32 v34, $0x9  }
0x17b: {  	v34 =	vor.u32 v19, v34;
	_ =	sdelay $0x4  }
0x17c: {  	[tilespmem:v34+s11+$0x0] =	vst.idx.msk $0xffff, v33  }
0x17d: {  	v34 =	vld [tilespmem:s18+$0xFFFFFF30];
	_ =	sdelay $0x4  }
0x17e: {  	v34 =	vshll.u32 v34, $0x9  }
0x17f: {  	v34 =	vor.u32 v20, v34;
	_ =	sdelay $0x4  }
0x180: {  	[tilespmem:v34+s11+$0x0] =	vst.idx.msk $0xffff, v33  }
0x181: {  	v34 =	vld [tilespmem:s18+$0xFFFFFF40];
	_ =	sdelay $0x4  }
0x182: {  	v34 =	vshll.u32 v34, $0x9  }
0x183: {  	v34 =	vor.u32 v21, v34;
	_ =	sdelay $0x4  }
0x184: {  	[tilespmem:v34+s11+$0x0] =	vst.idx.msk $0xffff, v33  }
0x185: {  	v34 =	vld [tilespmem:s18+$0xFFFFFF50];
	_ =	sdelay $0x4  }
0x186: {  	v34 =	vshll.u32 v34, $0x9  }
0x187: {  	v34 =	vor.u32 v22, v34;
	_ =	sdelay $0x4  }
0x188: {  	[tilespmem:v34+s11+$0x0] =	vst.idx.msk $0xffff, v33  }
0x189: {  	v34 =	vld [tilespmem:s18+$0xFFFFFF60];
	_ =	sdelay $0x4  }
0x18a: {  	v34 =	vshll.u32 v34, $0x9  }
0x18b: {  	v34 =	vor.u32 v23, v34;
	_ =	sdelay $0x4  }
0x18c: {  	[tilespmem:v34+s11+$0x0] =	vst.idx.msk $0xffff, v33  }
0x18d: {  	v34 =	vld [tilespmem:s18+$0xFFFFFF70];
	_ =	sdelay $0x4  }
0x18e: {  	v34 =	vshll.u32 v34, $0x9  }
0x18f: {  	v34 =	vor.u32 v24, v34;
	_ =	sdelay $0x4  }
0x190: {  	[tilespmem:v34+s11+$0x0] =	vst.idx.msk $0xffff, v33  }
0x191: {  	v34 =	vld [tilespmem:s18+$0xFFFFFF80];
	_ =	sdelay $0x4  }
0x192: {  	v34 =	vshll.u32 v34, $0x9  }
0x193: {  	v34 =	vor.u32 v25, v34;
	_ =	sdelay $0x4  }
0x194: {  	[tilespmem:v34+s11+$0x0] =	vst.idx.msk $0xffff, v33  }
0x195: {  	v34 =	vld [tilespmem:s18+$0xFFFFFF90];
	_ =	sdelay $0x4  }
0x196: {  	v34 =	vshll.u32 v34, $0x9  }
0x197: {  	v34 =	vor.u32 v26, v34;
	_ =	sdelay $0x4  }
0x198: {  	[tilespmem:v34+s11+$0x0] =	vst.idx.msk $0xffff, v33  }
0x199: {  	v34 =	vld [tilespmem:s18+$0xFFFFFFA0];
	_ =	sdelay $0x4  }
0x19a: {  	v34 =	vshll.u32 v34, $0x9  }
0x19b: {  	v34 =	vor.u32 v27, v34;
	_ =	sdelay $0x4  }
0x19c: {  	[tilespmem:v34+s11+$0x0] =	vst.idx.msk $0xffff, v33  }
0x19d: {  	v34 =	vld [tilespmem:s18+$0xFFFFFFB0];
	_ =	sdelay $0x4  }
0x19e: {  	v34 =	vshll.u32 v34, $0x9  }
0x19f: {  	v34 =	vor.u32 v28, v34;
	_ =	sdelay $0x4  }
0x1a0: {  	[tilespmem:v34+s11+$0x0] =	vst.idx.msk $0xffff, v33  }
0x1a1: {  	v34 =	vld [tilespmem:s18+$0xFFFFFFC0];
	_ =	sdelay $0x4  }
0x1a2: {  	v34 =	vshll.u32 v34, $0x9  }
0x1a3: {  	v34 =	vor.u32 v29, v34;
	_ =	sdelay $0x4  }
0x1a4: {  	[tilespmem:v34+s11+$0x0] =	vst.idx.msk $0xffff, v33  }
0x1a5: {  	v34 =	vld [tilespmem:s18+$0xFFFFFFD0];
	_ =	sdelay $0x4  }
0x1a6: {  	v34 =	vshll.u32 v34, $0x9  }
0x1a7: {  	v34 =	vor.u32 v30, v34;
	_ =	sdelay $0x4  }
0x1a8: {  	[tilespmem:v34+s11+$0x0] =	vst.idx.msk $0xffff, v33  }
0x1a9: {  	v34 =	vld [tilespmem:s18+$0xFFFFFFE0];
	_ =	sdelay $0x4  }
0x1aa: {  	v34 =	vshll.u32 v34, $0x9  }
0x1ab: {  	v34 =	vor.u32 v31, v34;
	_ =	sdelay $0x4  }
0x1ac: {  	[tilespmem:v34+s11+$0x0] =	vst.idx.msk $0xffff, v33  }
0x1ad: {  	v34 =	vld [tilespmem:s18+$0xFFFFFFF0];
	_ =	sdelay $0x4  }
0x1ae: {  	v34 =	vshll.u32 v34, $0x9  }
0x1af: {  	v34 =	vor.u32 v32, v34;
	_ =	sdelay $0x4  }
0x1b0: {  	[tilespmem:v34+s11+$0x0] =	vst.idx.msk $0xffff, v33  }
.LBB2_8:
0x1b1: {  	s19 =	sor.u32 $0x200, s18  }
0x1b2: {  	v34 =	vld [tilespmem:s19+$0x0];
	_ =	sdelay $0x4  }
0x1b3: {  	v34 =	vshll.u32 v34, $0x9  }
0x1b4: {  	v34 =	vor.u32 v0, v34;
	_ =	sdelay $0x4  }
0x1b5: {  	[tilespmem:v34+s11+$0x0] =	vst.idx.msk $0xffff, v1  }
0x1b6: {  	v34 =	vld [tilespmem:s18+$0x210];
	_ =	sdelay $0x4  }
0x1b7: {  	v34 =	vshll.u32 v34, $0x9  }
0x1b8: {  	v34 =	vor.u32 v2, v34;
	_ =	sdelay $0x4  }
0x1b9: {  	[tilespmem:v34+s11+$0x0] =	vst.idx.msk $0xffff, v1  }
0x1ba: {  	v34 =	vld [tilespmem:s18+$0x220];
	_ =	sdelay $0x4  }
0x1bb: {  	v34 =	vshll.u32 v34, $0x9  }
0x1bc: {  	v34 =	vor.u32 v3, v34;
	_ =	sdelay $0x4  }
0x1bd: {  	[tilespmem:v34+s11+$0x0] =	vst.idx.msk $0xffff, v1  }
0x1be: {  	v34 =	vld [tilespmem:s18+$0x230];
	_ =	sdelay $0x4  }
0x1bf: {  	v34 =	vshll.u32 v34, $0x9  }
0x1c0: {  	v34 =	vor.u32 v4, v34;
	_ =	sdelay $0x4  }
0x1c1: {  	[tilespmem:v34+s11+$0x0] =	vst.idx.msk $0xffff, v1  }
0x1c2: {  	v34 =	vld [tilespmem:s18+$0x240];
	_ =	sdelay $0x4  }
0x1c3: {  	v34 =	vshll.u32 v34, $0x9  }
0x1c4: {  	v34 =	vor.u32 v5, v34;
	_ =	sdelay $0x4  }
0x1c5: {  	[tilespmem:v34+s11+$0x0] =	vst.idx.msk $0xffff, v1  }
0x1c6: {  	v34 =	vld [tilespmem:s18+$0x250];
	_ =	sdelay $0x4  }
0x1c7: {  	v34 =	vshll.u32 v34, $0x9  }
0x1c8: {  	v34 =	vor.u32 v6, v34;
	_ =	sdelay $0x4  }
0x1c9: {  	[tilespmem:v34+s11+$0x0] =	vst.idx.msk $0xffff, v1  }
0x1ca: {  	v34 =	vld [tilespmem:s18+$0x260];
	_ =	sdelay $0x4  }
0x1cb: {  	v34 =	vshll.u32 v34, $0x9  }
0x1cc: {  	v34 =	vor.u32 v7, v34;
	_ =	sdelay $0x4  }
0x1cd: {  	[tilespmem:v34+s11+$0x0] =	vst.idx.msk $0xffff, v1  }
0x1ce: {  	v34 =	vld [tilespmem:s18+$0x270];
	_ =	sdelay $0x4  }
0x1cf: {  	v34 =	vshll.u32 v34, $0x9  }
0x1d0: {  	v34 =	vor.u32 v8, v34;
	_ =	sdelay $0x4  }
0x1d1: {  	[tilespmem:v34+s11+$0x0] =	vst.idx.msk $0xffff, v1  }
0x1d2: {  	v34 =	vld [tilespmem:s18+$0x280];
	_ =	sdelay $0x4  }
0x1d3: {  	v34 =	vshll.u32 v34, $0x9  }
0x1d4: {  	v34 =	vor.u32 v9, v34;
	_ =	sdelay $0x4  }
0x1d5: {  	[tilespmem:v34+s11+$0x0] =	vst.idx.msk $0xffff, v1  }
0x1d6: {  	v34 =	vld [tilespmem:s18+$0x290];
	_ =	sdelay $0x4  }
0x1d7: {  	v34 =	vshll.u32 v34, $0x9  }
0x1d8: {  	v34 =	vor.u32 v10, v34;
	_ =	sdelay $0x4  }
0x1d9: {  	[tilespmem:v34+s11+$0x0] =	vst.idx.msk $0xffff, v1  }
0x1da: {  	v34 =	vld [tilespmem:s18+$0x2A0];
	_ =	sdelay $0x4  }
0x1db: {  	v34 =	vshll.u32 v34, $0x9  }
0x1dc: {  	v34 =	vor.u32 v11, v34;
	_ =	sdelay $0x4  }
0x1dd: {  	[tilespmem:v34+s11+$0x0] =	vst.idx.msk $0xffff, v1  }
0x1de: {  	v34 =	vld [tilespmem:s18+$0x2B0];
	_ =	sdelay $0x4  }
0x1df: {  	v34 =	vshll.u32 v34, $0x9  }
0x1e0: {  	v34 =	vor.u32 v12, v34;
	_ =	sdelay $0x4  }
0x1e1: {  	[tilespmem:v34+s11+$0x0] =	vst.idx.msk $0xffff, v1  }
0x1e2: {  	v34 =	vld [tilespmem:s18+$0x2C0];
	_ =	sdelay $0x4  }
0x1e3: {  	v34 =	vshll.u32 v34, $0x9  }
0x1e4: {  	v34 =	vor.u32 v13, v34;
	_ =	sdelay $0x4  }
0x1e5: {  	[tilespmem:v34+s11+$0x0] =	vst.idx.msk $0xffff, v1  }
0x1e6: {  	v34 =	vld [tilespmem:s18+$0x2D0];
	_ =	sdelay $0x4  }
0x1e7: {  	v34 =	vshll.u32 v34, $0x9  }
0x1e8: {  	v34 =	vor.u32 v14, v34;
	_ =	sdelay $0x4  }
0x1e9: {  	[tilespmem:v34+s11+$0x0] =	vst.idx.msk $0xffff, v1  }
0x1ea: {  	v34 =	vld [tilespmem:s18+$0x2E0];
	_ =	sdelay $0x4  }
0x1eb: {  	v34 =	vshll.u32 v34, $0x9  }
0x1ec: {  	v34 =	vor.u32 v15, v34;
	_ =	sdelay $0x4  }
0x1ed: {  	[tilespmem:v34+s11+$0x0] =	vst.idx.msk $0xffff, v1  }
0x1ee: {  	v34 =	vld [tilespmem:s18+$0x2F0];
	_ =	sdelay $0x4  }
0x1ef: {  	v34 =	vshll.u32 v34, $0x9  }
0x1f0: {  	v34 =	vor.u32 v16, v34;
	_ =	sdelay $0x4  }
0x1f1: {  	[tilespmem:v34+s11+$0x0] =	vst.idx.msk $0xffff, v1  }
0x1f2: {  	v34 =	vld [tilespmem:s18+$0x300];
	_ =	sdelay $0x4  }
0x1f3: {  	v34 =	vshll.u32 v34, $0x9  }
0x1f4: {  	v34 =	vor.u32 v17, v34;
	_ =	sdelay $0x4  }
0x1f5: {  	[tilespmem:v34+s11+$0x0] =	vst.idx.msk $0xffff, v1  }
0x1f6: {  	v34 =	vld [tilespmem:s18+$0x310];
	_ =	sdelay $0x4  }
0x1f7: {  	v34 =	vshll.u32 v34, $0x9  }
0x1f8: {  	v34 =	vor.u32 v18, v34;
	_ =	sdelay $0x4  }
0x1f9: {  	[tilespmem:v34+s11+$0x0] =	vst.idx.msk $0xffff, v1  }
0x1fa: {  	v34 =	vld [tilespmem:s18+$0x320];
	_ =	sdelay $0x4  }
0x1fb: {  	v34 =	vshll.u32 v34, $0x9  }
0x1fc: {  	v34 =	vor.u32 v19, v34;
	_ =	sdelay $0x4  }
0x1fd: {  	[tilespmem:v34+s11+$0x0] =	vst.idx.msk $0xffff, v1  }
0x1fe: {  	v34 =	vld [tilespmem:s18+$0x330];
	_ =	sdelay $0x4  }
0x1ff: {  	v34 =	vshll.u32 v34, $0x9  }
0x200: {  	v34 =	vor.u32 v20, v34;
	_ =	sdelay $0x4  }
0x201: {  	[tilespmem:v34+s11+$0x0] =	vst.idx.msk $0xffff, v1  }
0x202: {  	v34 =	vld [tilespmem:s18+$0x340];
	_ =	sdelay $0x4  }
0x203: {  	v34 =	vshll.u32 v34, $0x9  }
0x204: {  	v34 =	vor.u32 v21, v34;
	_ =	sdelay $0x4  }
0x205: {  	[tilespmem:v34+s11+$0x0] =	vst.idx.msk $0xffff, v1  }
0x206: {  	v34 =	vld [tilespmem:s18+$0x350];
	_ =	sdelay $0x4  }
0x207: {  	v34 =	vshll.u32 v34, $0x9  }
0x208: {  	v34 =	vor.u32 v22, v34;
	_ =	sdelay $0x4  }
0x209: {  	[tilespmem:v34+s11+$0x0] =	vst.idx.msk $0xffff, v1  }
0x20a: {  	v34 =	vld [tilespmem:s18+$0x360];
	_ =	sdelay $0x4  }
0x20b: {  	v34 =	vshll.u32 v34, $0x9  }
0x20c: {  	v34 =	vor.u32 v23, v34;
	_ =	sdelay $0x4  }
0x20d: {  	[tilespmem:v34+s11+$0x0] =	vst.idx.msk $0xffff, v1  }
0x20e: {  	v34 =	vld [tilespmem:s18+$0x370];
	_ =	sdelay $0x4  }
0x20f: {  	v34 =	vshll.u32 v34, $0x9  }
0x210: {  	v34 =	vor.u32 v24, v34;
	_ =	sdelay $0x4  }
0x211: {  	[tilespmem:v34+s11+$0x0] =	vst.idx.msk $0xffff, v1  }
0x212: {  	v34 =	vld [tilespmem:s18+$0x380];
	_ =	sdelay $0x4  }
0x213: {  	v34 =	vshll.u32 v34, $0x9  }
0x214: {  	v34 =	vor.u32 v25, v34;
	_ =	sdelay $0x4  }
0x215: {  	[tilespmem:v34+s11+$0x0] =	vst.idx.msk $0xffff, v1  }
0x216: {  	v34 =	vld [tilespmem:s18+$0x390];
	_ =	sdelay $0x4  }
0x217: {  	v34 =	vshll.u32 v34, $0x9  }
0x218: {  	v34 =	vor.u32 v26, v34;
	_ =	sdelay $0x4  }
0x219: {  	[tilespmem:v34+s11+$0x0] =	vst.idx.msk $0xffff, v1  }
0x21a: {  	v34 =	vld [tilespmem:s18+$0x3A0];
	_ =	sdelay $0x4  }
0x21b: {  	v34 =	vshll.u32 v34, $0x9  }
0x21c: {  	v34 =	vor.u32 v27, v34;
	_ =	sdelay $0x4  }
0x21d: {  	[tilespmem:v34+s11+$0x0] =	vst.idx.msk $0xffff, v1  }
0x21e: {  	v34 =	vld [tilespmem:s18+$0x3B0];
	_ =	sdelay $0x4  }
0x21f: {  	v34 =	vshll.u32 v34, $0x9  }
0x220: {  	v34 =	vor.u32 v28, v34;
	_ =	sdelay $0x4  }
0x221: {  	[tilespmem:v34+s11+$0x0] =	vst.idx.msk $0xffff, v1  }
0x222: {  	v34 =	vld [tilespmem:s18+$0x3C0];
	_ =	sdelay $0x4  }
0x223: {  	v34 =	vshll.u32 v34, $0x9  }
0x224: {  	v34 =	vor.u32 v29, v34;
	_ =	sdelay $0x4  }
0x225: {  	[tilespmem:v34+s11+$0x0] =	vst.idx.msk $0xffff, v1  }
0x226: {  	v34 =	vld [tilespmem:s18+$0x3D0];
	_ =	sdelay $0x4  }
0x227: {  	v34 =	vshll.u32 v34, $0x9  }
0x228: {  	v34 =	vor.u32 v30, v34;
	_ =	sdelay $0x4  }
0x229: {  	[tilespmem:v34+s11+$0x0] =	vst.idx.msk $0xffff, v1  }
0x22a: {  	v34 =	vld [tilespmem:s18+$0x3E0];
	_ =	sdelay $0x4  }
0x22b: {  	v34 =	vshll.u32 v34, $0x9  }
0x22c: {  	v34 =	vor.u32 v31, v34;
	_ =	sdelay $0x4  }
0x22d: {  	[tilespmem:v34+s11+$0x0] =	vst.idx.msk $0xffff, v1  }
0x22e: {  	v34 =	vld [tilespmem:s18+$0x3F0];
	_ =	sdelay $0x4  }
0x22f: {  	v34 =	vshll.u32 v34, $0x9  }
0x230: {  	v34 =	vor.u32 v32, v34;
	_ =	sdelay $0x4  }
0x231: {  	s31 =	simm.s32 $0x12C00;
	s18 =	sadd.s32 s8, s19;
	s19 =	simm.s32 $0x800;
	[tilespmem:v34+s11+$0x0] =	vst.idx.msk $0xffff, v1  }
0x232: {  	[hbm4b:s18+s12] =	stream.strided.scatter [tilespmem:s31], [sflag:$0x2], $0x200, s13, s12, $0x38;
	[tilespmem:$0x1F400] =	vst v63  }
.LBB2_9:
0x233: {  	p0 =	sne.s32 s19, $0x31800  }
.Ltmp3:
0x234: {  	_ = 	snop;
	(pc) =	sbr.rel @p0 .LBB2_9-.Ltmp3, $4  }
0x235: {  	_ = 	snop  }
0x236: {  	s20 =	sshra.s32 s19, $0x2;
	s19 =	sadd.s32 $0x800, s19  }
0x237: {  	s18 =	sadd.s32 $0x19000, s18;
	s20 =	sadd.s32 $0x12C00, s20  }
0x238: {  	[hbm4b:s18+s12] =	stream.strided.scatter [tilespmem:s20], [sflag:$0x2], $0x200, s13, s12, $0x38;
	[tilespmem:$0x1F400] =	vst v63  }
0x239: {  	s17 =	sadd.s32 $0x1, s17  }
0x23a: {  	p0 =	sne.s32 s17, $0x19  }
.Ltmp4:
0x23b: {  	_ = 	snop;
	(pc) =	sbr.rel @p0 .LBB2_2-.Ltmp4, $1  }
0x23c: {  	_ =	sdelay $0x3  }
0x23d: {  	s16 =	sadd.s32 $0x1, s16  }
0x23e: {  	_ =	swait.ge [sflag:s14], $0xC800;
	p0 =	sne.s32 s16, s7  }
.Ltmp5:
0x23f: {  	[sflag:s14] =	ssyncset.done $0x0;
	(pc) =	sbr.rel @p0 .LBB2_1-.Ltmp5, $4  }
0x240: {  	[sflag:s14] =	ssyncadd.s32 $0xFFFF3800  }
0x241: {  	_ =	swait.ge [sflag:s15], $0xC800  }
0x242: {  	[sflag:s15] =	ssyncset.done $0x0  }
0x243: {  	[sflag:s15] =	ssyncadd.s32 $0xFFFF3800  }
0x244: {  	_ =	sfence.sel $0x180000  }
0x245: {  	[bflag:$0x0] =	sbarrier.arrive $0xFFFF  }
0x246: {  	p0 =	sne.s32 s2, $0x0;
	_ =	strace $0x90000047  }
0x247: {  	s0 =	sadd.s32 @!p0 $0x100000, s0;
	[bflag:$0x2] =	sbarrier.arrive $0xFFFF  }
0x248: {  	[sflag:s0] =	ssyncadd.tile.s32 @!p0 $0x1;
	_ =	shalt  }
.Lfunc_end2:
_tile_overlayer_lowered:
.L_overlay_start_2:
0x249: {  	(tag) =	ssettag $0x2  }
0x24a: {  	s0 =	rddreg [dreg:$0x0];
	s2 =	stileid.u32  }
0x24b: {  	s1 =	rddreg [dreg:$0x1];
	p0 =	sne.s32 s2, $0x0  }
0x24c: {  	s3 =	rddreg [dreg:$0x2];
	[bflag:$0x3] =	sbarrier.arrive $0xFFFF;
	s2 =	simm.s32 @!p0 $0x1C03  }
0x24d: {  	[timem:s3], [sflag:s2] =	dma.local @!p0 [hbm:s0], s1  }
0x24e: {  	s0 =	simm.s32 @!p0 $0x3  }
0x24f: {  	_ =	swait.ge @!p0 [sflag:s0], s1  }
0x250: {  	s1 =	ssub.s32 @!p0 $0x0, s1;
	[sflag:s0] =	ssyncset.done @!p0 $0x0  }
0x251: {  	[sflag:s0] =	ssyncadd.s32 @!p0 s1  }
0x252: {  	[bflag:$0x3] =	sbarrier.arrive $0xFFFF  }
0x253: {  	_ =	shalt  }

</sc_bundles>
